<compile_context>
chip_gen: v7x
topology: tpu7x:2x2x1
jax: 0.10.2.dev20260603
libtpu: 0.0.44.dev20260713+nightly
codegen_flags: <defaults>
</compile_context>

<pallas_src>
import functools

import jax
import jax.numpy as jnp
from jax import lax
from jax.experimental import pallas as pl
from jax.experimental.pallas import tpu as pltpu
from jax.experimental.pallas import tpu_sc as plsc

S = 32768
E = 16
B = 32
STEP = 256
L = 16
CHUNK = 2048
UNROLL = 8
ACC = S + CHUNK - STEP


def _worker(x_hbm, idx_hbm, out_hbm, idx_v, acc, buf_a, buf_b, sem_a, sem_b):
    c = lax.axis_index("c")
    s = lax.axis_index("s")
    b = s * 2 + c

    pltpu.sync_copy(idx_hbm.at[b], idx_v)
    vec = idx_v[...]

    zeros = jnp.zeros((L,), jnp.float32)

    bufs = (buf_a, buf_b)
    sems = (sem_a, sem_b)
    starts = [vec[i] * STEP for i in range(E)]
    nblocks = [(S - starts[i] + CHUNK - 1) // CHUNK for i in range(E)]

    def stage(i, is_start):
        if i == 0:
            dst = lambda k: acc.at[pl.ds(starts[0] + k * CHUNK, CHUNK)]
        else:
            buf = bufs[i % 2]
            dst = lambda k: buf.at[pl.ds(k * CHUNK, CHUNK)]
        sem = sems[i % 2]

        def body(k, carry):
            copy = pltpu.make_async_copy(
                x_hbm.at[b, i, pl.ds(k * CHUNK, CHUNK)],
                dst(k),
                sem,
            )
            if is_start:
                copy.start()
            else:
                copy.wait()
            return carry

        lax.fori_loop(0, nblocks[i], body, None)

    stage(0, True)
    st0 = starts[0]

    def zero_block(k, carry):
        base = k * STEP

        @plsc.parallel_loop(0, STEP, step=L, unroll=UNROLL)
        def _zero(j):
            acc[pl.ds(base + j, L)] = zeros

        return carry

    lax.fori_loop(0, st0 // STEP, zero_block, None)

    for i in range(E):
        if i + 1 < E:
            stage(i + 1, True)
        if i == 0:
            stage(i, False)
            continue
        st = starts[i]
        cur = bufs[i % 2]
        sem = sems[i % 2]

        def wait_add_block(k, carry):
            base = k * CHUNK
            pltpu.make_async_copy(
                x_hbm.at[b, i, pl.ds(base, CHUNK)],
                cur.at[pl.ds(base, CHUNK)],
                sem,
            ).wait()

            @plsc.parallel_loop(0, CHUNK, step=L, unroll=UNROLL)
            def _add(j):
                plsc.addupdate(acc.at[pl.ds(st + base + j, L)],
                               cur[pl.ds(base + j, L)])

            return carry

        lax.fori_loop(0, nblocks[i], wait_add_block, None)

    pltpu.sync_copy(acc.at[pl.ds(0, S)], out_hbm.at[b, 0])


_mesh = plsc.VectorSubcoreMesh(core_axis_name="c", subcore_axis_name="s")

_summarize = functools.partial(
    pl.kernel,
    mesh=_mesh,
    out_type=jax.ShapeDtypeStruct((B, 1, S), jnp.float32),
    scratch_types=[
        pltpu.VMEM((E,), jnp.int32),
        pltpu.VMEM((ACC,), jnp.float32),
        pltpu.VMEM((S,), jnp.float32),
        pltpu.VMEM((S,), jnp.float32),
        pltpu.SemaphoreType.DMA,
        pltpu.SemaphoreType.DMA,
    ],
)(_worker)


def kernel(x, indices):
    return _summarize(x, indices.astype(jnp.int32))

# --- scband reference (transcript-rebuilt; emitter-appended) ---
"""Pipeline reference for scband-summarizer-33157147525623 (READ-ONLY COPY).

The authoritative reference and input builder live on the scoring server;
editing this copy changes nothing except your own understanding.
"""

import jax, jax.numpy as jnp
import numpy as np

N_SAMPLES = 32768
N_EVENTS = 16
BATCH = 32
STEP = 256


def setup_inputs(seed: int = 0) -> dict:
    key = jax.random.key(seed)
    k1, k2 = jax.random.split(key)
    x = jax.random.normal(k1, (BATCH, N_EVENTS, N_SAMPLES), dtype=jnp.float32)
    indices = jax.random.randint(k2, (BATCH, N_EVENTS), 0, 128, dtype=jnp.int32)
    return {"x": x, "indices": indices}


def reference(x, indices):
    # Core scatter_memory op from Summarizer.forward:
    #   output = zeros(batch, 1, n_samples*2)
    #   for b in range(batch):
    #     for i in range(n_events):
    #       start = indices[b, i] * 256
    #       output[b, :, start:start+n_samples] += x[b, i]
    #   output = output[..., :n_samples]
    B, E, S = x.shape
    starts = indices.astype(jnp.int32) * STEP  # [B, E]
    pos = starts[:, :, None] + jnp.arange(S, dtype=jnp.int32)[None, None, :]  # [B, E, S]
    b_idx = jnp.arange(B, dtype=jnp.int32)[:, None, None]  # [B, 1, 1]
    out = jnp.zeros((B, 2 * S), dtype=x.dtype)
    out = out.at[b_idx, pos].add(x)  # scatter-add overlapping event segments
    out = out[:, :S]
    return out[:, None, :]  # [B, 1, n_samples]

if __name__ == "__main__":
    import jax
    _d = setup_inputs()
    print(jax.jit(kernel)(*tuple(_d.values())))

</pallas_src>

<mosaic_0001>
#map = affine_map<(d0, d1) -> (0, 0, 0)>
#map1 = affine_map<(d0, d1) -> (0, 0)>
module attributes {stable_mosaic.version = 14 : i64} {
  func.func @_worker(%arg0: i32, %arg1: i32, %arg2: memref<32x16x32768xf32, #tpu.memory_space<hbm>>, %arg3: memref<32x16xi32, #tpu.memory_space<hbm>>, %arg4: memref<32x1x32768xf32, #tpu.memory_space<hbm>>, %arg5: memref<16xi32, #tpu.memory_space<vmem>>, %arg6: memref<34560xf32, #tpu.memory_space<vmem>>, %arg7: memref<32768xf32, #tpu.memory_space<vmem>>, %arg8: memref<32768xf32, #tpu.memory_space<vmem>>, %arg9: memref<!tpu.dma_semaphore, #tpu.memory_space<semaphore_mem>>, %arg10: memref<!tpu.dma_semaphore, #tpu.memory_space<semaphore_mem>>) attributes {dimension_semantics = [#tpu.dimension_semantics<core_parallel>, #tpu.dimension_semantics<subcore_parallel>], iteration_bounds = array<i64: 2, 16>, scalar_prefetch = 0 : i64, scratch_operands = 6 : i64, tpu.core_type = #tpu.core_type<sc_vector_subcore>, window_params = [{transform_indices = #map}, {transform_indices = #map1}, {transform_indices = #map}]} {
    %mul3A = arith.constant 2 : i32
    %mul3A_0 = arith.muli %arg1, %mul3A : i32
    %add3A = arith.addi %mul3A_0, %arg0 : i32
    "tpu.region"() ({
      %run_scoped3A_858 = tpu.sem_alloc : memref<!tpu.dma_semaphore, #tpu.memory_space<semaphore_mem>>
      %dma_start3A = arith.constant 0 : i32
      %dma_start3A_859 = tpu.memref_slice %arg3[%add3A, %dma_start3A] : memref<32x16xi32, #tpu.memory_space<hbm>> -> memref<1x16xi32, #tpu.memory_space<hbm>>
      %dma_start3A_860 = tpu.memref_squeeze %dma_start3A_859 : memref<1x16xi32, #tpu.memory_space<hbm>> -> memref<16xi32, #tpu.memory_space<hbm>>
      %dma_start3A_861 = arith.constant 0 : i32
      %dma_start3A_862 = tpu.memref_slice %arg3[%add3A, %dma_start3A_861] : memref<32x16xi32, #tpu.memory_space<hbm>> -> memref<1x16xi32, #tpu.memory_space<hbm>>
      %dma_start3A_863 = tpu.memref_squeeze %dma_start3A_862 : memref<1x16xi32, #tpu.memory_space<hbm>> -> memref<16xi32, #tpu.memory_space<hbm>>
      tpu.enqueue_dma source(%dma_start3A_863 : memref<16xi32, #tpu.memory_space<hbm>>) target(%arg5 : memref<16xi32, #tpu.memory_space<vmem>>) target_semaphore(%run_scoped3A_858 : memref<!tpu.dma_semaphore, #tpu.memory_space<semaphore_mem>>)
      %dma_wait3A = arith.constant 0 : i32
      %dma_wait3A_864 = tpu.memref_slice %arg3[%add3A, %dma_wait3A] : memref<32x16xi32, #tpu.memory_space<hbm>> -> memref<1x16xi32, #tpu.memory_space<hbm>>
      %dma_wait3A_865 = tpu.memref_squeeze %dma_wait3A_864 : memref<1x16xi32, #tpu.memory_space<hbm>> -> memref<16xi32, #tpu.memory_space<hbm>>
      %dma_wait3A_866 = arith.constant 0 : i32
      %dma_wait3A_867 = tpu.memref_slice %arg3[%add3A, %dma_wait3A_866] : memref<32x16xi32, #tpu.memory_space<hbm>> -> memref<1x16xi32, #tpu.memory_space<hbm>>
      %dma_wait3A_868 = tpu.memref_squeeze %dma_wait3A_867 : memref<1x16xi32, #tpu.memory_space<hbm>> -> memref<16xi32, #tpu.memory_space<hbm>>
      tpu.wait_dma2 semaphore(%run_scoped3A_858 : memref<!tpu.dma_semaphore, #tpu.memory_space<semaphore_mem>>) src(%dma_wait3A_868 : memref<16xi32, #tpu.memory_space<hbm>>) dst(%arg5 : memref<16xi32, #tpu.memory_space<vmem>>)
      tpu.yield
    }) : () -> ()
    %get3A = arith.constant 0 : index
    %get3A_1 = tpu.vector_load %arg5[%get3A] {strides = array<i32>} : memref<16xi32, #tpu.memory_space<vmem>>, vector<16xi32>,
    %get3A_2 = vector.shape_cast %get3A_1 : vector<16xi32> to vector<16xi32>
    %broadcast_in_dim3A = arith.constant 0.000000e+00 : f32
    %broadcast_in_dim3A_3 = vector.broadcast %broadcast_in_dim3A : f32 to vector<16xf32>
    %slice3A = vector.extract_strided_slice %get3A_2 {offsets = [0], sizes = [1], strides = [1]} : vector<16xi32> to vector<1xi32>
    %squeeze3A = vector.extract %slice3A[0] : i32 from vector<1xi32>
    %mul3A_4 = arith.constant 256 : i32
    %mul3A_5 = arith.muli %squeeze3A, %mul3A_4 : i32
    %slice3A_6 = vector.extract_strided_slice %get3A_2 {offsets = [1], sizes = [1], strides = [1]} : vector<16xi32> to vector<1xi32>
    %squeeze3A_7 = vector.extract %slice3A_6[0] : i32 from vector<1xi32>
    %mul3A_8 = arith.constant 256 : i32
    %mul3A_9 = arith.muli %squeeze3A_7, %mul3A_8 : i32
    %slice3A_10 = vector.extract_strided_slice %get3A_2 {offsets = [2], sizes = [1], strides = [1]} : vector<16xi32> to vector<1xi32>
    %squeeze3A_11 = vector.extract %slice3A_10[0] : i32 from vector<1xi32>
    %mul3A_12 = arith.constant 256 : i32
    %mul3A_13 = arith.muli %squeeze3A_11, %mul3A_12 : i32
    %slice3A_14 = vector.extract_strided_slice %get3A_2 {offsets = [3], sizes = [1], strides = [1]} : vector<16xi32> to vector<1xi32>
    %squeeze3A_15 = vector.extract %slice3A_14[0] : i32 from vector<1xi32>
    %mul3A_16 = arith.constant 256 : i32
    %mul3A_17 = arith.muli %squeeze3A_15, %mul3A_16 : i32
    %slice3A_18 = vector.extract_strided_slice %get3A_2 {offsets = [4], sizes = [1], strides = [1]} : vector<16xi32> to vector<1xi32>
    %squeeze3A_19 = vector.extract %slice3A_18[0] : i32 from vector<1xi32>
    %mul3A_20 = arith.constant 256 : i32
    %mul3A_21 = arith.muli %squeeze3A_19, %mul3A_20 : i32
    %slice3A_22 = vector.extract_strided_slice %get3A_2 {offsets = [5], sizes = [1], strides = [1]} : vector<16xi32> to vector<1xi32>
    %squeeze3A_23 = vector.extract %slice3A_22[0] : i32 from vector<1xi32>
    %mul3A_24 = arith.constant 256 : i32
    %mul3A_25 = arith.muli %squeeze3A_23, %mul3A_24 : i32
    %slice3A_26 = vector.extract_strided_slice %get3A_2 {offsets = [6], sizes = [1], strides = [1]} : vector<16xi32> to vector<1xi32>
    %squeeze3A_27 = vector.extract %slice3A_26[0] : i32 from vector<1xi32>
    %mul3A_28 = arith.constant 256 : i32
    %mul3A_29 = arith.muli %squeeze3A_27, %mul3A_28 : i32
    %slice3A_30 = vector.extract_strided_slice %get3A_2 {offsets = [7], sizes = [1], strides = [1]} : vector<16xi32> to vector<1xi32>
    %squeeze3A_31 = vector.extract %slice3A_30[0] : i32 from vector<1xi32>
    %mul3A_32 = arith.constant 256 : i32
    %mul3A_33 = arith.muli %squeeze3A_31, %mul3A_32 : i32
    %slice3A_34 = vector.extract_strided_slice %get3A_2 {offsets = [8], sizes = [1], strides = [1]} : vector<16xi32> to vector<1xi32>
    %squeeze3A_35 = vector.extract %slice3A_34[0] : i32 from vector<1xi32>
    %mul3A_36 = arith.constant 256 : i32
    %mul3A_37 = arith.muli %squeeze3A_35, %mul3A_36 : i32
    %slice3A_38 = vector.extract_strided_slice %get3A_2 {offsets = [9], sizes = [1], strides = [1]} : vector<16xi32> to vector<1xi32>
    %squeeze3A_39 = vector.extract %slice3A_38[0] : i32 from vector<1xi32>
    %mul3A_40 = arith.constant 256 : i32
    %mul3A_41 = arith.muli %squeeze3A_39, %mul3A_40 : i32
    %slice3A_42 = vector.extract_strided_slice %get3A_2 {offsets = [10], sizes = [1], strides = [1]} : vector<16xi32> to vector<1xi32>
    %squeeze3A_43 = vector.extract %slice3A_42[0] : i32 from vector<1xi32>
    %mul3A_44 = arith.constant 256 : i32
    %mul3A_45 = arith.muli %squeeze3A_43, %mul3A_44 : i32
    %slice3A_46 = vector.extract_strided_slice %get3A_2 {offsets = [11], sizes = [1], strides = [1]} : vector<16xi32> to vector<1xi32>
    %squeeze3A_47 = vector.extract %slice3A_46[0] : i32 from vector<1xi32>
    %mul3A_48 = arith.constant 256 : i32
    %mul3A_49 = arith.muli %squeeze3A_47, %mul3A_48 : i32
    %slice3A_50 = vector.extract_strided_slice %get3A_2 {offsets = [12], sizes = [1], strides = [1]} : vector<16xi32> to vector<1xi32>
    %squeeze3A_51 = vector.extract %slice3A_50[0] : i32 from vector<1xi32>
    %mul3A_52 = arith.constant 256 : i32
    %mul3A_53 = arith.muli %squeeze3A_51, %mul3A_52 : i32
    %slice3A_54 = vector.extract_strided_slice %get3A_2 {offsets = [13], sizes = [1], strides = [1]} : vector<16xi32> to vector<1xi32>
    %squeeze3A_55 = vector.extract %slice3A_54[0] : i32 from vector<1xi32>
    %mul3A_56 = arith.constant 256 : i32
    %mul3A_57 = arith.muli %squeeze3A_55, %mul3A_56 : i32
    %slice3A_58 = vector.extract_strided_slice %get3A_2 {offsets = [14], sizes = [1], strides = [1]} : vector<16xi32> to vector<1xi32>
    %squeeze3A_59 = vector.extract %slice3A_58[0] : i32 from vector<1xi32>
    %mul3A_60 = arith.constant 256 : i32
    %mul3A_61 = arith.muli %squeeze3A_59, %mul3A_60 : i32
    %slice3A_62 = vector.extract_strided_slice %get3A_2 {offsets = [15], sizes = [1], strides = [1]} : vector<16xi32> to vector<1xi32>
    %squeeze3A_63 = vector.extract %slice3A_62[0] : i32 from vector<1xi32>
    %mul3A_64 = arith.constant 256 : i32
    %mul3A_65 = arith.muli %squeeze3A_63, %mul3A_64 : i32
    %sub3A = arith.constant 32768 : i32
    %sub3A_66 = arith.subi %sub3A, %mul3A_5 : i32
    %add3A_67 = arith.constant 2048 : i32
    %add3A_68 = arith.addi %sub3A_66, %add3A_67 : i32
    %sub3A_69 = arith.constant 1 : i32
    %sub3A_70 = arith.subi %add3A_68, %sub3A_69 : i32
    %jit3A = arith.constant 2048 : i32
    %div3A = arith.divsi %sub3A_70, %jit3A : i32
    %sign3A = arith.constant 0 : i32
    %sign3A_71 = arith.cmpi sgt, %sub3A_70, %sign3A : i32
    %sign3A_72 = arith.extui %sign3A_71 : i1 to i32
    %sign3A_73 = arith.constant 0 : i32
    %sign3A_74 = arith.cmpi slt, %sub3A_70, %sign3A_73 : i32
    %sign3A_75 = arith.extui %sign3A_74 : i1 to i32
    %sign3A_76 = arith.subi %sign3A_72, %sign3A_75 : i32
    %sign3A_77 = arith.constant 0 : i32
    %sign3A_78 = arith.cmpi sgt, %jit3A, %sign3A_77 : i32
    %sign3A_79 = arith.extui %sign3A_78 : i1 to i32
    %sign3A_80 = arith.constant 0 : i32
    %sign3A_81 = arith.cmpi slt, %jit3A, %sign3A_80 : i32
    %sign3A_82 = arith.extui %sign3A_81 : i1 to i32
    %sign3A_83 = arith.subi %sign3A_79, %sign3A_82 : i32
    %ne3A = arith.cmpi ne, %sign3A_76, %sign3A_83 : i32
    %rem3A = arith.remsi %sub3A_70, %jit3A : i32
    %ne3A_84 = arith.constant 0 : i32
    %ne3A_85 = arith.cmpi ne, %rem3A, %ne3A_84 : i32
    %and3A = arith.andi %ne3A, %ne3A_85 : i1
    %sub3A_86 = arith.constant 1 : i32
    %sub3A_87 = arith.subi %div3A, %sub3A_86 : i32
    %select_n3A = arith.select %and3A, %sub3A_87, %div3A : i32
    %sub3A_88 = arith.constant 32768 : i32
    %sub3A_89 = arith.subi %sub3A_88, %mul3A_9 : i32
    %add3A_90 = arith.constant 2048 : i32
    %add3A_91 = arith.addi %sub3A_89, %add3A_90 : i32
    %sub3A_92 = arith.constant 1 : i32
    %sub3A_93 = arith.subi %add3A_91, %sub3A_92 : i32
    %jit3A_94 = arith.constant 2048 : i32
    %div3A_95 = arith.divsi %sub3A_93, %jit3A_94 : i32
    %sign3A_96 = arith.constant 0 : i32
    %sign3A_97 = arith.cmpi sgt, %sub3A_93, %sign3A_96 : i32
    %sign3A_98 = arith.extui %sign3A_97 : i1 to i32
    %sign3A_99 = arith.constant 0 : i32
    %sign3A_100 = arith.cmpi slt, %sub3A_93, %sign3A_99 : i32
    %sign3A_101 = arith.extui %sign3A_100 : i1 to i32
    %sign3A_102 = arith.subi %sign3A_98, %sign3A_101 : i32
    %sign3A_103 = arith.constant 0 : i32
    %sign3A_104 = arith.cmpi sgt, %jit3A_94, %sign3A_103 : i32
    %sign3A_105 = arith.extui %sign3A_104 : i1 to i32
    %sign3A_106 = arith.constant 0 : i32
    %sign3A_107 = arith.cmpi slt, %jit3A_94, %sign3A_106 : i32
    %sign3A_108 = arith.extui %sign3A_107 : i1 to i32
    %sign3A_109 = arith.subi %sign3A_105, %sign3A_108 : i32
    %ne3A_110 = arith.cmpi ne, %sign3A_102, %sign3A_109 : i32
    %rem3A_111 = arith.remsi %sub3A_93, %jit3A_94 : i32
    %ne3A_112 = arith.constant 0 : i32
    %ne3A_113 = arith.cmpi ne, %rem3A_111, %ne3A_112 : i32
    %and3A_114 = arith.andi %ne3A_110, %ne3A_113 : i1
    %sub3A_115 = arith.constant 1 : i32
    %sub3A_116 = arith.subi %div3A_95, %sub3A_115 : i32
    %select_n3A_117 = arith.select %and3A_114, %sub3A_116, %div3A_95 : i32
    %sub3A_118 = arith.constant 32768 : i32
    %sub3A_119 = arith.subi %sub3A_118, %mul3A_13 : i32
    %add3A_120 = arith.constant 2048 : i32
    %add3A_121 = arith.addi %sub3A_119, %add3A_120 : i32
    %sub3A_122 = arith.constant 1 : i32
    %sub3A_123 = arith.subi %add3A_121, %sub3A_122 : i32
    %jit3A_124 = arith.constant 2048 : i32
    %div3A_125 = arith.divsi %sub3A_123, %jit3A_124 : i32
    %sign3A_126 = arith.constant 0 : i32
    %sign3A_127 = arith.cmpi sgt, %sub3A_123, %sign3A_126 : i32
    %sign3A_128 = arith.extui %sign3A_127 : i1 to i32
    %sign3A_129 = arith.constant 0 : i32
    %sign3A_130 = arith.cmpi slt, %sub3A_123, %sign3A_129 : i32
    %sign3A_131 = arith.extui %sign3A_130 : i1 to i32
    %sign3A_132 = arith.subi %sign3A_128, %sign3A_131 : i32
    %sign3A_133 = arith.constant 0 : i32
    %sign3A_134 = arith.cmpi sgt, %jit3A_124, %sign3A_133 : i32
    %sign3A_135 = arith.extui %sign3A_134 : i1 to i32
    %sign3A_136 = arith.constant 0 : i32
    %sign3A_137 = arith.cmpi slt, %jit3A_124, %sign3A_136 : i32
    %sign3A_138 = arith.extui %sign3A_137 : i1 to i32
    %sign3A_139 = arith.subi %sign3A_135, %sign3A_138 : i32
    %ne3A_140 = arith.cmpi ne, %sign3A_132, %sign3A_139 : i32
    %rem3A_141 = arith.remsi %sub3A_123, %jit3A_124 : i32
    %ne3A_142 = arith.constant 0 : i32
    %ne3A_143 = arith.cmpi ne, %rem3A_141, %ne3A_142 : i32
    %and3A_144 = arith.andi %ne3A_140, %ne3A_143 : i1
    %sub3A_145 = arith.constant 1 : i32
    %sub3A_146 = arith.subi %div3A_125, %sub3A_145 : i32
    %select_n3A_147 = arith.select %and3A_144, %sub3A_146, %div3A_125 : i32
    %sub3A_148 = arith.constant 32768 : i32
    %sub3A_149 = arith.subi %sub3A_148, %mul3A_17 : i32
    %add3A_150 = arith.constant 2048 : i32
    %add3A_151 = arith.addi %sub3A_149, %add3A_150 : i32
    %sub3A_152 = arith.constant 1 : i32
    %sub3A_153 = arith.subi %add3A_151, %sub3A_152 : i32
    %jit3A_154 = arith.constant 2048 : i32
    %div3A_155 = arith.divsi %sub3A_153, %jit3A_154 : i32
    %sign3A_156 = arith.constant 0 : i32
    %sign3A_157 = arith.cmpi sgt, %sub3A_153, %sign3A_156 : i32
    %sign3A_158 = arith.extui %sign3A_157 : i1 to i32
    %sign3A_159 = arith.constant 0 : i32
    %sign3A_160 = arith.cmpi slt, %sub3A_153, %sign3A_159 : i32
    %sign3A_161 = arith.extui %sign3A_160 : i1 to i32
    %sign3A_162 = arith.subi %sign3A_158, %sign3A_161 : i32
    %sign3A_163 = arith.constant 0 : i32
    %sign3A_164 = arith.cmpi sgt, %jit3A_154, %sign3A_163 : i32
    %sign3A_165 = arith.extui %sign3A_164 : i1 to i32
    %sign3A_166 = arith.constant 0 : i32
    %sign3A_167 = arith.cmpi slt, %jit3A_154, %sign3A_166 : i32
    %sign3A_168 = arith.extui %sign3A_167 : i1 to i32
    %sign3A_169 = arith.subi %sign3A_165, %sign3A_168 : i32
    %ne3A_170 = arith.cmpi ne, %sign3A_162, %sign3A_169 : i32
    %rem3A_171 = arith.remsi %sub3A_153, %jit3A_154 : i32
    %ne3A_172 = arith.constant 0 : i32
    %ne3A_173 = arith.cmpi ne, %rem3A_171, %ne3A_172 : i32
    %and3A_174 = arith.andi %ne3A_170, %ne3A_173 : i1
    %sub3A_175 = arith.constant 1 : i32
    %sub3A_176 = arith.subi %div3A_155, %sub3A_175 : i32
    %select_n3A_177 = arith.select %and3A_174, %sub3A_176, %div3A_155 : i32
    %sub3A_178 = arith.constant 32768 : i32
    %sub3A_179 = arith.subi %sub3A_178, %mul3A_21 : i32
    %add3A_180 = arith.constant 2048 : i32
    %add3A_181 = arith.addi %sub3A_179, %add3A_180 : i32
    %sub3A_182 = arith.constant 1 : i32
    %sub3A_183 = arith.subi %add3A_181, %sub3A_182 : i32
    %jit3A_184 = arith.constant 2048 : i32
    %div3A_185 = arith.divsi %sub3A_183, %jit3A_184 : i32
    %sign3A_186 = arith.constant 0 : i32
    %sign3A_187 = arith.cmpi sgt, %sub3A_183, %sign3A_186 : i32
    %sign3A_188 = arith.extui %sign3A_187 : i1 to i32
    %sign3A_189 = arith.constant 0 : i32
    %sign3A_190 = arith.cmpi slt, %sub3A_183, %sign3A_189 : i32
    %sign3A_191 = arith.extui %sign3A_190 : i1 to i32
    %sign3A_192 = arith.subi %sign3A_188, %sign3A_191 : i32
    %sign3A_193 = arith.constant 0 : i32
    %sign3A_194 = arith.cmpi sgt, %jit3A_184, %sign3A_193 : i32
    %sign3A_195 = arith.extui %sign3A_194 : i1 to i32
    %sign3A_196 = arith.constant 0 : i32
    %sign3A_197 = arith.cmpi slt, %jit3A_184, %sign3A_196 : i32
    %sign3A_198 = arith.extui %sign3A_197 : i1 to i32
    %sign3A_199 = arith.subi %sign3A_195, %sign3A_198 : i32
    %ne3A_200 = arith.cmpi ne, %sign3A_192, %sign3A_199 : i32
    %rem3A_201 = arith.remsi %sub3A_183, %jit3A_184 : i32
    %ne3A_202 = arith.constant 0 : i32
    %ne3A_203 = arith.cmpi ne, %rem3A_201, %ne3A_202 : i32
    %and3A_204 = arith.andi %ne3A_200, %ne3A_203 : i1
    %sub3A_205 = arith.constant 1 : i32
    %sub3A_206 = arith.subi %div3A_185, %sub3A_205 : i32
    %select_n3A_207 = arith.select %and3A_204, %sub3A_206, %div3A_185 : i32
    %sub3A_208 = arith.constant 32768 : i32
    %sub3A_209 = arith.subi %sub3A_208, %mul3A_25 : i32
    %add3A_210 = arith.constant 2048 : i32
    %add3A_211 = arith.addi %sub3A_209, %add3A_210 : i32
    %sub3A_212 = arith.constant 1 : i32
    %sub3A_213 = arith.subi %add3A_211, %sub3A_212 : i32
    %jit3A_214 = arith.constant 2048 : i32
    %div3A_215 = arith.divsi %sub3A_213, %jit3A_214 : i32
    %sign3A_216 = arith.constant 0 : i32
    %sign3A_217 = arith.cmpi sgt, %sub3A_213, %sign3A_216 : i32
    %sign3A_218 = arith.extui %sign3A_217 : i1 to i32
    %sign3A_219 = arith.constant 0 : i32
    %sign3A_220 = arith.cmpi slt, %sub3A_213, %sign3A_219 : i32
    %sign3A_221 = arith.extui %sign3A_220 : i1 to i32
    %sign3A_222 = arith.subi %sign3A_218, %sign3A_221 : i32
    %sign3A_223 = arith.constant 0 : i32
    %sign3A_224 = arith.cmpi sgt, %jit3A_214, %sign3A_223 : i32
    %sign3A_225 = arith.extui %sign3A_224 : i1 to i32
    %sign3A_226 = arith.constant 0 : i32
    %sign3A_227 = arith.cmpi slt, %jit3A_214, %sign3A_226 : i32
    %sign3A_228 = arith.extui %sign3A_227 : i1 to i32
    %sign3A_229 = arith.subi %sign3A_225, %sign3A_228 : i32
    %ne3A_230 = arith.cmpi ne, %sign3A_222, %sign3A_229 : i32
    %rem3A_231 = arith.remsi %sub3A_213, %jit3A_214 : i32
    %ne3A_232 = arith.constant 0 : i32
    %ne3A_233 = arith.cmpi ne, %rem3A_231, %ne3A_232 : i32
    %and3A_234 = arith.andi %ne3A_230, %ne3A_233 : i1
    %sub3A_235 = arith.constant 1 : i32
    %sub3A_236 = arith.subi %div3A_215, %sub3A_235 : i32
    %select_n3A_237 = arith.select %and3A_234, %sub3A_236, %div3A_215 : i32
    %sub3A_238 = arith.constant 32768 : i32
    %sub3A_239 = arith.subi %sub3A_238, %mul3A_29 : i32
    %add3A_240 = arith.constant 2048 : i32
    %add3A_241 = arith.addi %sub3A_239, %add3A_240 : i32
    %sub3A_242 = arith.constant 1 : i32
    %sub3A_243 = arith.subi %add3A_241, %sub3A_242 : i32
    %jit3A_244 = arith.constant 2048 : i32
    %div3A_245 = arith.divsi %sub3A_243, %jit3A_244 : i32
    %sign3A_246 = arith.constant 0 : i32
    %sign3A_247 = arith.cmpi sgt, %sub3A_243, %sign3A_246 : i32
    %sign3A_248 = arith.extui %sign3A_247 : i1 to i32
    %sign3A_249 = arith.constant 0 : i32
    %sign3A_250 = arith.cmpi slt, %sub3A_243, %sign3A_249 : i32
    %sign3A_251 = arith.extui %sign3A_250 : i1 to i32
    %sign3A_252 = arith.subi %sign3A_248, %sign3A_251 : i32
    %sign3A_253 = arith.constant 0 : i32
    %sign3A_254 = arith.cmpi sgt, %jit3A_244, %sign3A_253 : i32
    %sign3A_255 = arith.extui %sign3A_254 : i1 to i32
    %sign3A_256 = arith.constant 0 : i32
    %sign3A_257 = arith.cmpi slt, %jit3A_244, %sign3A_256 : i32
    %sign3A_258 = arith.extui %sign3A_257 : i1 to i32
    %sign3A_259 = arith.subi %sign3A_255, %sign3A_258 : i32
    %ne3A_260 = arith.cmpi ne, %sign3A_252, %sign3A_259 : i32
    %rem3A_261 = arith.remsi %sub3A_243, %jit3A_244 : i32
    %ne3A_262 = arith.constant 0 : i32
    %ne3A_263 = arith.cmpi ne, %rem3A_261, %ne3A_262 : i32
    %and3A_264 = arith.andi %ne3A_260, %ne3A_263 : i1
    %sub3A_265 = arith.constant 1 : i32
    %sub3A_266 = arith.subi %div3A_245, %sub3A_265 : i32
    %select_n3A_267 = arith.select %and3A_264, %sub3A_266, %div3A_245 : i32
    %sub3A_268 = arith.constant 32768 : i32
    %sub3A_269 = arith.subi %sub3A_268, %mul3A_33 : i32
    %add3A_270 = arith.constant 2048 : i32
    %add3A_271 = arith.addi %sub3A_269, %add3A_270 : i32
    %sub3A_272 = arith.constant 1 : i32
    %sub3A_273 = arith.subi %add3A_271, %sub3A_272 : i32
    %jit3A_274 = arith.constant 2048 : i32
    %div3A_275 = arith.divsi %sub3A_273, %jit3A_274 : i32
    %sign3A_276 = arith.constant 0 : i32
    %sign3A_277 = arith.cmpi sgt, %sub3A_273, %sign3A_276 : i32
    %sign3A_278 = arith.extui %sign3A_277 : i1 to i32
    %sign3A_279 = arith.constant 0 : i32
    %sign3A_280 = arith.cmpi slt, %sub3A_273, %sign3A_279 : i32
    %sign3A_281 = arith.extui %sign3A_280 : i1 to i32
    %sign3A_282 = arith.subi %sign3A_278, %sign3A_281 : i32
    %sign3A_283 = arith.constant 0 : i32
    %sign3A_284 = arith.cmpi sgt, %jit3A_274, %sign3A_283 : i32
    %sign3A_285 = arith.extui %sign3A_284 : i1 to i32
    %sign3A_286 = arith.constant 0 : i32
    %sign3A_287 = arith.cmpi slt, %jit3A_274, %sign3A_286 : i32
    %sign3A_288 = arith.extui %sign3A_287 : i1 to i32
    %sign3A_289 = arith.subi %sign3A_285, %sign3A_288 : i32
    %ne3A_290 = arith.cmpi ne, %sign3A_282, %sign3A_289 : i32
    %rem3A_291 = arith.remsi %sub3A_273, %jit3A_274 : i32
    %ne3A_292 = arith.constant 0 : i32
    %ne3A_293 = arith.cmpi ne, %rem3A_291, %ne3A_292 : i32
    %and3A_294 = arith.andi %ne3A_290, %ne3A_293 : i1
    %sub3A_295 = arith.constant 1 : i32
    %sub3A_296 = arith.subi %div3A_275, %sub3A_295 : i32
    %select_n3A_297 = arith.select %and3A_294, %sub3A_296, %div3A_275 : i32
    %sub3A_298 = arith.constant 32768 : i32
    %sub3A_299 = arith.subi %sub3A_298, %mul3A_37 : i32
    %add3A_300 = arith.constant 2048 : i32
    %add3A_301 = arith.addi %sub3A_299, %add3A_300 : i32
    %sub3A_302 = arith.constant 1 : i32
    %sub3A_303 = arith.subi %add3A_301, %sub3A_302 : i32
    %jit3A_304 = arith.constant 2048 : i32
    %div3A_305 = arith.divsi %sub3A_303, %jit3A_304 : i32
    %sign3A_306 = arith.constant 0 : i32
    %sign3A_307 = arith.cmpi sgt, %sub3A_303, %sign3A_306 : i32
    %sign3A_308 = arith.extui %sign3A_307 : i1 to i32
    %sign3A_309 = arith.constant 0 : i32
    %sign3A_310 = arith.cmpi slt, %sub3A_303, %sign3A_309 : i32
    %sign3A_311 = arith.extui %sign3A_310 : i1 to i32
    %sign3A_312 = arith.subi %sign3A_308, %sign3A_311 : i32
    %sign3A_313 = arith.constant 0 : i32
    %sign3A_314 = arith.cmpi sgt, %jit3A_304, %sign3A_313 : i32
    %sign3A_315 = arith.extui %sign3A_314 : i1 to i32
    %sign3A_316 = arith.constant 0 : i32
    %sign3A_317 = arith.cmpi slt, %jit3A_304, %sign3A_316 : i32
    %sign3A_318 = arith.extui %sign3A_317 : i1 to i32
    %sign3A_319 = arith.subi %sign3A_315, %sign3A_318 : i32
    %ne3A_320 = arith.cmpi ne, %sign3A_312, %sign3A_319 : i32
    %rem3A_321 = arith.remsi %sub3A_303, %jit3A_304 : i32
    %ne3A_322 = arith.constant 0 : i32
    %ne3A_323 = arith.cmpi ne, %rem3A_321, %ne3A_322 : i32
    %and3A_324 = arith.andi %ne3A_320, %ne3A_323 : i1
    %sub3A_325 = arith.constant 1 : i32
    %sub3A_326 = arith.subi %div3A_305, %sub3A_325 : i32
    %select_n3A_327 = arith.select %and3A_324, %sub3A_326, %div3A_305 : i32
    %sub3A_328 = arith.constant 32768 : i32
    %sub3A_329 = arith.subi %sub3A_328, %mul3A_41 : i32
    %add3A_330 = arith.constant 2048 : i32
    %add3A_331 = arith.addi %sub3A_329, %add3A_330 : i32
    %sub3A_332 = arith.constant 1 : i32
    %sub3A_333 = arith.subi %add3A_331, %sub3A_332 : i32
    %jit3A_334 = arith.constant 2048 : i32
    %div3A_335 = arith.divsi %sub3A_333, %jit3A_334 : i32
    %sign3A_336 = arith.constant 0 : i32
    %sign3A_337 = arith.cmpi sgt, %sub3A_333, %sign3A_336 : i32
    %sign3A_338 = arith.extui %sign3A_337 : i1 to i32
    %sign3A_339 = arith.constant 0 : i32
    %sign3A_340 = arith.cmpi slt, %sub3A_333, %sign3A_339 : i32
    %sign3A_341 = arith.extui %sign3A_340 : i1 to i32
    %sign3A_342 = arith.subi %sign3A_338, %sign3A_341 : i32
    %sign3A_343 = arith.constant 0 : i32
    %sign3A_344 = arith.cmpi sgt, %jit3A_334, %sign3A_343 : i32
    %sign3A_345 = arith.extui %sign3A_344 : i1 to i32
    %sign3A_346 = arith.constant 0 : i32
    %sign3A_347 = arith.cmpi slt, %jit3A_334, %sign3A_346 : i32
    %sign3A_348 = arith.extui %sign3A_347 : i1 to i32
    %sign3A_349 = arith.subi %sign3A_345, %sign3A_348 : i32
    %ne3A_350 = arith.cmpi ne, %sign3A_342, %sign3A_349 : i32
    %rem3A_351 = arith.remsi %sub3A_333, %jit3A_334 : i32
    %ne3A_352 = arith.constant 0 : i32
    %ne3A_353 = arith.cmpi ne, %rem3A_351, %ne3A_352 : i32
    %and3A_354 = arith.andi %ne3A_350, %ne3A_353 : i1
    %sub3A_355 = arith.constant 1 : i32
    %sub3A_356 = arith.subi %div3A_335, %sub3A_355 : i32
    %select_n3A_357 = arith.select %and3A_354, %sub3A_356, %div3A_335 : i32
    %sub3A_358 = arith.constant 32768 : i32
    %sub3A_359 = arith.subi %sub3A_358, %mul3A_45 : i32
    %add3A_360 = arith.constant 2048 : i32
    %add3A_361 = arith.addi %sub3A_359, %add3A_360 : i32
    %sub3A_362 = arith.constant 1 : i32
    %sub3A_363 = arith.subi %add3A_361, %sub3A_362 : i32
    %jit3A_364 = arith.constant 2048 : i32
    %div3A_365 = arith.divsi %sub3A_363, %jit3A_364 : i32
    %sign3A_366 = arith.constant 0 : i32
    %sign3A_367 = arith.cmpi sgt, %sub3A_363, %sign3A_366 : i32
    %sign3A_368 = arith.extui %sign3A_367 : i1 to i32
    %sign3A_369 = arith.constant 0 : i32
    %sign3A_370 = arith.cmpi slt, %sub3A_363, %sign3A_369 : i32
    %sign3A_371 = arith.extui %sign3A_370 : i1 to i32
    %sign3A_372 = arith.subi %sign3A_368, %sign3A_371 : i32
    %sign3A_373 = arith.constant 0 : i32
    %sign3A_374 = arith.cmpi sgt, %jit3A_364, %sign3A_373 : i32
    %sign3A_375 = arith.extui %sign3A_374 : i1 to i32
    %sign3A_376 = arith.constant 0 : i32
    %sign3A_377 = arith.cmpi slt, %jit3A_364, %sign3A_376 : i32
    %sign3A_378 = arith.extui %sign3A_377 : i1 to i32
    %sign3A_379 = arith.subi %sign3A_375, %sign3A_378 : i32
    %ne3A_380 = arith.cmpi ne, %sign3A_372, %sign3A_379 : i32
    %rem3A_381 = arith.remsi %sub3A_363, %jit3A_364 : i32
    %ne3A_382 = arith.constant 0 : i32
    %ne3A_383 = arith.cmpi ne, %rem3A_381, %ne3A_382 : i32
    %and3A_384 = arith.andi %ne3A_380, %ne3A_383 : i1
    %sub3A_385 = arith.constant 1 : i32
    %sub3A_386 = arith.subi %div3A_365, %sub3A_385 : i32
    %select_n3A_387 = arith.select %and3A_384, %sub3A_386, %div3A_365 : i32
    %sub3A_388 = arith.constant 32768 : i32
    %sub3A_389 = arith.subi %sub3A_388, %mul3A_49 : i32
    %add3A_390 = arith.constant 2048 : i32
    %add3A_391 = arith.addi %sub3A_389, %add3A_390 : i32
    %sub3A_392 = arith.constant 1 : i32
    %sub3A_393 = arith.subi %add3A_391, %sub3A_392 : i32
    %jit3A_394 = arith.constant 2048 : i32
    %div3A_395 = arith.divsi %sub3A_393, %jit3A_394 : i32
    %sign3A_396 = arith.constant 0 : i32
    %sign3A_397 = arith.cmpi sgt, %sub3A_393, %sign3A_396 : i32
    %sign3A_398 = arith.extui %sign3A_397 : i1 to i32
    %sign3A_399 = arith.constant 0 : i32
    %sign3A_400 = arith.cmpi slt, %sub3A_393, %sign3A_399 : i32
    %sign3A_401 = arith.extui %sign3A_400 : i1 to i32
    %sign3A_402 = arith.subi %sign3A_398, %sign3A_401 : i32
    %sign3A_403 = arith.constant 0 : i32
    %sign3A_404 = arith.cmpi sgt, %jit3A_394, %sign3A_403 : i32
    %sign3A_405 = arith.extui %sign3A_404 : i1 to i32
    %sign3A_406 = arith.constant 0 : i32
    %sign3A_407 = arith.cmpi slt, %jit3A_394, %sign3A_406 : i32
    %sign3A_408 = arith.extui %sign3A_407 : i1 to i32
    %sign3A_409 = arith.subi %sign3A_405, %sign3A_408 : i32
    %ne3A_410 = arith.cmpi ne, %sign3A_402, %sign3A_409 : i32
    %rem3A_411 = arith.remsi %sub3A_393, %jit3A_394 : i32
    %ne3A_412 = arith.constant 0 : i32
    %ne3A_413 = arith.cmpi ne, %rem3A_411, %ne3A_412 : i32
    %and3A_414 = arith.andi %ne3A_410, %ne3A_413 : i1
    %sub3A_415 = arith.constant 1 : i32
    %sub3A_416 = arith.subi %div3A_395, %sub3A_415 : i32
    %select_n3A_417 = arith.select %and3A_414, %sub3A_416, %div3A_395 : i32
    %sub3A_418 = arith.constant 32768 : i32
    %sub3A_419 = arith.subi %sub3A_418, %mul3A_53 : i32
    %add3A_420 = arith.constant 2048 : i32
    %add3A_421 = arith.addi %sub3A_419, %add3A_420 : i32
    %sub3A_422 = arith.constant 1 : i32
    %sub3A_423 = arith.subi %add3A_421, %sub3A_422 : i32
    %jit3A_424 = arith.constant 2048 : i32
    %div3A_425 = arith.divsi %sub3A_423, %jit3A_424 : i32
    %sign3A_426 = arith.constant 0 : i32
    %sign3A_427 = arith.cmpi sgt, %sub3A_423, %sign3A_426 : i32
    %sign3A_428 = arith.extui %sign3A_427 : i1 to i32
    %sign3A_429 = arith.constant 0 : i32
    %sign3A_430 = arith.cmpi slt, %sub3A_423, %sign3A_429 : i32
    %sign3A_431 = arith.extui %sign3A_430 : i1 to i32
    %sign3A_432 = arith.subi %sign3A_428, %sign3A_431 : i32
    %sign3A_433 = arith.constant 0 : i32
    %sign3A_434 = arith.cmpi sgt, %jit3A_424, %sign3A_433 : i32
    %sign3A_435 = arith.extui %sign3A_434 : i1 to i32
    %sign3A_436 = arith.constant 0 : i32
    %sign3A_437 = arith.cmpi slt, %jit3A_424, %sign3A_436 : i32
    %sign3A_438 = arith.extui %sign3A_437 : i1 to i32
    %sign3A_439 = arith.subi %sign3A_435, %sign3A_438 : i32
    %ne3A_440 = arith.cmpi ne, %sign3A_432, %sign3A_439 : i32
    %rem3A_441 = arith.remsi %sub3A_423, %jit3A_424 : i32
    %ne3A_442 = arith.constant 0 : i32
    %ne3A_443 = arith.cmpi ne, %rem3A_441, %ne3A_442 : i32
    %and3A_444 = arith.andi %ne3A_440, %ne3A_443 : i1
    %sub3A_445 = arith.constant 1 : i32
    %sub3A_446 = arith.subi %div3A_425, %sub3A_445 : i32
    %select_n3A_447 = arith.select %and3A_444, %sub3A_446, %div3A_425 : i32
    %sub3A_448 = arith.constant 32768 : i32
    %sub3A_449 = arith.subi %sub3A_448, %mul3A_57 : i32
    %add3A_450 = arith.constant 2048 : i32
    %add3A_451 = arith.addi %sub3A_449, %add3A_450 : i32
    %sub3A_452 = arith.constant 1 : i32
    %sub3A_453 = arith.subi %add3A_451, %sub3A_452 : i32
    %jit3A_454 = arith.constant 2048 : i32
    %div3A_455 = arith.divsi %sub3A_453, %jit3A_454 : i32
    %sign3A_456 = arith.constant 0 : i32
    %sign3A_457 = arith.cmpi sgt, %sub3A_453, %sign3A_456 : i32
    %sign3A_458 = arith.extui %sign3A_457 : i1 to i32
    %sign3A_459 = arith.constant 0 : i32
    %sign3A_460 = arith.cmpi slt, %sub3A_453, %sign3A_459 : i32
    %sign3A_461 = arith.extui %sign3A_460 : i1 to i32
    %sign3A_462 = arith.subi %sign3A_458, %sign3A_461 : i32
    %sign3A_463 = arith.constant 0 : i32
    %sign3A_464 = arith.cmpi sgt, %jit3A_454, %sign3A_463 : i32
    %sign3A_465 = arith.extui %sign3A_464 : i1 to i32
    %sign3A_466 = arith.constant 0 : i32
    %sign3A_467 = arith.cmpi slt, %jit3A_454, %sign3A_466 : i32
    %sign3A_468 = arith.extui %sign3A_467 : i1 to i32
    %sign3A_469 = arith.subi %sign3A_465, %sign3A_468 : i32
    %ne3A_470 = arith.cmpi ne, %sign3A_462, %sign3A_469 : i32
    %rem3A_471 = arith.remsi %sub3A_453, %jit3A_454 : i32
    %ne3A_472 = arith.constant 0 : i32
    %ne3A_473 = arith.cmpi ne, %rem3A_471, %ne3A_472 : i32
    %and3A_474 = arith.andi %ne3A_470, %ne3A_473 : i1
    %sub3A_475 = arith.constant 1 : i32
    %sub3A_476 = arith.subi %div3A_455, %sub3A_475 : i32
    %select_n3A_477 = arith.select %and3A_474, %sub3A_476, %div3A_455 : i32
    %sub3A_478 = arith.constant 32768 : i32
    %sub3A_479 = arith.subi %sub3A_478, %mul3A_61 : i32
    %add3A_480 = arith.constant 2048 : i32
    %add3A_481 = arith.addi %sub3A_479, %add3A_480 : i32
    %sub3A_482 = arith.constant 1 : i32
    %sub3A_483 = arith.subi %add3A_481, %sub3A_482 : i32
    %jit3A_484 = arith.constant 2048 : i32
    %div3A_485 = arith.divsi %sub3A_483, %jit3A_484 : i32
    %sign3A_486 = arith.constant 0 : i32
    %sign3A_487 = arith.cmpi sgt, %sub3A_483, %sign3A_486 : i32
    %sign3A_488 = arith.extui %sign3A_487 : i1 to i32
    %sign3A_489 = arith.constant 0 : i32
    %sign3A_490 = arith.cmpi slt, %sub3A_483, %sign3A_489 : i32
    %sign3A_491 = arith.extui %sign3A_490 : i1 to i32
    %sign3A_492 = arith.subi %sign3A_488, %sign3A_491 : i32
    %sign3A_493 = arith.constant 0 : i32
    %sign3A_494 = arith.cmpi sgt, %jit3A_484, %sign3A_493 : i32
    %sign3A_495 = arith.extui %sign3A_494 : i1 to i32
    %sign3A_496 = arith.constant 0 : i32
    %sign3A_497 = arith.cmpi slt, %jit3A_484, %sign3A_496 : i32
    %sign3A_498 = arith.extui %sign3A_497 : i1 to i32
    %sign3A_499 = arith.subi %sign3A_495, %sign3A_498 : i32
    %ne3A_500 = arith.cmpi ne, %sign3A_492, %sign3A_499 : i32
    %rem3A_501 = arith.remsi %sub3A_483, %jit3A_484 : i32
    %ne3A_502 = arith.constant 0 : i32
    %ne3A_503 = arith.cmpi ne, %rem3A_501, %ne3A_502 : i32
    %and3A_504 = arith.andi %ne3A_500, %ne3A_503 : i1
    %sub3A_505 = arith.constant 1 : i32
    %sub3A_506 = arith.subi %div3A_485, %sub3A_505 : i32
    %select_n3A_507 = arith.select %and3A_504, %sub3A_506, %div3A_485 : i32
    %sub3A_508 = arith.constant 32768 : i32
    %sub3A_509 = arith.subi %sub3A_508, %mul3A_65 : i32
    %add3A_510 = arith.constant 2048 : i32
    %add3A_511 = arith.addi %sub3A_509, %add3A_510 : i32
    %sub3A_512 = arith.constant 1 : i32
    %sub3A_513 = arith.subi %add3A_511, %sub3A_512 : i32
    %jit3A_514 = arith.constant 2048 : i32
    %div3A_515 = arith.divsi %sub3A_513, %jit3A_514 : i32
    %sign3A_516 = arith.constant 0 : i32
    %sign3A_517 = arith.cmpi sgt, %sub3A_513, %sign3A_516 : i32
    %sign3A_518 = arith.extui %sign3A_517 : i1 to i32
    %sign3A_519 = arith.constant 0 : i32
    %sign3A_520 = arith.cmpi slt, %sub3A_513, %sign3A_519 : i32
    %sign3A_521 = arith.extui %sign3A_520 : i1 to i32
    %sign3A_522 = arith.subi %sign3A_518, %sign3A_521 : i32
    %sign3A_523 = arith.constant 0 : i32
    %sign3A_524 = arith.cmpi sgt, %jit3A_514, %sign3A_523 : i32
    %sign3A_525 = arith.extui %sign3A_524 : i1 to i32
    %sign3A_526 = arith.constant 0 : i32
    %sign3A_527 = arith.cmpi slt, %jit3A_514, %sign3A_526 : i32
    %sign3A_528 = arith.extui %sign3A_527 : i1 to i32
    %sign3A_529 = arith.subi %sign3A_525, %sign3A_528 : i32
    %ne3A_530 = arith.cmpi ne, %sign3A_522, %sign3A_529 : i32
    %rem3A_531 = arith.remsi %sub3A_513, %jit3A_514 : i32
    %ne3A_532 = arith.constant 0 : i32
    %ne3A_533 = arith.cmpi ne, %rem3A_531, %ne3A_532 : i32
    %and3A_534 = arith.andi %ne3A_530, %ne3A_533 : i1
    %sub3A_535 = arith.constant 1 : i32
    %sub3A_536 = arith.subi %div3A_515, %sub3A_535 : i32
    %select_n3A_537 = arith.select %and3A_534, %sub3A_536, %div3A_515 : i32
    %while3A = arith.constant 0 : i32
    %while3A_538 = arith.subi %select_n3A, %while3A : i32
    %while3A_539 = arith.addi %while3A, %while3A_538 : i32
    %while3A_540 = arith.constant 1 : i32
    %while3A_541 = arith.divsi %while3A_538, %while3A_540 : i32
    %while3A_542 = arith.muli %while3A_541, %while3A_540 : i32
    %while3A_543 = arith.addi %while3A, %while3A_542 : i32
    %while3A_544 = arith.constant 1 : i32
    scf.for %while3A_858 = %while3A to %while3A_543 step %while3A_544  : i32 {
      %mul3A_859 = arith.constant 2048 : i32
      %mul3A_860 = arith.muli %while3A_858, %mul3A_859 : i32
      %mul3A_861 = arith.constant 2048 : i32
      %mul3A_862 = arith.muli %while3A_858, %mul3A_861 : i32
      %add3A_863 = arith.addi %mul3A_5, %mul3A_862 : i32
      %dma_start3A = arith.constant 0 : i32
      %dma_start3A_864 = tpu.memref_slice %arg6[%add3A_863] : memref<34560xf32, #tpu.memory_space<vmem>> -> memref<2048xf32, #tpu.memory_space<vmem>>
      %dma_start3A_865 = tpu.memref_slice %arg2[%add3A, %dma_start3A, %mul3A_860] : memref<32x16x32768xf32, #tpu.memory_space<hbm>> -> memref<1x1x2048xf32, #tpu.memory_space<hbm>>
      %dma_start3A_866 = tpu.memref_squeeze %dma_start3A_865 : memref<1x1x2048xf32, #tpu.memory_space<hbm>> -> memref<2048xf32, #tpu.memory_space<hbm>>
      %dma_start3A_867 = tpu.memref_slice %arg6[%add3A_863] : memref<34560xf32, #tpu.memory_space<vmem>> -> memref<2048xf32, #tpu.memory_space<vmem>>
      %dma_start3A_868 = tpu.memref_slice %arg2[%add3A, %dma_start3A, %mul3A_860] : memref<32x16x32768xf32, #tpu.memory_space<hbm>> -> memref<1x1x2048xf32, #tpu.memory_space<hbm>>
      %dma_start3A_869 = tpu.memref_squeeze %dma_start3A_868 : memref<1x1x2048xf32, #tpu.memory_space<hbm>> -> memref<2048xf32, #tpu.memory_space<hbm>>
      tpu.enqueue_dma source(%dma_start3A_869 : memref<2048xf32, #tpu.memory_space<hbm>>) target(%dma_start3A_867 : memref<2048xf32, #tpu.memory_space<vmem>>) target_semaphore(%arg9 : memref<!tpu.dma_semaphore, #tpu.memory_space<semaphore_mem>>)
    }
    %while3A_545 = arith.constant 1 : i32
    scf.for %while3A_858 = %while3A_543 to %while3A_539 step %while3A_545  : i32 {
      %mul3A_859 = arith.constant 2048 : i32
      %mul3A_860 = arith.muli %while3A_858, %mul3A_859 : i32
      %mul3A_861 = arith.constant 2048 : i32
      %mul3A_862 = arith.muli %while3A_858, %mul3A_861 : i32
      %add3A_863 = arith.addi %mul3A_5, %mul3A_862 : i32
      %dma_start3A = arith.constant 0 : i32
      %dma_start3A_864 = tpu.memref_slice %arg6[%add3A_863] : memref<34560xf32, #tpu.memory_space<vmem>> -> memref<2048xf32, #tpu.memory_space<vmem>>
      %dma_start3A_865 = tpu.memref_slice %arg2[%add3A, %dma_start3A, %mul3A_860] : memref<32x16x32768xf32, #tpu.memory_space<hbm>> -> memref<1x1x2048xf32, #tpu.memory_space<hbm>>
      %dma_start3A_866 = tpu.memref_squeeze %dma_start3A_865 : memref<1x1x2048xf32, #tpu.memory_space<hbm>> -> memref<2048xf32, #tpu.memory_space<hbm>>
      %dma_start3A_867 = tpu.memref_slice %arg6[%add3A_863] : memref<34560xf32, #tpu.memory_space<vmem>> -> memref<2048xf32, #tpu.memory_space<vmem>>
      %dma_start3A_868 = tpu.memref_slice %arg2[%add3A, %dma_start3A, %mul3A_860] : memref<32x16x32768xf32, #tpu.memory_space<hbm>> -> memref<1x1x2048xf32, #tpu.memory_space<hbm>>
      %dma_start3A_869 = tpu.memref_squeeze %dma_start3A_868 : memref<1x1x2048xf32, #tpu.memory_space<hbm>> -> memref<2048xf32, #tpu.memory_space<hbm>>
      tpu.enqueue_dma source(%dma_start3A_869 : memref<2048xf32, #tpu.memory_space<hbm>>) target(%dma_start3A_867 : memref<2048xf32, #tpu.memory_space<vmem>>) target_semaphore(%arg9 : memref<!tpu.dma_semaphore, #tpu.memory_space<semaphore_mem>>)
    }
    %jit3A_546 = arith.constant 256 : i32
    %div3A_547 = arith.divsi %mul3A_5, %jit3A_546 : i32
    %sign3A_548 = arith.constant 0 : i32
    %sign3A_549 = arith.cmpi sgt, %mul3A_5, %sign3A_548 : i32
    %sign3A_550 = arith.extui %sign3A_549 : i1 to i32
    %sign3A_551 = arith.constant 0 : i32
    %sign3A_552 = arith.cmpi slt, %mul3A_5, %sign3A_551 : i32
    %sign3A_553 = arith.extui %sign3A_552 : i1 to i32
    %sign3A_554 = arith.subi %sign3A_550, %sign3A_553 : i32
    %sign3A_555 = arith.constant 0 : i32
    %sign3A_556 = arith.cmpi sgt, %jit3A_546, %sign3A_555 : i32
    %sign3A_557 = arith.extui %sign3A_556 : i1 to i32
    %sign3A_558 = arith.constant 0 : i32
    %sign3A_559 = arith.cmpi slt, %jit3A_546, %sign3A_558 : i32
    %sign3A_560 = arith.extui %sign3A_559 : i1 to i32
    %sign3A_561 = arith.subi %sign3A_557, %sign3A_560 : i32
    %ne3A_562 = arith.cmpi ne, %sign3A_554, %sign3A_561 : i32
    %rem3A_563 = arith.remsi %mul3A_5, %jit3A_546 : i32
    %ne3A_564 = arith.constant 0 : i32
    %ne3A_565 = arith.cmpi ne, %rem3A_563, %ne3A_564 : i32
    %and3A_566 = arith.andi %ne3A_562, %ne3A_565 : i1
    %sub3A_567 = arith.constant 1 : i32
    %sub3A_568 = arith.subi %div3A_547, %sub3A_567 : i32
    %select_n3A_569 = arith.select %and3A_566, %sub3A_568, %div3A_547 : i32
    %while3A_570 = arith.constant 0 : i32
    %while3A_571 = arith.subi %select_n3A_569, %while3A_570 : i32
    %while3A_572 = arith.addi %while3A_570, %while3A_571 : i32
    %while3A_573 = arith.constant 1 : i32
    %while3A_574 = arith.divsi %while3A_571, %while3A_573 : i32
    %while3A_575 = arith.muli %while3A_574, %while3A_573 : i32
    %while3A_576 = arith.addi %while3A_570, %while3A_575 : i32
    %while3A_577 = arith.constant 1 : i32
    scf.for %while3A_858 = %while3A_570 to %while3A_576 step %while3A_577  : i32 {
      %mul3A_859 = arith.constant 256 : i32
      %mul3A_860 = arith.muli %while3A_858, %mul3A_859 : i32
      %parallel_loop3A = arith.constant 0 : i32
      %parallel_loop3A_861 = arith.constant 256 : i32
      %parallel_loop3A_862 = arith.constant 16 : i32
      scf.for %parallel_loop3A_863 = %parallel_loop3A to %parallel_loop3A_861 step %parallel_loop3A_862  : i32 {
        %parallel_loop3A_864 = arith.addi %mul3A_860, %parallel_loop3A_863 : i32
        %parallel_loop3A_865 = arith.index_cast %parallel_loop3A_864 : i32 to index
        %parallel_loop3A_866 = tpu.vector_load %arg6[%parallel_loop3A_865] {strides = array<i32>} : memref<34560xf32, #tpu.memory_space<vmem>>, vector<16xf32>,
        %parallel_loop3A_867 = vector.shape_cast %parallel_loop3A_866 : vector<16xf32> to vector<16xf32>
        %parallel_loop3A_868 = vector.shape_cast %broadcast_in_dim3A_3 : vector<16xf32> to vector<16xf32>
        tpu.vector_store %arg6[%parallel_loop3A_865], %parallel_loop3A_868 {strides = array<i32>} : memref<34560xf32, #tpu.memory_space<vmem>>, vector<16xf32>,
      } {sc.loop_unroll_factor = 8 : i64, sc.parallel_access}
    }
    %while3A_578 = arith.constant 1 : i32
    scf.for %while3A_858 = %while3A_576 to %while3A_572 step %while3A_578  : i32 {
      %mul3A_859 = arith.constant 256 : i32
      %mul3A_860 = arith.muli %while3A_858, %mul3A_859 : i32
      %parallel_loop3A = arith.constant 0 : i32
      %parallel_loop3A_861 = arith.constant 256 : i32
      %parallel_loop3A_862 = arith.constant 16 : i32
      scf.for %parallel_loop3A_863 = %parallel_loop3A to %parallel_loop3A_861 step %parallel_loop3A_862  : i32 {
        %parallel_loop3A_864 = arith.addi %mul3A_860, %parallel_loop3A_863 : i32
        %parallel_loop3A_865 = arith.index_cast %parallel_loop3A_864 : i32 to index
        %parallel_loop3A_866 = tpu.vector_load %arg6[%parallel_loop3A_865] {strides = array<i32>} : memref<34560xf32, #tpu.memory_space<vmem>>, vector<16xf32>,
        %parallel_loop3A_867 = vector.shape_cast %parallel_loop3A_866 : vector<16xf32> to vector<16xf32>
        %parallel_loop3A_868 = vector.shape_cast %broadcast_in_dim3A_3 : vector<16xf32> to vector<16xf32>
        tpu.vector_store %arg6[%parallel_loop3A_865], %parallel_loop3A_868 {strides = array<i32>} : memref<34560xf32, #tpu.memory_space<vmem>>, vector<16xf32>,
      } {sc.loop_unroll_factor = 8 : i64, sc.parallel_access}
    }
    %while3A_579 = arith.constant 0 : i32
    %while3A_580 = arith.subi %select_n3A_117, %while3A_579 : i32
    %while3A_581 = arith.addi %while3A_579, %while3A_580 : i32
    %while3A_582 = arith.constant 1 : i32
    %while3A_583 = arith.divsi %while3A_580, %while3A_582 : i32
    %while3A_584 = arith.muli %while3A_583, %while3A_582 : i32
    %while3A_585 = arith.addi %while3A_579, %while3A_584 : i32
    %while3A_586 = arith.constant 1 : i32
    scf.for %while3A_858 = %while3A_579 to %while3A_585 step %while3A_586  : i32 {
      %mul3A_859 = arith.constant 2048 : i32
      %mul3A_860 = arith.muli %while3A_858, %mul3A_859 : i32
      %mul3A_861 = arith.constant 2048 : i32
      %mul3A_862 = arith.muli %while3A_858, %mul3A_861 : i32
      %dma_start3A = arith.constant 1 : i32
      %dma_start3A_863 = tpu.memref_slice %arg8[%mul3A_862] : memref<32768xf32, #tpu.memory_space<vmem>> -> memref<2048xf32, #tpu.memory_space<vmem>>
      %dma_start3A_864 = tpu.memref_slice %arg2[%add3A, %dma_start3A, %mul3A_860] : memref<32x16x32768xf32, #tpu.memory_space<hbm>> -> memref<1x1x2048xf32, #tpu.memory_space<hbm>>
      %dma_start3A_865 = tpu.memref_squeeze %dma_start3A_864 : memref<1x1x2048xf32, #tpu.memory_space<hbm>> -> memref<2048xf32, #tpu.memory_space<hbm>>
      %dma_start3A_866 = tpu.memref_slice %arg8[%mul3A_862] : memref<32768xf32, #tpu.memory_space<vmem>> -> memref<2048xf32, #tpu.memory_space<vmem>>
      %dma_start3A_867 = tpu.memref_slice %arg2[%add3A, %dma_start3A, %mul3A_860] : memref<32x16x32768xf32, #tpu.memory_space<hbm>> -> memref<1x1x2048xf32, #tpu.memory_space<hbm>>
      %dma_start3A_868 = tpu.memref_squeeze %dma_start3A_867 : memref<1x1x2048xf32, #tpu.memory_space<hbm>> -> memref<2048xf32, #tpu.memory_space<hbm>>
      tpu.enqueue_dma source(%dma_start3A_868 : memref<2048xf32, #tpu.memory_space<hbm>>) target(%dma_start3A_866 : memref<2048xf32, #tpu.memory_space<vmem>>) target_semaphore(%arg10 : memref<!tpu.dma_semaphore, #tpu.memory_space<semaphore_mem>>)
    }
    %while3A_587 = arith.constant 1 : i32
    scf.for %while3A_858 = %while3A_585 to %while3A_581 step %while3A_587  : i32 {
      %mul3A_859 = arith.constant 2048 : i32
      %mul3A_860 = arith.muli %while3A_858, %mul3A_859 : i32
      %mul3A_861 = arith.constant 2048 : i32
      %mul3A_862 = arith.muli %while3A_858, %mul3A_861 : i32
      %dma_start3A = arith.constant 1 : i32
      %dma_start3A_863 = tpu.memref_slice %arg8[%mul3A_862] : memref<32768xf32, #tpu.memory_space<vmem>> -> memref<2048xf32, #tpu.memory_space<vmem>>
      %dma_start3A_864 = tpu.memref_slice %arg2[%add3A, %dma_start3A, %mul3A_860] : memref<32x16x32768xf32, #tpu.memory_space<hbm>> -> memref<1x1x2048xf32, #tpu.memory_space<hbm>>
      %dma_start3A_865 = tpu.memref_squeeze %dma_start3A_864 : memref<1x1x2048xf32, #tpu.memory_space<hbm>> -> memref<2048xf32, #tpu.memory_space<hbm>>
      %dma_start3A_866 = tpu.memref_slice %arg8[%mul3A_862] : memref<32768xf32, #tpu.memory_space<vmem>> -> memref<2048xf32, #tpu.memory_space<vmem>>
      %dma_start3A_867 = tpu.memref_slice %arg2[%add3A, %dma_start3A, %mul3A_860] : memref<32x16x32768xf32, #tpu.memory_space<hbm>> -> memref<1x1x2048xf32, #tpu.memory_space<hbm>>
      %dma_start3A_868 = tpu.memref_squeeze %dma_start3A_867 : memref<1x1x2048xf32, #tpu.memory_space<hbm>> -> memref<2048xf32, #tpu.memory_space<hbm>>
      tpu.enqueue_dma source(%dma_start3A_868 : memref<2048xf32, #tpu.memory_space<hbm>>) target(%dma_start3A_866 : memref<2048xf32, #tpu.memory_space<vmem>>) target_semaphore(%arg10 : memref<!tpu.dma_semaphore, #tpu.memory_space<semaphore_mem>>)
    }
    %while3A_588 = arith.constant 0 : i32
    %while3A_589 = arith.subi %select_n3A, %while3A_588 : i32
    %while3A_590 = arith.addi %while3A_588, %while3A_589 : i32
    %while3A_591 = arith.constant 1 : i32
    %while3A_592 = arith.divsi %while3A_589, %while3A_591 : i32
    %while3A_593 = arith.muli %while3A_592, %while3A_591 : i32
    %while3A_594 = arith.addi %while3A_588, %while3A_593 : i32
    %while3A_595 = arith.constant 1 : i32
    scf.for %while3A_858 = %while3A_588 to %while3A_594 step %while3A_595  : i32 {
      %mul3A_859 = arith.constant 2048 : i32
      %mul3A_860 = arith.muli %while3A_858, %mul3A_859 : i32
      %mul3A_861 = arith.constant 2048 : i32
      %mul3A_862 = arith.muli %while3A_858, %mul3A_861 : i32
      %add3A_863 = arith.addi %mul3A_5, %mul3A_862 : i32
      %dma_wait3A = arith.constant 0 : i32
      %dma_wait3A_864 = tpu.memref_slice %arg6[%add3A_863] : memref<34560xf32, #tpu.memory_space<vmem>> -> memref<2048xf32, #tpu.memory_space<vmem>>
      %dma_wait3A_865 = tpu.memref_slice %arg2[%add3A, %dma_wait3A, %mul3A_860] : memref<32x16x32768xf32, #tpu.memory_space<hbm>> -> memref<1x1x2048xf32, #tpu.memory_space<hbm>>
      %dma_wait3A_866 = tpu.memref_squeeze %dma_wait3A_865 : memref<1x1x2048xf32, #tpu.memory_space<hbm>> -> memref<2048xf32, #tpu.memory_space<hbm>>
      %dma_wait3A_867 = tpu.memref_slice %arg6[%add3A_863] : memref<34560xf32, #tpu.memory_space<vmem>> -> memref<2048xf32, #tpu.memory_space<vmem>>
      %dma_wait3A_868 = tpu.memref_slice %arg2[%add3A, %dma_wait3A, %mul3A_860] : memref<32x16x32768xf32, #tpu.memory_space<hbm>> -> memref<1x1x2048xf32, #tpu.memory_space<hbm>>
      %dma_wait3A_869 = tpu.memref_squeeze %dma_wait3A_868 : memref<1x1x2048xf32, #tpu.memory_space<hbm>> -> memref<2048xf32, #tpu.memory_space<hbm>>
      tpu.wait_dma2 semaphore(%arg9 : memref<!tpu.dma_semaphore, #tpu.memory_space<semaphore_mem>>) src(%dma_wait3A_869 : memref<2048xf32, #tpu.memory_space<hbm>>) dst(%dma_wait3A_867 : memref<2048xf32, #tpu.memory_space<vmem>>)
    }
    %while3A_596 = arith.constant 1 : i32
    scf.for %while3A_858 = %while3A_594 to %while3A_590 step %while3A_596  : i32 {
      %mul3A_859 = arith.constant 2048 : i32
      %mul3A_860 = arith.muli %while3A_858, %mul3A_859 : i32
      %mul3A_861 = arith.constant 2048 : i32
      %mul3A_862 = arith.muli %while3A_858, %mul3A_861 : i32
      %add3A_863 = arith.addi %mul3A_5, %mul3A_862 : i32
      %dma_wait3A = arith.constant 0 : i32
      %dma_wait3A_864 = tpu.memref_slice %arg6[%add3A_863] : memref<34560xf32, #tpu.memory_space<vmem>> -> memref<2048xf32, #tpu.memory_space<vmem>>
      %dma_wait3A_865 = tpu.memref_slice %arg2[%add3A, %dma_wait3A, %mul3A_860] : memref<32x16x32768xf32, #tpu.memory_space<hbm>> -> memref<1x1x2048xf32, #tpu.memory_space<hbm>>
      %dma_wait3A_866 = tpu.memref_squeeze %dma_wait3A_865 : memref<1x1x2048xf32, #tpu.memory_space<hbm>> -> memref<2048xf32, #tpu.memory_space<hbm>>
      %dma_wait3A_867 = tpu.memref_slice %arg6[%add3A_863] : memref<34560xf32, #tpu.memory_space<vmem>> -> memref<2048xf32, #tpu.memory_space<vmem>>
      %dma_wait3A_868 = tpu.memref_slice %arg2[%add3A, %dma_wait3A, %mul3A_860] : memref<32x16x32768xf32, #tpu.memory_space<hbm>> -> memref<1x1x2048xf32, #tpu.memory_space<hbm>>
      %dma_wait3A_869 = tpu.memref_squeeze %dma_wait3A_868 : memref<1x1x2048xf32, #tpu.memory_space<hbm>> -> memref<2048xf32, #tpu.memory_space<hbm>>
      tpu.wait_dma2 semaphore(%arg9 : memref<!tpu.dma_semaphore, #tpu.memory_space<semaphore_mem>>) src(%dma_wait3A_869 : memref<2048xf32, #tpu.memory_space<hbm>>) dst(%dma_wait3A_867 : memref<2048xf32, #tpu.memory_space<vmem>>)
    }
    %while3A_597 = arith.constant 0 : i32
    %while3A_598 = arith.subi %select_n3A_147, %while3A_597 : i32
    %while3A_599 = arith.addi %while3A_597, %while3A_598 : i32
    %while3A_600 = arith.constant 1 : i32
    %while3A_601 = arith.divsi %while3A_598, %while3A_600 : i32
    %while3A_602 = arith.muli %while3A_601, %while3A_600 : i32
    %while3A_603 = arith.addi %while3A_597, %while3A_602 : i32
    %while3A_604 = arith.constant 1 : i32
    scf.for %while3A_858 = %while3A_597 to %while3A_603 step %while3A_604  : i32 {
      %mul3A_859 = arith.constant 2048 : i32
      %mul3A_860 = arith.muli %while3A_858, %mul3A_859 : i32
      %mul3A_861 = arith.constant 2048 : i32
      %mul3A_862 = arith.muli %while3A_858, %mul3A_861 : i32
      %dma_start3A = arith.constant 2 : i32
      %dma_start3A_863 = tpu.memref_slice %arg7[%mul3A_862] : memref<32768xf32, #tpu.memory_space<vmem>> -> memref<2048xf32, #tpu.memory_space<vmem>>
      %dma_start3A_864 = tpu.memref_slice %arg2[%add3A, %dma_start3A, %mul3A_860] : memref<32x16x32768xf32, #tpu.memory_space<hbm>> -> memref<1x1x2048xf32, #tpu.memory_space<hbm>>
      %dma_start3A_865 = tpu.memref_squeeze %dma_start3A_864 : memref<1x1x2048xf32, #tpu.memory_space<hbm>> -> memref<2048xf32, #tpu.memory_space<hbm>>
      %dma_start3A_866 = tpu.memref_slice %arg7[%mul3A_862] : memref<32768xf32, #tpu.memory_space<vmem>> -> memref<2048xf32, #tpu.memory_space<vmem>>
      %dma_start3A_867 = tpu.memref_slice %arg2[%add3A, %dma_start3A, %mul3A_860] : memref<32x16x32768xf32, #tpu.memory_space<hbm>> -> memref<1x1x2048xf32, #tpu.memory_space<hbm>>
      %dma_start3A_868 = tpu.memref_squeeze %dma_start3A_867 : memref<1x1x2048xf32, #tpu.memory_space<hbm>> -> memref<2048xf32, #tpu.memory_space<hbm>>
      tpu.enqueue_dma source(%dma_start3A_868 : memref<2048xf32, #tpu.memory_space<hbm>>) target(%dma_start3A_866 : memref<2048xf32, #tpu.memory_space<vmem>>) target_semaphore(%arg9 : memref<!tpu.dma_semaphore, #tpu.memory_space<semaphore_mem>>)
    }
    %while3A_605 = arith.constant 1 : i32
    scf.for %while3A_858 = %while3A_603 to %while3A_599 step %while3A_605  : i32 {
      %mul3A_859 = arith.constant 2048 : i32
      %mul3A_860 = arith.muli %while3A_858, %mul3A_859 : i32
      %mul3A_861 = arith.constant 2048 : i32
      %mul3A_862 = arith.muli %while3A_858, %mul3A_861 : i32
      %dma_start3A = arith.constant 2 : i32
      %dma_start3A_863 = tpu.memref_slice %arg7[%mul3A_862] : memref<32768xf32, #tpu.memory_space<vmem>> -> memref<2048xf32, #tpu.memory_space<vmem>>
      %dma_start3A_864 = tpu.memref_slice %arg2[%add3A, %dma_start3A, %mul3A_860] : memref<32x16x32768xf32, #tpu.memory_space<hbm>> -> memref<1x1x2048xf32, #tpu.memory_space<hbm>>
      %dma_start3A_865 = tpu.memref_squeeze %dma_start3A_864 : memref<1x1x2048xf32, #tpu.memory_space<hbm>> -> memref<2048xf32, #tpu.memory_space<hbm>>
      %dma_start3A_866 = tpu.memref_slice %arg7[%mul3A_862] : memref<32768xf32, #tpu.memory_space<vmem>> -> memref<2048xf32, #tpu.memory_space<vmem>>
      %dma_start3A_867 = tpu.memref_slice %arg2[%add3A, %dma_start3A, %mul3A_860] : memref<32x16x32768xf32, #tpu.memory_space<hbm>> -> memref<1x1x2048xf32, #tpu.memory_space<hbm>>
      %dma_start3A_868 = tpu.memref_squeeze %dma_start3A_867 : memref<1x1x2048xf32, #tpu.memory_space<hbm>> -> memref<2048xf32, #tpu.memory_space<hbm>>
      tpu.enqueue_dma source(%dma_start3A_868 : memref<2048xf32, #tpu.memory_space<hbm>>) target(%dma_start3A_866 : memref<2048xf32, #tpu.memory_space<vmem>>) target_semaphore(%arg9 : memref<!tpu.dma_semaphore, #tpu.memory_space<semaphore_mem>>)
    }
    %while3A_606 = arith.constant 0 : i32
    %while3A_607 = arith.subi %select_n3A_117, %while3A_606 : i32
    %while3A_608 = arith.addi %while3A_606, %while3A_607 : i32
    %while3A_609 = arith.constant 1 : i32
    %while3A_610 = arith.divsi %while3A_607, %while3A_609 : i32
    %while3A_611 = arith.muli %while3A_610, %while3A_609 : i32
    %while3A_612 = arith.addi %while3A_606, %while3A_611 : i32
    %while3A_613 = arith.constant 1 : i32
    scf.for %while3A_858 = %while3A_606 to %while3A_612 step %while3A_613  : i32 {
      %mul3A_859 = arith.constant 2048 : i32
      %mul3A_860 = arith.muli %while3A_858, %mul3A_859 : i32
      %dma_wait3A = arith.constant 1 : i32
      %dma_wait3A_861 = tpu.memref_slice %arg8[%mul3A_860] : memref<32768xf32, #tpu.memory_space<vmem>> -> memref<2048xf32, #tpu.memory_space<vmem>>
      %dma_wait3A_862 = tpu.memref_slice %arg2[%add3A, %dma_wait3A, %mul3A_860] : memref<32x16x32768xf32, #tpu.memory_space<hbm>> -> memref<1x1x2048xf32, #tpu.memory_space<hbm>>
      %dma_wait3A_863 = tpu.memref_squeeze %dma_wait3A_862 : memref<1x1x2048xf32, #tpu.memory_space<hbm>> -> memref<2048xf32, #tpu.memory_space<hbm>>
      %dma_wait3A_864 = tpu.memref_slice %arg8[%mul3A_860] : memref<32768xf32, #tpu.memory_space<vmem>> -> memref<2048xf32, #tpu.memory_space<vmem>>
      %dma_wait3A_865 = tpu.memref_slice %arg2[%add3A, %dma_wait3A, %mul3A_860] : memref<32x16x32768xf32, #tpu.memory_space<hbm>> -> memref<1x1x2048xf32, #tpu.memory_space<hbm>>
      %dma_wait3A_866 = tpu.memref_squeeze %dma_wait3A_865 : memref<1x1x2048xf32, #tpu.memory_space<hbm>> -> memref<2048xf32, #tpu.memory_space<hbm>>
      tpu.wait_dma2 semaphore(%arg10 : memref<!tpu.dma_semaphore, #tpu.memory_space<semaphore_mem>>) src(%dma_wait3A_866 : memref<2048xf32, #tpu.memory_space<hbm>>) dst(%dma_wait3A_864 : memref<2048xf32, #tpu.memory_space<vmem>>)
      %parallel_loop3A = arith.constant 0 : i32
      %parallel_loop3A_867 = arith.constant 2048 : i32
      %parallel_loop3A_868 = arith.constant 16 : i32
      scf.for %parallel_loop3A_869 = %parallel_loop3A to %parallel_loop3A_867 step %parallel_loop3A_868  : i32 {
        %parallel_loop3A_870 = arith.addi %mul3A_9, %mul3A_860 : i32
        %parallel_loop3A_871 = arith.addi %parallel_loop3A_870, %parallel_loop3A_869 : i32
        %parallel_loop3A_872 = arith.addi %mul3A_860, %parallel_loop3A_869 : i32
        %parallel_loop3A_873 = arith.index_cast %parallel_loop3A_872 : i32 to index
        %parallel_loop3A_874 = tpu.vector_load %arg8[%parallel_loop3A_873] {strides = array<i32>} : memref<32768xf32, #tpu.memory_space<vmem>>, vector<16xf32>,
        %parallel_loop3A_875 = vector.shape_cast %parallel_loop3A_874 : vector<16xf32> to vector<16xf32>
        %parallel_loop3A_876 = arith.index_cast %parallel_loop3A_871 : i32 to index
        %parallel_loop3A_877 = tpu.vector_load %arg6[%parallel_loop3A_876] {strides = array<i32>} : memref<34560xf32, #tpu.memory_space<vmem>>, vector<16xf32>,
        %parallel_loop3A_878 = vector.shape_cast %parallel_loop3A_877 : vector<16xf32> to vector<16xf32>
        %parallel_loop3A_879 = vector.shape_cast %parallel_loop3A_875 : vector<16xf32> to vector<16xf32>
        tpu.vector_store %arg6[%parallel_loop3A_876], %parallel_loop3A_879 {add = true, strides = array<i32>} : memref<34560xf32, #tpu.memory_space<vmem>>, vector<16xf32>,
      } {sc.loop_unroll_factor = 8 : i64, sc.parallel_access}
    }
    %while3A_614 = arith.constant 1 : i32
    scf.for %while3A_858 = %while3A_612 to %while3A_608 step %while3A_614  : i32 {
      %mul3A_859 = arith.constant 2048 : i32
      %mul3A_860 = arith.muli %while3A_858, %mul3A_859 : i32
      %dma_wait3A = arith.constant 1 : i32
      %dma_wait3A_861 = tpu.memref_slice %arg8[%mul3A_860] : memref<32768xf32, #tpu.memory_space<vmem>> -> memref<2048xf32, #tpu.memory_space<vmem>>
      %dma_wait3A_862 = tpu.memref_slice %arg2[%add3A, %dma_wait3A, %mul3A_860] : memref<32x16x32768xf32, #tpu.memory_space<hbm>> -> memref<1x1x2048xf32, #tpu.memory_space<hbm>>
      %dma_wait3A_863 = tpu.memref_squeeze %dma_wait3A_862 : memref<1x1x2048xf32, #tpu.memory_space<hbm>> -> memref<2048xf32, #tpu.memory_space<hbm>>
      %dma_wait3A_864 = tpu.memref_slice %arg8[%mul3A_860] : memref<32768xf32, #tpu.memory_space<vmem>> -> memref<2048xf32, #tpu.memory_space<vmem>>
      %dma_wait3A_865 = tpu.memref_slice %arg2[%add3A, %dma_wait3A, %mul3A_860] : memref<32x16x32768xf32, #tpu.memory_space<hbm>> -> memref<1x1x2048xf32, #tpu.memory_space<hbm>>
      %dma_wait3A_866 = tpu.memref_squeeze %dma_wait3A_865 : memref<1x1x2048xf32, #tpu.memory_space<hbm>> -> memref<2048xf32, #tpu.memory_space<hbm>>
      tpu.wait_dma2 semaphore(%arg10 : memref<!tpu.dma_semaphore, #tpu.memory_space<semaphore_mem>>) src(%dma_wait3A_866 : memref<2048xf32, #tpu.memory_space<hbm>>) dst(%dma_wait3A_864 : memref<2048xf32, #tpu.memory_space<vmem>>)
      %parallel_loop3A = arith.constant 0 : i32
      %parallel_loop3A_867 = arith.constant 2048 : i32
      %parallel_loop3A_868 = arith.constant 16 : i32
      scf.for %parallel_loop3A_869 = %parallel_loop3A to %parallel_loop3A_867 step %parallel_loop3A_868  : i32 {
        %parallel_loop3A_870 = arith.addi %mul3A_9, %mul3A_860 : i32
        %parallel_loop3A_871 = arith.addi %parallel_loop3A_870, %parallel_loop3A_869 : i32
        %parallel_loop3A_872 = arith.addi %mul3A_860, %parallel_loop3A_869 : i32
        %parallel_loop3A_873 = arith.index_cast %parallel_loop3A_872 : i32 to index
        %parallel_loop3A_874 = tpu.vector_load %arg8[%parallel_loop3A_873] {strides = array<i32>} : memref<32768xf32, #tpu.memory_space<vmem>>, vector<16xf32>,
        %parallel_loop3A_875 = vector.shape_cast %parallel_loop3A_874 : vector<16xf32> to vector<16xf32>
        %parallel_loop3A_876 = arith.index_cast %parallel_loop3A_871 : i32 to index
        %parallel_loop3A_877 = tpu.vector_load %arg6[%parallel_loop3A_876] {strides = array<i32>} : memref<34560xf32, #tpu.memory_space<vmem>>, vector<16xf32>,
        %parallel_loop3A_878 = vector.shape_cast %parallel_loop3A_877 : vector<16xf32> to vector<16xf32>
        %parallel_loop3A_879 = vector.shape_cast %parallel_loop3A_875 : vector<16xf32> to vector<16xf32>
        tpu.vector_store %arg6[%parallel_loop3A_876], %parallel_loop3A_879 {add = true, strides = array<i32>} : memref<34560xf32, #tpu.memory_space<vmem>>, vector<16xf32>,
      } {sc.loop_unroll_factor = 8 : i64, sc.parallel_access}
    }
    %while3A_615 = arith.constant 0 : i32
    %while3A_616 = arith.subi %select_n3A_177, %while3A_615 : i32
    %while3A_617 = arith.addi %while3A_615, %while3A_616 : i32
    %while3A_618 = arith.constant 1 : i32
    %while3A_619 = arith.divsi %while3A_616, %while3A_618 : i32
    %while3A_620 = arith.muli %while3A_619, %while3A_618 : i32
    %while3A_621 = arith.addi %while3A_615, %while3A_620 : i32
    %while3A_622 = arith.constant 1 : i32
    scf.for %while3A_858 = %while3A_615 to %while3A_621 step %while3A_622  : i32 {
      %mul3A_859 = arith.constant 2048 : i32
      %mul3A_860 = arith.muli %while3A_858, %mul3A_859 : i32
      %mul3A_861 = arith.constant 2048 : i32
      %mul3A_862 = arith.muli %while3A_858, %mul3A_861 : i32
      %dma_start3A = arith.constant 3 : i32
      %dma_start3A_863 = tpu.memref_slice %arg8[%mul3A_862] : memref<32768xf32, #tpu.memory_space<vmem>> -> memref<2048xf32, #tpu.memory_space<vmem>>
      %dma_start3A_864 = tpu.memref_slice %arg2[%add3A, %dma_start3A, %mul3A_860] : memref<32x16x32768xf32, #tpu.memory_space<hbm>> -> memref<1x1x2048xf32, #tpu.memory_space<hbm>>
      %dma_start3A_865 = tpu.memref_squeeze %dma_start3A_864 : memref<1x1x2048xf32, #tpu.memory_space<hbm>> -> memref<2048xf32, #tpu.memory_space<hbm>>
      %dma_start3A_866 = tpu.memref_slice %arg8[%mul3A_862] : memref<32768xf32, #tpu.memory_space<vmem>> -> memref<2048xf32, #tpu.memory_space<vmem>>
      %dma_start3A_867 = tpu.memref_slice %arg2[%add3A, %dma_start3A, %mul3A_860] : memref<32x16x32768xf32, #tpu.memory_space<hbm>> -> memref<1x1x2048xf32, #tpu.memory_space<hbm>>
      %dma_start3A_868 = tpu.memref_squeeze %dma_start3A_867 : memref<1x1x2048xf32, #tpu.memory_space<hbm>> -> memref<2048xf32, #tpu.memory_space<hbm>>
      tpu.enqueue_dma source(%dma_start3A_868 : memref<2048xf32, #tpu.memory_space<hbm>>) target(%dma_start3A_866 : memref<2048xf32, #tpu.memory_space<vmem>>) target_semaphore(%arg10 : memref<!tpu.dma_semaphore, #tpu.memory_space<semaphore_mem>>)
    }
    %while3A_623 = arith.constant 1 : i32
    scf.for %while3A_858 = %while3A_621 to %while3A_617 step %while3A_623  : i32 {
      %mul3A_859 = arith.constant 2048 : i32
      %mul3A_860 = arith.muli %while3A_858, %mul3A_859 : i32
      %mul3A_861 = arith.constant 2048 : i32
      %mul3A_862 = arith.muli %while3A_858, %mul3A_861 : i32
      %dma_start3A = arith.constant 3 : i32
      %dma_start3A_863 = tpu.memref_slice %arg8[%mul3A_862] : memref<32768xf32, #tpu.memory_space<vmem>> -> memref<2048xf32, #tpu.memory_space<vmem>>
      %dma_start3A_864 = tpu.memref_slice %arg2[%add3A, %dma_start3A, %mul3A_860] : memref<32x16x32768xf32, #tpu.memory_space<hbm>> -> memref<1x1x2048xf32, #tpu.memory_space<hbm>>
      %dma_start3A_865 = tpu.memref_squeeze %dma_start3A_864 : memref<1x1x2048xf32, #tpu.memory_space<hbm>> -> memref<2048xf32, #tpu.memory_space<hbm>>
      %dma_start3A_866 = tpu.memref_slice %arg8[%mul3A_862] : memref<32768xf32, #tpu.memory_space<vmem>> -> memref<2048xf32, #tpu.memory_space<vmem>>
      %dma_start3A_867 = tpu.memref_slice %arg2[%add3A, %dma_start3A, %mul3A_860] : memref<32x16x32768xf32, #tpu.memory_space<hbm>> -> memref<1x1x2048xf32, #tpu.memory_space<hbm>>
      %dma_start3A_868 = tpu.memref_squeeze %dma_start3A_867 : memref<1x1x2048xf32, #tpu.memory_space<hbm>> -> memref<2048xf32, #tpu.memory_space<hbm>>
      tpu.enqueue_dma source(%dma_start3A_868 : memref<2048xf32, #tpu.memory_space<hbm>>) target(%dma_start3A_866 : memref<2048xf32, #tpu.memory_space<vmem>>) target_semaphore(%arg10 : memref<!tpu.dma_semaphore, #tpu.memory_space<semaphore_mem>>)
    }
    %while3A_624 = arith.constant 0 : i32
    %while3A_625 = arith.subi %select_n3A_147, %while3A_624 : i32
    %while3A_626 = arith.addi %while3A_624, %while3A_625 : i32
    %while3A_627 = arith.constant 1 : i32
    %while3A_628 = arith.divsi %while3A_625, %while3A_627 : i32
    %while3A_629 = arith.muli %while3A_628, %while3A_627 : i32
    %while3A_630 = arith.addi %while3A_624, %while3A_629 : i32
    %while3A_631 = arith.constant 1 : i32
    scf.for %while3A_858 = %while3A_624 to %while3A_630 step %while3A_631  : i32 {
      %mul3A_859 = arith.constant 2048 : i32
      %mul3A_860 = arith.muli %while3A_858, %mul3A_859 : i32
      %dma_wait3A = arith.constant 2 : i32
      %dma_wait3A_861 = tpu.memref_slice %arg7[%mul3A_860] : memref<32768xf32, #tpu.memory_space<vmem>> -> memref<2048xf32, #tpu.memory_space<vmem>>
      %dma_wait3A_862 = tpu.memref_slice %arg2[%add3A, %dma_wait3A, %mul3A_860] : memref<32x16x32768xf32, #tpu.memory_space<hbm>> -> memref<1x1x2048xf32, #tpu.memory_space<hbm>>
      %dma_wait3A_863 = tpu.memref_squeeze %dma_wait3A_862 : memref<1x1x2048xf32, #tpu.memory_space<hbm>> -> memref<2048xf32, #tpu.memory_space<hbm>>
      %dma_wait3A_864 = tpu.memref_slice %arg7[%mul3A_860] : memref<32768xf32, #tpu.memory_space<vmem>> -> memref<2048xf32, #tpu.memory_space<vmem>>
      %dma_wait3A_865 = tpu.memref_slice %arg2[%add3A, %dma_wait3A, %mul3A_860] : memref<32x16x32768xf32, #tpu.memory_space<hbm>> -> memref<1x1x2048xf32, #tpu.memory_space<hbm>>
      %dma_wait3A_866 = tpu.memref_squeeze %dma_wait3A_865 : memref<1x1x2048xf32, #tpu.memory_space<hbm>> -> memref<2048xf32, #tpu.memory_space<hbm>>
      tpu.wait_dma2 semaphore(%arg9 : memref<!tpu.dma_semaphore, #tpu.memory_space<semaphore_mem>>) src(%dma_wait3A_866 : memref<2048xf32, #tpu.memory_space<hbm>>) dst(%dma_wait3A_864 : memref<2048xf32, #tpu.memory_space<vmem>>)
      %parallel_loop3A = arith.constant 0 : i32
      %parallel_loop3A_867 = arith.constant 2048 : i32
      %parallel_loop3A_868 = arith.constant 16 : i32
      scf.for %parallel_loop3A_869 = %parallel_loop3A to %parallel_loop3A_867 step %parallel_loop3A_868  : i32 {
        %parallel_loop3A_870 = arith.addi %mul3A_13, %mul3A_860 : i32
        %parallel_loop3A_871 = arith.addi %parallel_loop3A_870, %parallel_loop3A_869 : i32
        %parallel_loop3A_872 = arith.addi %mul3A_860, %parallel_loop3A_869 : i32
        %parallel_loop3A_873 = arith.index_cast %parallel_loop3A_872 : i32 to index
        %parallel_loop3A_874 = tpu.vector_load %arg7[%parallel_loop3A_873] {strides = array<i32>} : memref<32768xf32, #tpu.memory_space<vmem>>, vector<16xf32>,
        %parallel_loop3A_875 = vector.shape_cast %parallel_loop3A_874 : vector<16xf32> to vector<16xf32>
        %parallel_loop3A_876 = arith.index_cast %parallel_loop3A_871 : i32 to index
        %parallel_loop3A_877 = tpu.vector_load %arg6[%parallel_loop3A_876] {strides = array<i32>} : memref<34560xf32, #tpu.memory_space<vmem>>, vector<16xf32>,
        %parallel_loop3A_878 = vector.shape_cast %parallel_loop3A_877 : vector<16xf32> to vector<16xf32>
        %parallel_loop3A_879 = vector.shape_cast %parallel_loop3A_875 : vector<16xf32> to vector<16xf32>
        tpu.vector_store %arg6[%parallel_loop3A_876], %parallel_loop3A_879 {add = true, strides = array<i32>} : memref<34560xf32, #tpu.memory_space<vmem>>, vector<16xf32>,
      } {sc.loop_unroll_factor = 8 : i64, sc.parallel_access}
    }
    %while3A_632 = arith.constant 1 : i32
    scf.for %while3A_858 = %while3A_630 to %while3A_626 step %while3A_632  : i32 {
      %mul3A_859 = arith.constant 2048 : i32
      %mul3A_860 = arith.muli %while3A_858, %mul3A_859 : i32
      %dma_wait3A = arith.constant 2 : i32
      %dma_wait3A_861 = tpu.memref_slice %arg7[%mul3A_860] : memref<32768xf32, #tpu.memory_space<vmem>> -> memref<2048xf32, #tpu.memory_space<vmem>>
      %dma_wait3A_862 = tpu.memref_slice %arg2[%add3A, %dma_wait3A, %mul3A_860] : memref<32x16x32768xf32, #tpu.memory_space<hbm>> -> memref<1x1x2048xf32, #tpu.memory_space<hbm>>
      %dma_wait3A_863 = tpu.memref_squeeze %dma_wait3A_862 : memref<1x1x2048xf32, #tpu.memory_space<hbm>> -> memref<2048xf32, #tpu.memory_space<hbm>>
      %dma_wait3A_864 = tpu.memref_slice %arg7[%mul3A_860] : memref<32768xf32, #tpu.memory_space<vmem>> -> memref<2048xf32, #tpu.memory_space<vmem>>
      %dma_wait3A_865 = tpu.memref_slice %arg2[%add3A, %dma_wait3A, %mul3A_860] : memref<32x16x32768xf32, #tpu.memory_space<hbm>> -> memref<1x1x2048xf32, #tpu.memory_space<hbm>>
      %dma_wait3A_866 = tpu.memref_squeeze %dma_wait3A_865 : memref<1x1x2048xf32, #tpu.memory_space<hbm>> -> memref<2048xf32, #tpu.memory_space<hbm>>
      tpu.wait_dma2 semaphore(%arg9 : memref<!tpu.dma_semaphore, #tpu.memory_space<semaphore_mem>>) src(%dma_wait3A_866 : memref<2048xf32, #tpu.memory_space<hbm>>) dst(%dma_wait3A_864 : memref<2048xf32, #tpu.memory_space<vmem>>)
      %parallel_loop3A = arith.constant 0 : i32
      %parallel_loop3A_867 = arith.constant 2048 : i32
      %parallel_loop3A_868 = arith.constant 16 : i32
      scf.for %parallel_loop3A_869 = %parallel_loop3A to %parallel_loop3A_867 step %parallel_loop3A_868  : i32 {
        %parallel_loop3A_870 = arith.addi %mul3A_13, %mul3A_860 : i32
        %parallel_loop3A_871 = arith.addi %parallel_loop3A_870, %parallel_loop3A_869 : i32
        %parallel_loop3A_872 = arith.addi %mul3A_860, %parallel_loop3A_869 : i32
        %parallel_loop3A_873 = arith.index_cast %parallel_loop3A_872 : i32 to index
        %parallel_loop3A_874 = tpu.vector_load %arg7[%parallel_loop3A_873] {strides = array<i32>} : memref<32768xf32, #tpu.memory_space<vmem>>, vector<16xf32>,
        %parallel_loop3A_875 = vector.shape_cast %parallel_loop3A_874 : vector<16xf32> to vector<16xf32>
        %parallel_loop3A_876 = arith.index_cast %parallel_loop3A_871 : i32 to index
        %parallel_loop3A_877 = tpu.vector_load %arg6[%parallel_loop3A_876] {strides = array<i32>} : memref<34560xf32, #tpu.memory_space<vmem>>, vector<16xf32>,
        %parallel_loop3A_878 = vector.shape_cast %parallel_loop3A_877 : vector<16xf32> to vector<16xf32>
        %parallel_loop3A_879 = vector.shape_cast %parallel_loop3A_875 : vector<16xf32> to vector<16xf32>
        tpu.vector_store %arg6[%parallel_loop3A_876], %parallel_loop3A_879 {add = true, strides = array<i32>} : memref<34560xf32, #tpu.memory_space<vmem>>, vector<16xf32>,
      } {sc.loop_unroll_factor = 8 : i64, sc.parallel_access}
    }
    %while3A_633 = arith.constant 0 : i32
    %while3A_634 = arith.subi %select_n3A_207, %while3A_633 : i32
    %while3A_635 = arith.addi %while3A_633, %while3A_634 : i32
    %while3A_636 = arith.constant 1 : i32
    %while3A_637 = arith.divsi %while3A_634, %while3A_636 : i32
    %while3A_638 = arith.muli %while3A_637, %while3A_636 : i32
    %while3A_639 = arith.addi %while3A_633, %while3A_638 : i32
    %while3A_640 = arith.constant 1 : i32
    scf.for %while3A_858 = %while3A_633 to %while3A_639 step %while3A_640  : i32 {
      %mul3A_859 = arith.constant 2048 : i32
      %mul3A_860 = arith.muli %while3A_858, %mul3A_859 : i32
      %mul3A_861 = arith.constant 2048 : i32
      %mul3A_862 = arith.muli %while3A_858, %mul3A_861 : i32
      %dma_start3A = arith.constant 4 : i32
      %dma_start3A_863 = tpu.memref_slice %arg7[%mul3A_862] : memref<32768xf32, #tpu.memory_space<vmem>> -> memref<2048xf32, #tpu.memory_space<vmem>>
      %dma_start3A_864 = tpu.memref_slice %arg2[%add3A, %dma_start3A, %mul3A_860] : memref<32x16x32768xf32, #tpu.memory_space<hbm>> -> memref<1x1x2048xf32, #tpu.memory_space<hbm>>
      %dma_start3A_865 = tpu.memref_squeeze %dma_start3A_864 : memref<1x1x2048xf32, #tpu.memory_space<hbm>> -> memref<2048xf32, #tpu.memory_space<hbm>>
      %dma_start3A_866 = tpu.memref_slice %arg7[%mul3A_862] : memref<32768xf32, #tpu.memory_space<vmem>> -> memref<2048xf32, #tpu.memory_space<vmem>>
      %dma_start3A_867 = tpu.memref_slice %arg2[%add3A, %dma_start3A, %mul3A_860] : memref<32x16x32768xf32, #tpu.memory_space<hbm>> -> memref<1x1x2048xf32, #tpu.memory_space<hbm>>
      %dma_start3A_868 = tpu.memref_squeeze %dma_start3A_867 : memref<1x1x2048xf32, #tpu.memory_space<hbm>> -> memref<2048xf32, #tpu.memory_space<hbm>>
      tpu.enqueue_dma source(%dma_start3A_868 : memref<2048xf32, #tpu.memory_space<hbm>>) target(%dma_start3A_866 : memref<2048xf32, #tpu.memory_space<vmem>>) target_semaphore(%arg9 : memref<!tpu.dma_semaphore, #tpu.memory_space<semaphore_mem>>)
    }
    %while3A_641 = arith.constant 1 : i32
    scf.for %while3A_858 = %while3A_639 to %while3A_635 step %while3A_641  : i32 {
      %mul3A_859 = arith.constant 2048 : i32
      %mul3A_860 = arith.muli %while3A_858, %mul3A_859 : i32
      %mul3A_861 = arith.constant 2048 : i32
      %mul3A_862 = arith.muli %while3A_858, %mul3A_861 : i32
      %dma_start3A = arith.constant 4 : i32
      %dma_start3A_863 = tpu.memref_slice %arg7[%mul3A_862] : memref<32768xf32, #tpu.memory_space<vmem>> -> memref<2048xf32, #tpu.memory_space<vmem>>
      %dma_start3A_864 = tpu.memref_slice %arg2[%add3A, %dma_start3A, %mul3A_860] : memref<32x16x32768xf32, #tpu.memory_space<hbm>> -> memref<1x1x2048xf32, #tpu.memory_space<hbm>>
      %dma_start3A_865 = tpu.memref_squeeze %dma_start3A_864 : memref<1x1x2048xf32, #tpu.memory_space<hbm>> -> memref<2048xf32, #tpu.memory_space<hbm>>
      %dma_start3A_866 = tpu.memref_slice %arg7[%mul3A_862] : memref<32768xf32, #tpu.memory_space<vmem>> -> memref<2048xf32, #tpu.memory_space<vmem>>
      %dma_start3A_867 = tpu.memref_slice %arg2[%add3A, %dma_start3A, %mul3A_860] : memref<32x16x32768xf32, #tpu.memory_space<hbm>> -> memref<1x1x2048xf32, #tpu.memory_space<hbm>>
      %dma_start3A_868 = tpu.memref_squeeze %dma_start3A_867 : memref<1x1x2048xf32, #tpu.memory_space<hbm>> -> memref<2048xf32, #tpu.memory_space<hbm>>
      tpu.enqueue_dma source(%dma_start3A_868 : memref<2048xf32, #tpu.memory_space<hbm>>) target(%dma_start3A_866 : memref<2048xf32, #tpu.memory_space<vmem>>) target_semaphore(%arg9 : memref<!tpu.dma_semaphore, #tpu.memory_space<semaphore_mem>>)
    }
    %while3A_642 = arith.constant 0 : i32
    %while3A_643 = arith.subi %select_n3A_177, %while3A_642 : i32
    %while3A_644 = arith.addi %while3A_642, %while3A_643 : i32
    %while3A_645 = arith.constant 1 : i32
    %while3A_646 = arith.divsi %while3A_643, %while3A_645 : i32
    %while3A_647 = arith.muli %while3A_646, %while3A_645 : i32
    %while3A_648 = arith.addi %while3A_642, %while3A_647 : i32
    %while3A_649 = arith.constant 1 : i32
    scf.for %while3A_858 = %while3A_642 to %while3A_648 step %while3A_649  : i32 {
      %mul3A_859 = arith.constant 2048 : i32
      %mul3A_860 = arith.muli %while3A_858, %mul3A_859 : i32
      %dma_wait3A = arith.constant 3 : i32
      %dma_wait3A_861 = tpu.memref_slice %arg8[%mul3A_860] : memref<32768xf32, #tpu.memory_space<vmem>> -> memref<2048xf32, #tpu.memory_space<vmem>>
      %dma_wait3A_862 = tpu.memref_slice %arg2[%add3A, %dma_wait3A, %mul3A_860] : memref<32x16x32768xf32, #tpu.memory_space<hbm>> -> memref<1x1x2048xf32, #tpu.memory_space<hbm>>
      %dma_wait3A_863 = tpu.memref_squeeze %dma_wait3A_862 : memref<1x1x2048xf32, #tpu.memory_space<hbm>> -> memref<2048xf32, #tpu.memory_space<hbm>>
      %dma_wait3A_864 = tpu.memref_slice %arg8[%mul3A_860] : memref<32768xf32, #tpu.memory_space<vmem>> -> memref<2048xf32, #tpu.memory_space<vmem>>
      %dma_wait3A_865 = tpu.memref_slice %arg2[%add3A, %dma_wait3A, %mul3A_860] : memref<32x16x32768xf32, #tpu.memory_space<hbm>> -> memref<1x1x2048xf32, #tpu.memory_space<hbm>>
      %dma_wait3A_866 = tpu.memref_squeeze %dma_wait3A_865 : memref<1x1x2048xf32, #tpu.memory_space<hbm>> -> memref<2048xf32, #tpu.memory_space<hbm>>
      tpu.wait_dma2 semaphore(%arg10 : memref<!tpu.dma_semaphore, #tpu.memory_space<semaphore_mem>>) src(%dma_wait3A_866 : memref<2048xf32, #tpu.memory_space<hbm>>) dst(%dma_wait3A_864 : memref<2048xf32, #tpu.memory_space<vmem>>)
      %parallel_loop3A = arith.constant 0 : i32
      %parallel_loop3A_867 = arith.constant 2048 : i32
      %parallel_loop3A_868 = arith.constant 16 : i32
      scf.for %parallel_loop3A_869 = %parallel_loop3A to %parallel_loop3A_867 step %parallel_loop3A_868  : i32 {
        %parallel_loop3A_870 = arith.addi %mul3A_17, %mul3A_860 : i32
        %parallel_loop3A_871 = arith.addi %parallel_loop3A_870, %parallel_loop3A_869 : i32
        %parallel_loop3A_872 = arith.addi %mul3A_860, %parallel_loop3A_869 : i32
        %parallel_loop3A_873 = arith.index_cast %parallel_loop3A_872 : i32 to index
        %parallel_loop3A_874 = tpu.vector_load %arg8[%parallel_loop3A_873] {strides = array<i32>} : memref<32768xf32, #tpu.memory_space<vmem>>, vector<16xf32>,
        %parallel_loop3A_875 = vector.shape_cast %parallel_loop3A_874 : vector<16xf32> to vector<16xf32>
        %parallel_loop3A_876 = arith.index_cast %parallel_loop3A_871 : i32 to index
        %parallel_loop3A_877 = tpu.vector_load %arg6[%parallel_loop3A_876] {strides = array<i32>} : memref<34560xf32, #tpu.memory_space<vmem>>, vector<16xf32>,
        %parallel_loop3A_878 = vector.shape_cast %parallel_loop3A_877 : vector<16xf32> to vector<16xf32>
        %parallel_loop3A_879 = vector.shape_cast %parallel_loop3A_875 : vector<16xf32> to vector<16xf32>
        tpu.vector_store %arg6[%parallel_loop3A_876], %parallel_loop3A_879 {add = true, strides = array<i32>} : memref<34560xf32, #tpu.memory_space<vmem>>, vector<16xf32>,
      } {sc.loop_unroll_factor = 8 : i64, sc.parallel_access}
    }
    %while3A_650 = arith.constant 1 : i32
    scf.for %while3A_858 = %while3A_648 to %while3A_644 step %while3A_650  : i32 {
      %mul3A_859 = arith.constant 2048 : i32
      %mul3A_860 = arith.muli %while3A_858, %mul3A_859 : i32
      %dma_wait3A = arith.constant 3 : i32
      %dma_wait3A_861 = tpu.memref_slice %arg8[%mul3A_860] : memref<32768xf32, #tpu.memory_space<vmem>> -> memref<2048xf32, #tpu.memory_space<vmem>>
      %dma_wait3A_862 = tpu.memref_slice %arg2[%add3A, %dma_wait3A, %mul3A_860] : memref<32x16x32768xf32, #tpu.memory_space<hbm>> -> memref<1x1x2048xf32, #tpu.memory_space<hbm>>
      %dma_wait3A_863 = tpu.memref_squeeze %dma_wait3A_862 : memref<1x1x2048xf32, #tpu.memory_space<hbm>> -> memref<2048xf32, #tpu.memory_space<hbm>>
      %dma_wait3A_864 = tpu.memref_slice %arg8[%mul3A_860] : memref<32768xf32, #tpu.memory_space<vmem>> -> memref<2048xf32, #tpu.memory_space<vmem>>
      %dma_wait3A_865 = tpu.memref_slice %arg2[%add3A, %dma_wait3A, %mul3A_860] : memref<32x16x32768xf32, #tpu.memory_space<hbm>> -> memref<1x1x2048xf32, #tpu.memory_space<hbm>>
      %dma_wait3A_866 = tpu.memref_squeeze %dma_wait3A_865 : memref<1x1x2048xf32, #tpu.memory_space<hbm>> -> memref<2048xf32, #tpu.memory_space<hbm>>
      tpu.wait_dma2 semaphore(%arg10 : memref<!tpu.dma_semaphore, #tpu.memory_space<semaphore_mem>>) src(%dma_wait3A_866 : memref<2048xf32, #tpu.memory_space<hbm>>) dst(%dma_wait3A_864 : memref<2048xf32, #tpu.memory_space<vmem>>)
      %parallel_loop3A = arith.constant 0 : i32
      %parallel_loop3A_867 = arith.constant 2048 : i32
      %parallel_loop3A_868 = arith.constant 16 : i32
      scf.for %parallel_loop3A_869 = %parallel_loop3A to %parallel_loop3A_867 step %parallel_loop3A_868  : i32 {
        %parallel_loop3A_870 = arith.addi %mul3A_17, %mul3A_860 : i32
        %parallel_loop3A_871 = arith.addi %parallel_loop3A_870, %parallel_loop3A_869 : i32
        %parallel_loop3A_872 = arith.addi %mul3A_860, %parallel_loop3A_869 : i32
        %parallel_loop3A_873 = arith.index_cast %parallel_loop3A_872 : i32 to index
        %parallel_loop3A_874 = tpu.vector_load %arg8[%parallel_loop3A_873] {strides = array<i32>} : memref<32768xf32, #tpu.memory_space<vmem>>, vector<16xf32>,
        %parallel_loop3A_875 = vector.shape_cast %parallel_loop3A_874 : vector<16xf32> to vector<16xf32>
        %parallel_loop3A_876 = arith.index_cast %parallel_loop3A_871 : i32 to index
        %parallel_loop3A_877 = tpu.vector_load %arg6[%parallel_loop3A_876] {strides = array<i32>} : memref<34560xf32, #tpu.memory_space<vmem>>, vector<16xf32>,
        %parallel_loop3A_878 = vector.shape_cast %parallel_loop3A_877 : vector<16xf32> to vector<16xf32>
        %parallel_loop3A_879 = vector.shape_cast %parallel_loop3A_875 : vector<16xf32> to vector<16xf32>
        tpu.vector_store %arg6[%parallel_loop3A_876], %parallel_loop3A_879 {add = true, strides = array<i32>} : memref<34560xf32, #tpu.memory_space<vmem>>, vector<16xf32>,
      } {sc.loop_unroll_factor = 8 : i64, sc.parallel_access}
    }
    %while3A_651 = arith.constant 0 : i32
    %while3A_652 = arith.subi %select_n3A_237, %while3A_651 : i32
    %while3A_653 = arith.addi %while3A_651, %while3A_652 : i32
    %while3A_654 = arith.constant 1 : i32
    %while3A_655 = arith.divsi %while3A_652, %while3A_654 : i32
    %while3A_656 = arith.muli %while3A_655, %while3A_654 : i32
    %while3A_657 = arith.addi %while3A_651, %while3A_656 : i32
    %while3A_658 = arith.constant 1 : i32
    scf.for %while3A_858 = %while3A_651 to %while3A_657 step %while3A_658  : i32 {
      %mul3A_859 = arith.constant 2048 : i32
      %mul3A_860 = arith.muli %while3A_858, %mul3A_859 : i32
      %mul3A_861 = arith.constant 2048 : i32
      %mul3A_862 = arith.muli %while3A_858, %mul3A_861 : i32
      %dma_start3A = arith.constant 5 : i32
      %dma_start3A_863 = tpu.memref_slice %arg8[%mul3A_862] : memref<32768xf32, #tpu.memory_space<vmem>> -> memref<2048xf32, #tpu.memory_space<vmem>>
      %dma_start3A_864 = tpu.memref_slice %arg2[%add3A, %dma_start3A, %mul3A_860] : memref<32x16x32768xf32, #tpu.memory_space<hbm>> -> memref<1x1x2048xf32, #tpu.memory_space<hbm>>
      %dma_start3A_865 = tpu.memref_squeeze %dma_start3A_864 : memref<1x1x2048xf32, #tpu.memory_space<hbm>> -> memref<2048xf32, #tpu.memory_space<hbm>>
      %dma_start3A_866 = tpu.memref_slice %arg8[%mul3A_862] : memref<32768xf32, #tpu.memory_space<vmem>> -> memref<2048xf32, #tpu.memory_space<vmem>>
      %dma_start3A_867 = tpu.memref_slice %arg2[%add3A, %dma_start3A, %mul3A_860] : memref<32x16x32768xf32, #tpu.memory_space<hbm>> -> memref<1x1x2048xf32, #tpu.memory_space<hbm>>
      %dma_start3A_868 = tpu.memref_squeeze %dma_start3A_867 : memref<1x1x2048xf32, #tpu.memory_space<hbm>> -> memref<2048xf32, #tpu.memory_space<hbm>>
      tpu.enqueue_dma source(%dma_start3A_868 : memref<2048xf32, #tpu.memory_space<hbm>>) target(%dma_start3A_866 : memref<2048xf32, #tpu.memory_space<vmem>>) target_semaphore(%arg10 : memref<!tpu.dma_semaphore, #tpu.memory_space<semaphore_mem>>)
    }
    %while3A_659 = arith.constant 1 : i32
    scf.for %while3A_858 = %while3A_657 to %while3A_653 step %while3A_659  : i32 {
      %mul3A_859 = arith.constant 2048 : i32
      %mul3A_860 = arith.muli %while3A_858, %mul3A_859 : i32
      %mul3A_861 = arith.constant 2048 : i32
      %mul3A_862 = arith.muli %while3A_858, %mul3A_861 : i32
      %dma_start3A = arith.constant 5 : i32
      %dma_start3A_863 = tpu.memref_slice %arg8[%mul3A_862] : memref<32768xf32, #tpu.memory_space<vmem>> -> memref<2048xf32, #tpu.memory_space<vmem>>
      %dma_start3A_864 = tpu.memref_slice %arg2[%add3A, %dma_start3A, %mul3A_860] : memref<32x16x32768xf32, #tpu.memory_space<hbm>> -> memref<1x1x2048xf32, #tpu.memory_space<hbm>>
      %dma_start3A_865 = tpu.memref_squeeze %dma_start3A_864 : memref<1x1x2048xf32, #tpu.memory_space<hbm>> -> memref<2048xf32, #tpu.memory_space<hbm>>
      %dma_start3A_866 = tpu.memref_slice %arg8[%mul3A_862] : memref<32768xf32, #tpu.memory_space<vmem>> -> memref<2048xf32, #tpu.memory_space<vmem>>
      %dma_start3A_867 = tpu.memref_slice %arg2[%add3A, %dma_start3A, %mul3A_860] : memref<32x16x32768xf32, #tpu.memory_space<hbm>> -> memref<1x1x2048xf32, #tpu.memory_space<hbm>>
      %dma_start3A_868 = tpu.memref_squeeze %dma_start3A_867 : memref<1x1x2048xf32, #tpu.memory_space<hbm>> -> memref<2048xf32, #tpu.memory_space<hbm>>
      tpu.enqueue_dma source(%dma_start3A_868 : memref<2048xf32, #tpu.memory_space<hbm>>) target(%dma_start3A_866 : memref<2048xf32, #tpu.memory_space<vmem>>) target_semaphore(%arg10 : memref<!tpu.dma_semaphore, #tpu.memory_space<semaphore_mem>>)
    }
    %while3A_660 = arith.constant 0 : i32
    %while3A_661 = arith.subi %select_n3A_207, %while3A_660 : i32
    %while3A_662 = arith.addi %while3A_660, %while3A_661 : i32
    %while3A_663 = arith.constant 1 : i32
    %while3A_664 = arith.divsi %while3A_661, %while3A_663 : i32
    %while3A_665 = arith.muli %while3A_664, %while3A_663 : i32
    %while3A_666 = arith.addi %while3A_660, %while3A_665 : i32
    %while3A_667 = arith.constant 1 : i32
    scf.for %while3A_858 = %while3A_660 to %while3A_666 step %while3A_667  : i32 {
      %mul3A_859 = arith.constant 2048 : i32
      %mul3A_860 = arith.muli %while3A_858, %mul3A_859 : i32
      %dma_wait3A = arith.constant 4 : i32
      %dma_wait3A_861 = tpu.memref_slice %arg7[%mul3A_860] : memref<32768xf32, #tpu.memory_space<vmem>> -> memref<2048xf32, #tpu.memory_space<vmem>>
      %dma_wait3A_862 = tpu.memref_slice %arg2[%add3A, %dma_wait3A, %mul3A_860] : memref<32x16x32768xf32, #tpu.memory_space<hbm>> -> memref<1x1x2048xf32, #tpu.memory_space<hbm>>
      %dma_wait3A_863 = tpu.memref_squeeze %dma_wait3A_862 : memref<1x1x2048xf32, #tpu.memory_space<hbm>> -> memref<2048xf32, #tpu.memory_space<hbm>>
      %dma_wait3A_864 = tpu.memref_slice %arg7[%mul3A_860] : memref<32768xf32, #tpu.memory_space<vmem>> -> memref<2048xf32, #tpu.memory_space<vmem>>
      %dma_wait3A_865 = tpu.memref_slice %arg2[%add3A, %dma_wait3A, %mul3A_860] : memref<32x16x32768xf32, #tpu.memory_space<hbm>> -> memref<1x1x2048xf32, #tpu.memory_space<hbm>>
      %dma_wait3A_866 = tpu.memref_squeeze %dma_wait3A_865 : memref<1x1x2048xf32, #tpu.memory_space<hbm>> -> memref<2048xf32, #tpu.memory_space<hbm>>
      tpu.wait_dma2 semaphore(%arg9 : memref<!tpu.dma_semaphore, #tpu.memory_space<semaphore_mem>>) src(%dma_wait3A_866 : memref<2048xf32, #tpu.memory_space<hbm>>) dst(%dma_wait3A_864 : memref<2048xf32, #tpu.memory_space<vmem>>)
      %parallel_loop3A = arith.constant 0 : i32
      %parallel_loop3A_867 = arith.constant 2048 : i32
      %parallel_loop3A_868 = arith.constant 16 : i32
      scf.for %parallel_loop3A_869 = %parallel_loop3A to %parallel_loop3A_867 step %parallel_loop3A_868  : i32 {
        %parallel_loop3A_870 = arith.addi %mul3A_21, %mul3A_860 : i32
        %parallel_loop3A_871 = arith.addi %parallel_loop3A_870, %parallel_loop3A_869 : i32
        %parallel_loop3A_872 = arith.addi %mul3A_860, %parallel_loop3A_869 : i32
        %parallel_loop3A_873 = arith.index_cast %parallel_loop3A_872 : i32 to index
        %parallel_loop3A_874 = tpu.vector_load %arg7[%parallel_loop3A_873] {strides = array<i32>} : memref<32768xf32, #tpu.memory_space<vmem>>, vector<16xf32>,
        %parallel_loop3A_875 = vector.shape_cast %parallel_loop3A_874 : vector<16xf32> to vector<16xf32>
        %parallel_loop3A_876 = arith.index_cast %parallel_loop3A_871 : i32 to index
        %parallel_loop3A_877 = tpu.vector_load %arg6[%parallel_loop3A_876] {strides = array<i32>} : memref<34560xf32, #tpu.memory_space<vmem>>, vector<16xf32>,
        %parallel_loop3A_878 = vector.shape_cast %parallel_loop3A_877 : vector<16xf32> to vector<16xf32>
        %parallel_loop3A_879 = vector.shape_cast %parallel_loop3A_875 : vector<16xf32> to vector<16xf32>
        tpu.vector_store %arg6[%parallel_loop3A_876], %parallel_loop3A_879 {add = true, strides = array<i32>} : memref<34560xf32, #tpu.memory_space<vmem>>, vector<16xf32>,
      } {sc.loop_unroll_factor = 8 : i64, sc.parallel_access}
    }
    %while3A_668 = arith.constant 1 : i32
    scf.for %while3A_858 = %while3A_666 to %while3A_662 step %while3A_668  : i32 {
      %mul3A_859 = arith.constant 2048 : i32
      %mul3A_860 = arith.muli %while3A_858, %mul3A_859 : i32
      %dma_wait3A = arith.constant 4 : i32
      %dma_wait3A_861 = tpu.memref_slice %arg7[%mul3A_860] : memref<32768xf32, #tpu.memory_space<vmem>> -> memref<2048xf32, #tpu.memory_space<vmem>>
      %dma_wait3A_862 = tpu.memref_slice %arg2[%add3A, %dma_wait3A, %mul3A_860] : memref<32x16x32768xf32, #tpu.memory_space<hbm>> -> memref<1x1x2048xf32, #tpu.memory_space<hbm>>
      %dma_wait3A_863 = tpu.memref_squeeze %dma_wait3A_862 : memref<1x1x2048xf32, #tpu.memory_space<hbm>> -> memref<2048xf32, #tpu.memory_space<hbm>>
      %dma_wait3A_864 = tpu.memref_slice %arg7[%mul3A_860] : memref<32768xf32, #tpu.memory_space<vmem>> -> memref<2048xf32, #tpu.memory_space<vmem>>
      %dma_wait3A_865 = tpu.memref_slice %arg2[%add3A, %dma_wait3A, %mul3A_860] : memref<32x16x32768xf32, #tpu.memory_space<hbm>> -> memref<1x1x2048xf32, #tpu.memory_space<hbm>>
      %dma_wait3A_866 = tpu.memref_squeeze %dma_wait3A_865 : memref<1x1x2048xf32, #tpu.memory_space<hbm>> -> memref<2048xf32, #tpu.memory_space<hbm>>
      tpu.wait_dma2 semaphore(%arg9 : memref<!tpu.dma_semaphore, #tpu.memory_space<semaphore_mem>>) src(%dma_wait3A_866 : memref<2048xf32, #tpu.memory_space<hbm>>) dst(%dma_wait3A_864 : memref<2048xf32, #tpu.memory_space<vmem>>)
      %parallel_loop3A = arith.constant 0 : i32
      %parallel_loop3A_867 = arith.constant 2048 : i32
      %parallel_loop3A_868 = arith.constant 16 : i32
      scf.for %parallel_loop3A_869 = %parallel_loop3A to %parallel_loop3A_867 step %parallel_loop3A_868  : i32 {
        %parallel_loop3A_870 = arith.addi %mul3A_21, %mul3A_860 : i32
        %parallel_loop3A_871 = arith.addi %parallel_loop3A_870, %parallel_loop3A_869 : i32
        %parallel_loop3A_872 = arith.addi %mul3A_860, %parallel_loop3A_869 : i32
        %parallel_loop3A_873 = arith.index_cast %parallel_loop3A_872 : i32 to index
        %parallel_loop3A_874 = tpu.vector_load %arg7[%parallel_loop3A_873] {strides = array<i32>} : memref<32768xf32, #tpu.memory_space<vmem>>, vector<16xf32>,
        %parallel_loop3A_875 = vector.shape_cast %parallel_loop3A_874 : vector<16xf32> to vector<16xf32>
        %parallel_loop3A_876 = arith.index_cast %parallel_loop3A_871 : i32 to index
        %parallel_loop3A_877 = tpu.vector_load %arg6[%parallel_loop3A_876] {strides = array<i32>} : memref<34560xf32, #tpu.memory_space<vmem>>, vector<16xf32>,
        %parallel_loop3A_878 = vector.shape_cast %parallel_loop3A_877 : vector<16xf32> to vector<16xf32>
        %parallel_loop3A_879 = vector.shape_cast %parallel_loop3A_875 : vector<16xf32> to vector<16xf32>
        tpu.vector_store %arg6[%parallel_loop3A_876], %parallel_loop3A_879 {add = true, strides = array<i32>} : memref<34560xf32, #tpu.memory_space<vmem>>, vector<16xf32>,
      } {sc.loop_unroll_factor = 8 : i64, sc.parallel_access}
    }
    %while3A_669 = arith.constant 0 : i32
    %while3A_670 = arith.subi %select_n3A_267, %while3A_669 : i32
    %while3A_671 = arith.addi %while3A_669, %while3A_670 : i32
    %while3A_672 = arith.constant 1 : i32
    %while3A_673 = arith.divsi %while3A_670, %while3A_672 : i32
    %while3A_674 = arith.muli %while3A_673, %while3A_672 : i32
    %while3A_675 = arith.addi %while3A_669, %while3A_674 : i32
    %while3A_676 = arith.constant 1 : i32
    scf.for %while3A_858 = %while3A_669 to %while3A_675 step %while3A_676  : i32 {
      %mul3A_859 = arith.constant 2048 : i32
      %mul3A_860 = arith.muli %while3A_858, %mul3A_859 : i32
      %mul3A_861 = arith.constant 2048 : i32
      %mul3A_862 = arith.muli %while3A_858, %mul3A_861 : i32
      %dma_start3A = arith.constant 6 : i32
      %dma_start3A_863 = tpu.memref_slice %arg7[%mul3A_862] : memref<32768xf32, #tpu.memory_space<vmem>> -> memref<2048xf32, #tpu.memory_space<vmem>>
      %dma_start3A_864 = tpu.memref_slice %arg2[%add3A, %dma_start3A, %mul3A_860] : memref<32x16x32768xf32, #tpu.memory_space<hbm>> -> memref<1x1x2048xf32, #tpu.memory_space<hbm>>
      %dma_start3A_865 = tpu.memref_squeeze %dma_start3A_864 : memref<1x1x2048xf32, #tpu.memory_space<hbm>> -> memref<2048xf32, #tpu.memory_space<hbm>>
      %dma_start3A_866 = tpu.memref_slice %arg7[%mul3A_862] : memref<32768xf32, #tpu.memory_space<vmem>> -> memref<2048xf32, #tpu.memory_space<vmem>>
      %dma_start3A_867 = tpu.memref_slice %arg2[%add3A, %dma_start3A, %mul3A_860] : memref<32x16x32768xf32, #tpu.memory_space<hbm>> -> memref<1x1x2048xf32, #tpu.memory_space<hbm>>
      %dma_start3A_868 = tpu.memref_squeeze %dma_start3A_867 : memref<1x1x2048xf32, #tpu.memory_space<hbm>> -> memref<2048xf32, #tpu.memory_space<hbm>>
      tpu.enqueue_dma source(%dma_start3A_868 : memref<2048xf32, #tpu.memory_space<hbm>>) target(%dma_start3A_866 : memref<2048xf32, #tpu.memory_space<vmem>>) target_semaphore(%arg9 : memref<!tpu.dma_semaphore, #tpu.memory_space<semaphore_mem>>)
    }
    %while3A_677 = arith.constant 1 : i32
    scf.for %while3A_858 = %while3A_675 to %while3A_671 step %while3A_677  : i32 {
      %mul3A_859 = arith.constant 2048 : i32
      %mul3A_860 = arith.muli %while3A_858, %mul3A_859 : i32
      %mul3A_861 = arith.constant 2048 : i32
      %mul3A_862 = arith.muli %while3A_858, %mul3A_861 : i32
      %dma_start3A = arith.constant 6 : i32
      %dma_start3A_863 = tpu.memref_slice %arg7[%mul3A_862] : memref<32768xf32, #tpu.memory_space<vmem>> -> memref<2048xf32, #tpu.memory_space<vmem>>
      %dma_start3A_864 = tpu.memref_slice %arg2[%add3A, %dma_start3A, %mul3A_860] : memref<32x16x32768xf32, #tpu.memory_space<hbm>> -> memref<1x1x2048xf32, #tpu.memory_space<hbm>>
      %dma_start3A_865 = tpu.memref_squeeze %dma_start3A_864 : memref<1x1x2048xf32, #tpu.memory_space<hbm>> -> memref<2048xf32, #tpu.memory_space<hbm>>
      %dma_start3A_866 = tpu.memref_slice %arg7[%mul3A_862] : memref<32768xf32, #tpu.memory_space<vmem>> -> memref<2048xf32, #tpu.memory_space<vmem>>
      %dma_start3A_867 = tpu.memref_slice %arg2[%add3A, %dma_start3A, %mul3A_860] : memref<32x16x32768xf32, #tpu.memory_space<hbm>> -> memref<1x1x2048xf32, #tpu.memory_space<hbm>>
      %dma_start3A_868 = tpu.memref_squeeze %dma_start3A_867 : memref<1x1x2048xf32, #tpu.memory_space<hbm>> -> memref<2048xf32, #tpu.memory_space<hbm>>
      tpu.enqueue_dma source(%dma_start3A_868 : memref<2048xf32, #tpu.memory_space<hbm>>) target(%dma_start3A_866 : memref<2048xf32, #tpu.memory_space<vmem>>) target_semaphore(%arg9 : memref<!tpu.dma_semaphore, #tpu.memory_space<semaphore_mem>>)
    }
    %while3A_678 = arith.constant 0 : i32
    %while3A_679 = arith.subi %select_n3A_237, %while3A_678 : i32
    %while3A_680 = arith.addi %while3A_678, %while3A_679 : i32
    %while3A_681 = arith.constant 1 : i32
    %while3A_682 = arith.divsi %while3A_679, %while3A_681 : i32
    %while3A_683 = arith.muli %while3A_682, %while3A_681 : i32
    %while3A_684 = arith.addi %while3A_678, %while3A_683 : i32
    %while3A_685 = arith.constant 1 : i32
    scf.for %while3A_858 = %while3A_678 to %while3A_684 step %while3A_685  : i32 {
      %mul3A_859 = arith.constant 2048 : i32
      %mul3A_860 = arith.muli %while3A_858, %mul3A_859 : i32
      %dma_wait3A = arith.constant 5 : i32
      %dma_wait3A_861 = tpu.memref_slice %arg8[%mul3A_860] : memref<32768xf32, #tpu.memory_space<vmem>> -> memref<2048xf32, #tpu.memory_space<vmem>>
      %dma_wait3A_862 = tpu.memref_slice %arg2[%add3A, %dma_wait3A, %mul3A_860] : memref<32x16x32768xf32, #tpu.memory_space<hbm>> -> memref<1x1x2048xf32, #tpu.memory_space<hbm>>
      %dma_wait3A_863 = tpu.memref_squeeze %dma_wait3A_862 : memref<1x1x2048xf32, #tpu.memory_space<hbm>> -> memref<2048xf32, #tpu.memory_space<hbm>>
      %dma_wait3A_864 = tpu.memref_slice %arg8[%mul3A_860] : memref<32768xf32, #tpu.memory_space<vmem>> -> memref<2048xf32, #tpu.memory_space<vmem>>
      %dma_wait3A_865 = tpu.memref_slice %arg2[%add3A, %dma_wait3A, %mul3A_860] : memref<32x16x32768xf32, #tpu.memory_space<hbm>> -> memref<1x1x2048xf32, #tpu.memory_space<hbm>>
      %dma_wait3A_866 = tpu.memref_squeeze %dma_wait3A_865 : memref<1x1x2048xf32, #tpu.memory_space<hbm>> -> memref<2048xf32, #tpu.memory_space<hbm>>
      tpu.wait_dma2 semaphore(%arg10 : memref<!tpu.dma_semaphore, #tpu.memory_space<semaphore_mem>>) src(%dma_wait3A_866 : memref<2048xf32, #tpu.memory_space<hbm>>) dst(%dma_wait3A_864 : memref<2048xf32, #tpu.memory_space<vmem>>)
      %parallel_loop3A = arith.constant 0 : i32
      %parallel_loop3A_867 = arith.constant 2048 : i32
      %parallel_loop3A_868 = arith.constant 16 : i32
      scf.for %parallel_loop3A_869 = %parallel_loop3A to %parallel_loop3A_867 step %parallel_loop3A_868  : i32 {
        %parallel_loop3A_870 = arith.addi %mul3A_25, %mul3A_860 : i32
        %parallel_loop3A_871 = arith.addi %parallel_loop3A_870, %parallel_loop3A_869 : i32
        %parallel_loop3A_872 = arith.addi %mul3A_860, %parallel_loop3A_869 : i32
        %parallel_loop3A_873 = arith.index_cast %parallel_loop3A_872 : i32 to index
        %parallel_loop3A_874 = tpu.vector_load %arg8[%parallel_loop3A_873] {strides = array<i32>} : memref<32768xf32, #tpu.memory_space<vmem>>, vector<16xf32>,
        %parallel_loop3A_875 = vector.shape_cast %parallel_loop3A_874 : vector<16xf32> to vector<16xf32>
        %parallel_loop3A_876 = arith.index_cast %parallel_loop3A_871 : i32 to index
        %parallel_loop3A_877 = tpu.vector_load %arg6[%parallel_loop3A_876] {strides = array<i32>} : memref<34560xf32, #tpu.memory_space<vmem>>, vector<16xf32>,
        %parallel_loop3A_878 = vector.shape_cast %parallel_loop3A_877 : vector<16xf32> to vector<16xf32>
        %parallel_loop3A_879 = vector.shape_cast %parallel_loop3A_875 : vector<16xf32> to vector<16xf32>
        tpu.vector_store %arg6[%parallel_loop3A_876], %parallel_loop3A_879 {add = true, strides = array<i32>} : memref<34560xf32, #tpu.memory_space<vmem>>, vector<16xf32>,
      } {sc.loop_unroll_factor = 8 : i64, sc.parallel_access}
    }
    %while3A_686 = arith.constant 1 : i32
    scf.for %while3A_858 = %while3A_684 to %while3A_680 step %while3A_686  : i32 {
      %mul3A_859 = arith.constant 2048 : i32
      %mul3A_860 = arith.muli %while3A_858, %mul3A_859 : i32
      %dma_wait3A = arith.constant 5 : i32
      %dma_wait3A_861 = tpu.memref_slice %arg8[%mul3A_860] : memref<32768xf32, #tpu.memory_space<vmem>> -> memref<2048xf32, #tpu.memory_space<vmem>>
      %dma_wait3A_862 = tpu.memref_slice %arg2[%add3A, %dma_wait3A, %mul3A_860] : memref<32x16x32768xf32, #tpu.memory_space<hbm>> -> memref<1x1x2048xf32, #tpu.memory_space<hbm>>
      %dma_wait3A_863 = tpu.memref_squeeze %dma_wait3A_862 : memref<1x1x2048xf32, #tpu.memory_space<hbm>> -> memref<2048xf32, #tpu.memory_space<hbm>>
      %dma_wait3A_864 = tpu.memref_slice %arg8[%mul3A_860] : memref<32768xf32, #tpu.memory_space<vmem>> -> memref<2048xf32, #tpu.memory_space<vmem>>
      %dma_wait3A_865 = tpu.memref_slice %arg2[%add3A, %dma_wait3A, %mul3A_860] : memref<32x16x32768xf32, #tpu.memory_space<hbm>> -> memref<1x1x2048xf32, #tpu.memory_space<hbm>>
      %dma_wait3A_866 = tpu.memref_squeeze %dma_wait3A_865 : memref<1x1x2048xf32, #tpu.memory_space<hbm>> -> memref<2048xf32, #tpu.memory_space<hbm>>
      tpu.wait_dma2 semaphore(%arg10 : memref<!tpu.dma_semaphore, #tpu.memory_space<semaphore_mem>>) src(%dma_wait3A_866 : memref<2048xf32, #tpu.memory_space<hbm>>) dst(%dma_wait3A_864 : memref<2048xf32, #tpu.memory_space<vmem>>)
      %parallel_loop3A = arith.constant 0 : i32
      %parallel_loop3A_867 = arith.constant 2048 : i32
      %parallel_loop3A_868 = arith.constant 16 : i32
      scf.for %parallel_loop3A_869 = %parallel_loop3A to %parallel_loop3A_867 step %parallel_loop3A_868  : i32 {
        %parallel_loop3A_870 = arith.addi %mul3A_25, %mul3A_860 : i32
        %parallel_loop3A_871 = arith.addi %parallel_loop3A_870, %parallel_loop3A_869 : i32
        %parallel_loop3A_872 = arith.addi %mul3A_860, %parallel_loop3A_869 : i32
        %parallel_loop3A_873 = arith.index_cast %parallel_loop3A_872 : i32 to index
        %parallel_loop3A_874 = tpu.vector_load %arg8[%parallel_loop3A_873] {strides = array<i32>} : memref<32768xf32, #tpu.memory_space<vmem>>, vector<16xf32>,
        %parallel_loop3A_875 = vector.shape_cast %parallel_loop3A_874 : vector<16xf32> to vector<16xf32>
        %parallel_loop3A_876 = arith.index_cast %parallel_loop3A_871 : i32 to index
        %parallel_loop3A_877 = tpu.vector_load %arg6[%parallel_loop3A_876] {strides = array<i32>} : memref<34560xf32, #tpu.memory_space<vmem>>, vector<16xf32>,
        %parallel_loop3A_878 = vector.shape_cast %parallel_loop3A_877 : vector<16xf32> to vector<16xf32>
        %parallel_loop3A_879 = vector.shape_cast %parallel_loop3A_875 : vector<16xf32> to vector<16xf32>
        tpu.vector_store %arg6[%parallel_loop3A_876], %parallel_loop3A_879 {add = true, strides = array<i32>} : memref<34560xf32, #tpu.memory_space<vmem>>, vector<16xf32>,
      } {sc.loop_unroll_factor = 8 : i64, sc.parallel_access}
    }
    %while3A_687 = arith.constant 0 : i32
    %while3A_688 = arith.subi %select_n3A_297, %while3A_687 : i32
    %while3A_689 = arith.addi %while3A_687, %while3A_688 : i32
    %while3A_690 = arith.constant 1 : i32
    %while3A_691 = arith.divsi %while3A_688, %while3A_690 : i32
    %while3A_692 = arith.muli %while3A_691, %while3A_690 : i32
    %while3A_693 = arith.addi %while3A_687, %while3A_692 : i32
    %while3A_694 = arith.constant 1 : i32
    scf.for %while3A_858 = %while3A_687 to %while3A_693 step %while3A_694  : i32 {
      %mul3A_859 = arith.constant 2048 : i32
      %mul3A_860 = arith.muli %while3A_858, %mul3A_859 : i32
      %mul3A_861 = arith.constant 2048 : i32
      %mul3A_862 = arith.muli %while3A_858, %mul3A_861 : i32
      %dma_start3A = arith.constant 7 : i32
      %dma_start3A_863 = tpu.memref_slice %arg8[%mul3A_862] : memref<32768xf32, #tpu.memory_space<vmem>> -> memref<2048xf32, #tpu.memory_space<vmem>>
      %dma_start3A_864 = tpu.memref_slice %arg2[%add3A, %dma_start3A, %mul3A_860] : memref<32x16x32768xf32, #tpu.memory_space<hbm>> -> memref<1x1x2048xf32, #tpu.memory_space<hbm>>
      %dma_start3A_865 = tpu.memref_squeeze %dma_start3A_864 : memref<1x1x2048xf32, #tpu.memory_space<hbm>> -> memref<2048xf32, #tpu.memory_space<hbm>>
      %dma_start3A_866 = tpu.memref_slice %arg8[%mul3A_862] : memref<32768xf32, #tpu.memory_space<vmem>> -> memref<2048xf32, #tpu.memory_space<vmem>>
      %dma_start3A_867 = tpu.memref_slice %arg2[%add3A, %dma_start3A, %mul3A_860] : memref<32x16x32768xf32, #tpu.memory_space<hbm>> -> memref<1x1x2048xf32, #tpu.memory_space<hbm>>
      %dma_start3A_868 = tpu.memref_squeeze %dma_start3A_867 : memref<1x1x2048xf32, #tpu.memory_space<hbm>> -> memref<2048xf32, #tpu.memory_space<hbm>>
      tpu.enqueue_dma source(%dma_start3A_868 : memref<2048xf32, #tpu.memory_space<hbm>>) target(%dma_start3A_866 : memref<2048xf32, #tpu.memory_space<vmem>>) target_semaphore(%arg10 : memref<!tpu.dma_semaphore, #tpu.memory_space<semaphore_mem>>)
    }
    %while3A_695 = arith.constant 1 : i32
    scf.for %while3A_858 = %while3A_693 to %while3A_689 step %while3A_695  : i32 {
      %mul3A_859 = arith.constant 2048 : i32
      %mul3A_860 = arith.muli %while3A_858, %mul3A_859 : i32
      %mul3A_861 = arith.constant 2048 : i32
      %mul3A_862 = arith.muli %while3A_858, %mul3A_861 : i32
      %dma_start3A = arith.constant 7 : i32
      %dma_start3A_863 = tpu.memref_slice %arg8[%mul3A_862] : memref<32768xf32, #tpu.memory_space<vmem>> -> memref<2048xf32, #tpu.memory_space<vmem>>
      %dma_start3A_864 = tpu.memref_slice %arg2[%add3A, %dma_start3A, %mul3A_860] : memref<32x16x32768xf32, #tpu.memory_space<hbm>> -> memref<1x1x2048xf32, #tpu.memory_space<hbm>>
      %dma_start3A_865 = tpu.memref_squeeze %dma_start3A_864 : memref<1x1x2048xf32, #tpu.memory_space<hbm>> -> memref<2048xf32, #tpu.memory_space<hbm>>
      %dma_start3A_866 = tpu.memref_slice %arg8[%mul3A_862] : memref<32768xf32, #tpu.memory_space<vmem>> -> memref<2048xf32, #tpu.memory_space<vmem>>
      %dma_start3A_867 = tpu.memref_slice %arg2[%add3A, %dma_start3A, %mul3A_860] : memref<32x16x32768xf32, #tpu.memory_space<hbm>> -> memref<1x1x2048xf32, #tpu.memory_space<hbm>>
      %dma_start3A_868 = tpu.memref_squeeze %dma_start3A_867 : memref<1x1x2048xf32, #tpu.memory_space<hbm>> -> memref<2048xf32, #tpu.memory_space<hbm>>
      tpu.enqueue_dma source(%dma_start3A_868 : memref<2048xf32, #tpu.memory_space<hbm>>) target(%dma_start3A_866 : memref<2048xf32, #tpu.memory_space<vmem>>) target_semaphore(%arg10 : memref<!tpu.dma_semaphore, #tpu.memory_space<semaphore_mem>>)
    }
    %while3A_696 = arith.constant 0 : i32
    %while3A_697 = arith.subi %select_n3A_267, %while3A_696 : i32
    %while3A_698 = arith.addi %while3A_696, %while3A_697 : i32
    %while3A_699 = arith.constant 1 : i32
    %while3A_700 = arith.divsi %while3A_697, %while3A_699 : i32
    %while3A_701 = arith.muli %while3A_700, %while3A_699 : i32
    %while3A_702 = arith.addi %while3A_696, %while3A_701 : i32
    %while3A_703 = arith.constant 1 : i32
    scf.for %while3A_858 = %while3A_696 to %while3A_702 step %while3A_703  : i32 {
      %mul3A_859 = arith.constant 2048 : i32
      %mul3A_860 = arith.muli %while3A_858, %mul3A_859 : i32
      %dma_wait3A = arith.constant 6 : i32
      %dma_wait3A_861 = tpu.memref_slice %arg7[%mul3A_860] : memref<32768xf32, #tpu.memory_space<vmem>> -> memref<2048xf32, #tpu.memory_space<vmem>>
      %dma_wait3A_862 = tpu.memref_slice %arg2[%add3A, %dma_wait3A, %mul3A_860] : memref<32x16x32768xf32, #tpu.memory_space<hbm>> -> memref<1x1x2048xf32, #tpu.memory_space<hbm>>
      %dma_wait3A_863 = tpu.memref_squeeze %dma_wait3A_862 : memref<1x1x2048xf32, #tpu.memory_space<hbm>> -> memref<2048xf32, #tpu.memory_space<hbm>>
      %dma_wait3A_864 = tpu.memref_slice %arg7[%mul3A_860] : memref<32768xf32, #tpu.memory_space<vmem>> -> memref<2048xf32, #tpu.memory_space<vmem>>
      %dma_wait3A_865 = tpu.memref_slice %arg2[%add3A, %dma_wait3A, %mul3A_860] : memref<32x16x32768xf32, #tpu.memory_space<hbm>> -> memref<1x1x2048xf32, #tpu.memory_space<hbm>>
      %dma_wait3A_866 = tpu.memref_squeeze %dma_wait3A_865 : memref<1x1x2048xf32, #tpu.memory_space<hbm>> -> memref<2048xf32, #tpu.memory_space<hbm>>
      tpu.wait_dma2 semaphore(%arg9 : memref<!tpu.dma_semaphore, #tpu.memory_space<semaphore_mem>>) src(%dma_wait3A_866 : memref<2048xf32, #tpu.memory_space<hbm>>) dst(%dma_wait3A_864 : memref<2048xf32, #tpu.memory_space<vmem>>)
      %parallel_loop3A = arith.constant 0 : i32
      %parallel_loop3A_867 = arith.constant 2048 : i32
      %parallel_loop3A_868 = arith.constant 16 : i32
      scf.for %parallel_loop3A_869 = %parallel_loop3A to %parallel_loop3A_867 step %parallel_loop3A_868  : i32 {
        %parallel_loop3A_870 = arith.addi %mul3A_29, %mul3A_860 : i32
        %parallel_loop3A_871 = arith.addi %parallel_loop3A_870, %parallel_loop3A_869 : i32
        %parallel_loop3A_872 = arith.addi %mul3A_860, %parallel_loop3A_869 : i32
        %parallel_loop3A_873 = arith.index_cast %parallel_loop3A_872 : i32 to index
        %parallel_loop3A_874 = tpu.vector_load %arg7[%parallel_loop3A_873] {strides = array<i32>} : memref<32768xf32, #tpu.memory_space<vmem>>, vector<16xf32>,
        %parallel_loop3A_875 = vector.shape_cast %parallel_loop3A_874 : vector<16xf32> to vector<16xf32>
        %parallel_loop3A_876 = arith.index_cast %parallel_loop3A_871 : i32 to index
        %parallel_loop3A_877 = tpu.vector_load %arg6[%parallel_loop3A_876] {strides = array<i32>} : memref<34560xf32, #tpu.memory_space<vmem>>, vector<16xf32>,
        %parallel_loop3A_878 = vector.shape_cast %parallel_loop3A_877 : vector<16xf32> to vector<16xf32>
        %parallel_loop3A_879 = vector.shape_cast %parallel_loop3A_875 : vector<16xf32> to vector<16xf32>
        tpu.vector_store %arg6[%parallel_loop3A_876], %parallel_loop3A_879 {add = true, strides = array<i32>} : memref<34560xf32, #tpu.memory_space<vmem>>, vector<16xf32>,
      } {sc.loop_unroll_factor = 8 : i64, sc.parallel_access}
    }
    %while3A_704 = arith.constant 1 : i32
    scf.for %while3A_858 = %while3A_702 to %while3A_698 step %while3A_704  : i32 {
      %mul3A_859 = arith.constant 2048 : i32
      %mul3A_860 = arith.muli %while3A_858, %mul3A_859 : i32
      %dma_wait3A = arith.constant 6 : i32
      %dma_wait3A_861 = tpu.memref_slice %arg7[%mul3A_860] : memref<32768xf32, #tpu.memory_space<vmem>> -> memref<2048xf32, #tpu.memory_space<vmem>>
      %dma_wait3A_862 = tpu.memref_slice %arg2[%add3A, %dma_wait3A, %mul3A_860] : memref<32x16x32768xf32, #tpu.memory_space<hbm>> -> memref<1x1x2048xf32, #tpu.memory_space<hbm>>
      %dma_wait3A_863 = tpu.memref_squeeze %dma_wait3A_862 : memref<1x1x2048xf32, #tpu.memory_space<hbm>> -> memref<2048xf32, #tpu.memory_space<hbm>>
      %dma_wait3A_864 = tpu.memref_slice %arg7[%mul3A_860] : memref<32768xf32, #tpu.memory_space<vmem>> -> memref<2048xf32, #tpu.memory_space<vmem>>
      %dma_wait3A_865 = tpu.memref_slice %arg2[%add3A, %dma_wait3A, %mul3A_860] : memref<32x16x32768xf32, #tpu.memory_space<hbm>> -> memref<1x1x2048xf32, #tpu.memory_space<hbm>>
      %dma_wait3A_866 = tpu.memref_squeeze %dma_wait3A_865 : memref<1x1x2048xf32, #tpu.memory_space<hbm>> -> memref<2048xf32, #tpu.memory_space<hbm>>
      tpu.wait_dma2 semaphore(%arg9 : memref<!tpu.dma_semaphore, #tpu.memory_space<semaphore_mem>>) src(%dma_wait3A_866 : memref<2048xf32, #tpu.memory_space<hbm>>) dst(%dma_wait3A_864 : memref<2048xf32, #tpu.memory_space<vmem>>)
      %parallel_loop3A = arith.constant 0 : i32
      %parallel_loop3A_867 = arith.constant 2048 : i32
      %parallel_loop3A_868 = arith.constant 16 : i32
      scf.for %parallel_loop3A_869 = %parallel_loop3A to %parallel_loop3A_867 step %parallel_loop3A_868  : i32 {
        %parallel_loop3A_870 = arith.addi %mul3A_29, %mul3A_860 : i32
        %parallel_loop3A_871 = arith.addi %parallel_loop3A_870, %parallel_loop3A_869 : i32
        %parallel_loop3A_872 = arith.addi %mul3A_860, %parallel_loop3A_869 : i32
        %parallel_loop3A_873 = arith.index_cast %parallel_loop3A_872 : i32 to index
        %parallel_loop3A_874 = tpu.vector_load %arg7[%parallel_loop3A_873] {strides = array<i32>} : memref<32768xf32, #tpu.memory_space<vmem>>, vector<16xf32>,
        %parallel_loop3A_875 = vector.shape_cast %parallel_loop3A_874 : vector<16xf32> to vector<16xf32>
        %parallel_loop3A_876 = arith.index_cast %parallel_loop3A_871 : i32 to index
        %parallel_loop3A_877 = tpu.vector_load %arg6[%parallel_loop3A_876] {strides = array<i32>} : memref<34560xf32, #tpu.memory_space<vmem>>, vector<16xf32>,
        %parallel_loop3A_878 = vector.shape_cast %parallel_loop3A_877 : vector<16xf32> to vector<16xf32>
        %parallel_loop3A_879 = vector.shape_cast %parallel_loop3A_875 : vector<16xf32> to vector<16xf32>
        tpu.vector_store %arg6[%parallel_loop3A_876], %parallel_loop3A_879 {add = true, strides = array<i32>} : memref<34560xf32, #tpu.memory_space<vmem>>, vector<16xf32>,
      } {sc.loop_unroll_factor = 8 : i64, sc.parallel_access}
    }
    %while3A_705 = arith.constant 0 : i32
    %while3A_706 = arith.subi %select_n3A_327, %while3A_705 : i32
    %while3A_707 = arith.addi %while3A_705, %while3A_706 : i32
    %while3A_708 = arith.constant 1 : i32
    %while3A_709 = arith.divsi %while3A_706, %while3A_708 : i32
    %while3A_710 = arith.muli %while3A_709, %while3A_708 : i32
    %while3A_711 = arith.addi %while3A_705, %while3A_710 : i32
    %while3A_712 = arith.constant 1 : i32
    scf.for %while3A_858 = %while3A_705 to %while3A_711 step %while3A_712  : i32 {
      %mul3A_859 = arith.constant 2048 : i32
      %mul3A_860 = arith.muli %while3A_858, %mul3A_859 : i32
      %mul3A_861 = arith.constant 2048 : i32
      %mul3A_862 = arith.muli %while3A_858, %mul3A_861 : i32
      %dma_start3A = arith.constant 8 : i32
      %dma_start3A_863 = tpu.memref_slice %arg7[%mul3A_862] : memref<32768xf32, #tpu.memory_space<vmem>> -> memref<2048xf32, #tpu.memory_space<vmem>>
      %dma_start3A_864 = tpu.memref_slice %arg2[%add3A, %dma_start3A, %mul3A_860] : memref<32x16x32768xf32, #tpu.memory_space<hbm>> -> memref<1x1x2048xf32, #tpu.memory_space<hbm>>
      %dma_start3A_865 = tpu.memref_squeeze %dma_start3A_864 : memref<1x1x2048xf32, #tpu.memory_space<hbm>> -> memref<2048xf32, #tpu.memory_space<hbm>>
      %dma_start3A_866 = tpu.memref_slice %arg7[%mul3A_862] : memref<32768xf32, #tpu.memory_space<vmem>> -> memref<2048xf32, #tpu.memory_space<vmem>>
      %dma_start3A_867 = tpu.memref_slice %arg2[%add3A, %dma_start3A, %mul3A_860] : memref<32x16x32768xf32, #tpu.memory_space<hbm>> -> memref<1x1x2048xf32, #tpu.memory_space<hbm>>
      %dma_start3A_868 = tpu.memref_squeeze %dma_start3A_867 : memref<1x1x2048xf32, #tpu.memory_space<hbm>> -> memref<2048xf32, #tpu.memory_space<hbm>>
      tpu.enqueue_dma source(%dma_start3A_868 : memref<2048xf32, #tpu.memory_space<hbm>>) target(%dma_start3A_866 : memref<2048xf32, #tpu.memory_space<vmem>>) target_semaphore(%arg9 : memref<!tpu.dma_semaphore, #tpu.memory_space<semaphore_mem>>)
    }
    %while3A_713 = arith.constant 1 : i32
    scf.for %while3A_858 = %while3A_711 to %while3A_707 step %while3A_713  : i32 {
      %mul3A_859 = arith.constant 2048 : i32
      %mul3A_860 = arith.muli %while3A_858, %mul3A_859 : i32
      %mul3A_861 = arith.constant 2048 : i32
      %mul3A_862 = arith.muli %while3A_858, %mul3A_861 : i32
      %dma_start3A = arith.constant 8 : i32
      %dma_start3A_863 = tpu.memref_slice %arg7[%mul3A_862] : memref<32768xf32, #tpu.memory_space<vmem>> -> memref<2048xf32, #tpu.memory_space<vmem>>
      %dma_start3A_864 = tpu.memref_slice %arg2[%add3A, %dma_start3A, %mul3A_860] : memref<32x16x32768xf32, #tpu.memory_space<hbm>> -> memref<1x1x2048xf32, #tpu.memory_space<hbm>>
      %dma_start3A_865 = tpu.memref_squeeze %dma_start3A_864 : memref<1x1x2048xf32, #tpu.memory_space<hbm>> -> memref<2048xf32, #tpu.memory_space<hbm>>
      %dma_start3A_866 = tpu.memref_slice %arg7[%mul3A_862] : memref<32768xf32, #tpu.memory_space<vmem>> -> memref<2048xf32, #tpu.memory_space<vmem>>
      %dma_start3A_867 = tpu.memref_slice %arg2[%add3A, %dma_start3A, %mul3A_860] : memref<32x16x32768xf32, #tpu.memory_space<hbm>> -> memref<1x1x2048xf32, #tpu.memory_space<hbm>>
      %dma_start3A_868 = tpu.memref_squeeze %dma_start3A_867 : memref<1x1x2048xf32, #tpu.memory_space<hbm>> -> memref<2048xf32, #tpu.memory_space<hbm>>
      tpu.enqueue_dma source(%dma_start3A_868 : memref<2048xf32, #tpu.memory_space<hbm>>) target(%dma_start3A_866 : memref<2048xf32, #tpu.memory_space<vmem>>) target_semaphore(%arg9 : memref<!tpu.dma_semaphore, #tpu.memory_space<semaphore_mem>>)
    }
    %while3A_714 = arith.constant 0 : i32
    %while3A_715 = arith.subi %select_n3A_297, %while3A_714 : i32
    %while3A_716 = arith.addi %while3A_714, %while3A_715 : i32
    %while3A_717 = arith.constant 1 : i32
    %while3A_718 = arith.divsi %while3A_715, %while3A_717 : i32
    %while3A_719 = arith.muli %while3A_718, %while3A_717 : i32
    %while3A_720 = arith.addi %while3A_714, %while3A_719 : i32
    %while3A_721 = arith.constant 1 : i32
    scf.for %while3A_858 = %while3A_714 to %while3A_720 step %while3A_721  : i32 {
      %mul3A_859 = arith.constant 2048 : i32
      %mul3A_860 = arith.muli %while3A_858, %mul3A_859 : i32
      %dma_wait3A = arith.constant 7 : i32
      %dma_wait3A_861 = tpu.memref_slice %arg8[%mul3A_860] : memref<32768xf32, #tpu.memory_space<vmem>> -> memref<2048xf32, #tpu.memory_space<vmem>>
      %dma_wait3A_862 = tpu.memref_slice %arg2[%add3A, %dma_wait3A, %mul3A_860] : memref<32x16x32768xf32, #tpu.memory_space<hbm>> -> memref<1x1x2048xf32, #tpu.memory_space<hbm>>
      %dma_wait3A_863 = tpu.memref_squeeze %dma_wait3A_862 : memref<1x1x2048xf32, #tpu.memory_space<hbm>> -> memref<2048xf32, #tpu.memory_space<hbm>>
      %dma_wait3A_864 = tpu.memref_slice %arg8[%mul3A_860] : memref<32768xf32, #tpu.memory_space<vmem>> -> memref<2048xf32, #tpu.memory_space<vmem>>
      %dma_wait3A_865 = tpu.memref_slice %arg2[%add3A, %dma_wait3A, %mul3A_860] : memref<32x16x32768xf32, #tpu.memory_space<hbm>> -> memref<1x1x2048xf32, #tpu.memory_space<hbm>>
      %dma_wait3A_866 = tpu.memref_squeeze %dma_wait3A_865 : memref<1x1x2048xf32, #tpu.memory_space<hbm>> -> memref<2048xf32, #tpu.memory_space<hbm>>
      tpu.wait_dma2 semaphore(%arg10 : memref<!tpu.dma_semaphore, #tpu.memory_space<semaphore_mem>>) src(%dma_wait3A_866 : memref<2048xf32, #tpu.memory_space<hbm>>) dst(%dma_wait3A_864 : memref<2048xf32, #tpu.memory_space<vmem>>)
      %parallel_loop3A = arith.constant 0 : i32
      %parallel_loop3A_867 = arith.constant 2048 : i32
      %parallel_loop3A_868 = arith.constant 16 : i32
      scf.for %parallel_loop3A_869 = %parallel_loop3A to %parallel_loop3A_867 step %parallel_loop3A_868  : i32 {
        %parallel_loop3A_870 = arith.addi %mul3A_33, %mul3A_860 : i32
        %parallel_loop3A_871 = arith.addi %parallel_loop3A_870, %parallel_loop3A_869 : i32
        %parallel_loop3A_872 = arith.addi %mul3A_860, %parallel_loop3A_869 : i32
        %parallel_loop3A_873 = arith.index_cast %parallel_loop3A_872 : i32 to index
        %parallel_loop3A_874 = tpu.vector_load %arg8[%parallel_loop3A_873] {strides = array<i32>} : memref<32768xf32, #tpu.memory_space<vmem>>, vector<16xf32>,
        %parallel_loop3A_875 = vector.shape_cast %parallel_loop3A_874 : vector<16xf32> to vector<16xf32>
        %parallel_loop3A_876 = arith.index_cast %parallel_loop3A_871 : i32 to index
        %parallel_loop3A_877 = tpu.vector_load %arg6[%parallel_loop3A_876] {strides = array<i32>} : memref<34560xf32, #tpu.memory_space<vmem>>, vector<16xf32>,
        %parallel_loop3A_878 = vector.shape_cast %parallel_loop3A_877 : vector<16xf32> to vector<16xf32>
        %parallel_loop3A_879 = vector.shape_cast %parallel_loop3A_875 : vector<16xf32> to vector<16xf32>
        tpu.vector_store %arg6[%parallel_loop3A_876], %parallel_loop3A_879 {add = true, strides = array<i32>} : memref<34560xf32, #tpu.memory_space<vmem>>, vector<16xf32>,
      } {sc.loop_unroll_factor = 8 : i64, sc.parallel_access}
    }
    %while3A_722 = arith.constant 1 : i32
    scf.for %while3A_858 = %while3A_720 to %while3A_716 step %while3A_722  : i32 {
      %mul3A_859 = arith.constant 2048 : i32
      %mul3A_860 = arith.muli %while3A_858, %mul3A_859 : i32
      %dma_wait3A = arith.constant 7 : i32
      %dma_wait3A_861 = tpu.memref_slice %arg8[%mul3A_860] : memref<32768xf32, #tpu.memory_space<vmem>> -> memref<2048xf32, #tpu.memory_space<vmem>>
      %dma_wait3A_862 = tpu.memref_slice %arg2[%add3A, %dma_wait3A, %mul3A_860] : memref<32x16x32768xf32, #tpu.memory_space<hbm>> -> memref<1x1x2048xf32, #tpu.memory_space<hbm>>
      %dma_wait3A_863 = tpu.memref_squeeze %dma_wait3A_862 : memref<1x1x2048xf32, #tpu.memory_space<hbm>> -> memref<2048xf32, #tpu.memory_space<hbm>>
      %dma_wait3A_864 = tpu.memref_slice %arg8[%mul3A_860] : memref<32768xf32, #tpu.memory_space<vmem>> -> memref<2048xf32, #tpu.memory_space<vmem>>
      %dma_wait3A_865 = tpu.memref_slice %arg2[%add3A, %dma_wait3A, %mul3A_860] : memref<32x16x32768xf32, #tpu.memory_space<hbm>> -> memref<1x1x2048xf32, #tpu.memory_space<hbm>>
      %dma_wait3A_866 = tpu.memref_squeeze %dma_wait3A_865 : memref<1x1x2048xf32, #tpu.memory_space<hbm>> -> memref<2048xf32, #tpu.memory_space<hbm>>
      tpu.wait_dma2 semaphore(%arg10 : memref<!tpu.dma_semaphore, #tpu.memory_space<semaphore_mem>>) src(%dma_wait3A_866 : memref<2048xf32, #tpu.memory_space<hbm>>) dst(%dma_wait3A_864 : memref<2048xf32, #tpu.memory_space<vmem>>)
      %parallel_loop3A = arith.constant 0 : i32
      %parallel_loop3A_867 = arith.constant 2048 : i32
      %parallel_loop3A_868 = arith.constant 16 : i32
      scf.for %parallel_loop3A_869 = %parallel_loop3A to %parallel_loop3A_867 step %parallel_loop3A_868  : i32 {
        %parallel_loop3A_870 = arith.addi %mul3A_33, %mul3A_860 : i32
        %parallel_loop3A_871 = arith.addi %parallel_loop3A_870, %parallel_loop3A_869 : i32
        %parallel_loop3A_872 = arith.addi %mul3A_860, %parallel_loop3A_869 : i32
        %parallel_loop3A_873 = arith.index_cast %parallel_loop3A_872 : i32 to index
        %parallel_loop3A_874 = tpu.vector_load %arg8[%parallel_loop3A_873] {strides = array<i32>} : memref<32768xf32, #tpu.memory_space<vmem>>, vector<16xf32>,
        %parallel_loop3A_875 = vector.shape_cast %parallel_loop3A_874 : vector<16xf32> to vector<16xf32>
        %parallel_loop3A_876 = arith.index_cast %parallel_loop3A_871 : i32 to index
        %parallel_loop3A_877 = tpu.vector_load %arg6[%parallel_loop3A_876] {strides = array<i32>} : memref<34560xf32, #tpu.memory_space<vmem>>, vector<16xf32>,
        %parallel_loop3A_878 = vector.shape_cast %parallel_loop3A_877 : vector<16xf32> to vector<16xf32>
        %parallel_loop3A_879 = vector.shape_cast %parallel_loop3A_875 : vector<16xf32> to vector<16xf32>
        tpu.vector_store %arg6[%parallel_loop3A_876], %parallel_loop3A_879 {add = true, strides = array<i32>} : memref<34560xf32, #tpu.memory_space<vmem>>, vector<16xf32>,
      } {sc.loop_unroll_factor = 8 : i64, sc.parallel_access}
    }
    %while3A_723 = arith.constant 0 : i32
    %while3A_724 = arith.subi %select_n3A_357, %while3A_723 : i32
    %while3A_725 = arith.addi %while3A_723, %while3A_724 : i32
    %while3A_726 = arith.constant 1 : i32
    %while3A_727 = arith.divsi %while3A_724, %while3A_726 : i32
    %while3A_728 = arith.muli %while3A_727, %while3A_726 : i32
    %while3A_729 = arith.addi %while3A_723, %while3A_728 : i32
    %while3A_730 = arith.constant 1 : i32
    scf.for %while3A_858 = %while3A_723 to %while3A_729 step %while3A_730  : i32 {
      %mul3A_859 = arith.constant 2048 : i32
      %mul3A_860 = arith.muli %while3A_858, %mul3A_859 : i32
      %mul3A_861 = arith.constant 2048 : i32
      %mul3A_862 = arith.muli %while3A_858, %mul3A_861 : i32
      %dma_start3A = arith.constant 9 : i32
      %dma_start3A_863 = tpu.memref_slice %arg8[%mul3A_862] : memref<32768xf32, #tpu.memory_space<vmem>> -> memref<2048xf32, #tpu.memory_space<vmem>>
      %dma_start3A_864 = tpu.memref_slice %arg2[%add3A, %dma_start3A, %mul3A_860] : memref<32x16x32768xf32, #tpu.memory_space<hbm>> -> memref<1x1x2048xf32, #tpu.memory_space<hbm>>
      %dma_start3A_865 = tpu.memref_squeeze %dma_start3A_864 : memref<1x1x2048xf32, #tpu.memory_space<hbm>> -> memref<2048xf32, #tpu.memory_space<hbm>>
      %dma_start3A_866 = tpu.memref_slice %arg8[%mul3A_862] : memref<32768xf32, #tpu.memory_space<vmem>> -> memref<2048xf32, #tpu.memory_space<vmem>>
      %dma_start3A_867 = tpu.memref_slice %arg2[%add3A, %dma_start3A, %mul3A_860] : memref<32x16x32768xf32, #tpu.memory_space<hbm>> -> memref<1x1x2048xf32, #tpu.memory_space<hbm>>
      %dma_start3A_868 = tpu.memref_squeeze %dma_start3A_867 : memref<1x1x2048xf32, #tpu.memory_space<hbm>> -> memref<2048xf32, #tpu.memory_space<hbm>>
      tpu.enqueue_dma source(%dma_start3A_868 : memref<2048xf32, #tpu.memory_space<hbm>>) target(%dma_start3A_866 : memref<2048xf32, #tpu.memory_space<vmem>>) target_semaphore(%arg10 : memref<!tpu.dma_semaphore, #tpu.memory_space<semaphore_mem>>)
    }
    %while3A_731 = arith.constant 1 : i32
    scf.for %while3A_858 = %while3A_729 to %while3A_725 step %while3A_731  : i32 {
      %mul3A_859 = arith.constant 2048 : i32
      %mul3A_860 = arith.muli %while3A_858, %mul3A_859 : i32
      %mul3A_861 = arith.constant 2048 : i32
      %mul3A_862 = arith.muli %while3A_858, %mul3A_861 : i32
      %dma_start3A = arith.constant 9 : i32
      %dma_start3A_863 = tpu.memref_slice %arg8[%mul3A_862] : memref<32768xf32, #tpu.memory_space<vmem>> -> memref<2048xf32, #tpu.memory_space<vmem>>
      %dma_start3A_864 = tpu.memref_slice %arg2[%add3A, %dma_start3A, %mul3A_860] : memref<32x16x32768xf32, #tpu.memory_space<hbm>> -> memref<1x1x2048xf32, #tpu.memory_space<hbm>>
      %dma_start3A_865 = tpu.memref_squeeze %dma_start3A_864 : memref<1x1x2048xf32, #tpu.memory_space<hbm>> -> memref<2048xf32, #tpu.memory_space<hbm>>
      %dma_start3A_866 = tpu.memref_slice %arg8[%mul3A_862] : memref<32768xf32, #tpu.memory_space<vmem>> -> memref<2048xf32, #tpu.memory_space<vmem>>
      %dma_start3A_867 = tpu.memref_slice %arg2[%add3A, %dma_start3A, %mul3A_860] : memref<32x16x32768xf32, #tpu.memory_space<hbm>> -> memref<1x1x2048xf32, #tpu.memory_space<hbm>>
      %dma_start3A_868 = tpu.memref_squeeze %dma_start3A_867 : memref<1x1x2048xf32, #tpu.memory_space<hbm>> -> memref<2048xf32, #tpu.memory_space<hbm>>
      tpu.enqueue_dma source(%dma_start3A_868 : memref<2048xf32, #tpu.memory_space<hbm>>) target(%dma_start3A_866 : memref<2048xf32, #tpu.memory_space<vmem>>) target_semaphore(%arg10 : memref<!tpu.dma_semaphore, #tpu.memory_space<semaphore_mem>>)
    }
    %while3A_732 = arith.constant 0 : i32
    %while3A_733 = arith.subi %select_n3A_327, %while3A_732 : i32
    %while3A_734 = arith.addi %while3A_732, %while3A_733 : i32
    %while3A_735 = arith.constant 1 : i32
    %while3A_736 = arith.divsi %while3A_733, %while3A_735 : i32
    %while3A_737 = arith.muli %while3A_736, %while3A_735 : i32
    %while3A_738 = arith.addi %while3A_732, %while3A_737 : i32
    %while3A_739 = arith.constant 1 : i32
    scf.for %while3A_858 = %while3A_732 to %while3A_738 step %while3A_739  : i32 {
      %mul3A_859 = arith.constant 2048 : i32
      %mul3A_860 = arith.muli %while3A_858, %mul3A_859 : i32
      %dma_wait3A = arith.constant 8 : i32
      %dma_wait3A_861 = tpu.memref_slice %arg7[%mul3A_860] : memref<32768xf32, #tpu.memory_space<vmem>> -> memref<2048xf32, #tpu.memory_space<vmem>>
      %dma_wait3A_862 = tpu.memref_slice %arg2[%add3A, %dma_wait3A, %mul3A_860] : memref<32x16x32768xf32, #tpu.memory_space<hbm>> -> memref<1x1x2048xf32, #tpu.memory_space<hbm>>
      %dma_wait3A_863 = tpu.memref_squeeze %dma_wait3A_862 : memref<1x1x2048xf32, #tpu.memory_space<hbm>> -> memref<2048xf32, #tpu.memory_space<hbm>>
      %dma_wait3A_864 = tpu.memref_slice %arg7[%mul3A_860] : memref<32768xf32, #tpu.memory_space<vmem>> -> memref<2048xf32, #tpu.memory_space<vmem>>
      %dma_wait3A_865 = tpu.memref_slice %arg2[%add3A, %dma_wait3A, %mul3A_860] : memref<32x16x32768xf32, #tpu.memory_space<hbm>> -> memref<1x1x2048xf32, #tpu.memory_space<hbm>>
      %dma_wait3A_866 = tpu.memref_squeeze %dma_wait3A_865 : memref<1x1x2048xf32, #tpu.memory_space<hbm>> -> memref<2048xf32, #tpu.memory_space<hbm>>
      tpu.wait_dma2 semaphore(%arg9 : memref<!tpu.dma_semaphore, #tpu.memory_space<semaphore_mem>>) src(%dma_wait3A_866 : memref<2048xf32, #tpu.memory_space<hbm>>) dst(%dma_wait3A_864 : memref<2048xf32, #tpu.memory_space<vmem>>)
      %parallel_loop3A = arith.constant 0 : i32
      %parallel_loop3A_867 = arith.constant 2048 : i32
      %parallel_loop3A_868 = arith.constant 16 : i32
      scf.for %parallel_loop3A_869 = %parallel_loop3A to %parallel_loop3A_867 step %parallel_loop3A_868  : i32 {
        %parallel_loop3A_870 = arith.addi %mul3A_37, %mul3A_860 : i32
        %parallel_loop3A_871 = arith.addi %parallel_loop3A_870, %parallel_loop3A_869 : i32
        %parallel_loop3A_872 = arith.addi %mul3A_860, %parallel_loop3A_869 : i32
        %parallel_loop3A_873 = arith.index_cast %parallel_loop3A_872 : i32 to index
        %parallel_loop3A_874 = tpu.vector_load %arg7[%parallel_loop3A_873] {strides = array<i32>} : memref<32768xf32, #tpu.memory_space<vmem>>, vector<16xf32>,
        %parallel_loop3A_875 = vector.shape_cast %parallel_loop3A_874 : vector<16xf32> to vector<16xf32>
        %parallel_loop3A_876 = arith.index_cast %parallel_loop3A_871 : i32 to index
        %parallel_loop3A_877 = tpu.vector_load %arg6[%parallel_loop3A_876] {strides = array<i32>} : memref<34560xf32, #tpu.memory_space<vmem>>, vector<16xf32>,
        %parallel_loop3A_878 = vector.shape_cast %parallel_loop3A_877 : vector<16xf32> to vector<16xf32>
        %parallel_loop3A_879 = vector.shape_cast %parallel_loop3A_875 : vector<16xf32> to vector<16xf32>
        tpu.vector_store %arg6[%parallel_loop3A_876], %parallel_loop3A_879 {add = true, strides = array<i32>} : memref<34560xf32, #tpu.memory_space<vmem>>, vector<16xf32>,
      } {sc.loop_unroll_factor = 8 : i64, sc.parallel_access}
    }
    %while3A_740 = arith.constant 1 : i32
    scf.for %while3A_858 = %while3A_738 to %while3A_734 step %while3A_740  : i32 {
      %mul3A_859 = arith.constant 2048 : i32
      %mul3A_860 = arith.muli %while3A_858, %mul3A_859 : i32
      %dma_wait3A = arith.constant 8 : i32
      %dma_wait3A_861 = tpu.memref_slice %arg7[%mul3A_860] : memref<32768xf32, #tpu.memory_space<vmem>> -> memref<2048xf32, #tpu.memory_space<vmem>>
      %dma_wait3A_862 = tpu.memref_slice %arg2[%add3A, %dma_wait3A, %mul3A_860] : memref<32x16x32768xf32, #tpu.memory_space<hbm>> -> memref<1x1x2048xf32, #tpu.memory_space<hbm>>
      %dma_wait3A_863 = tpu.memref_squeeze %dma_wait3A_862 : memref<1x1x2048xf32, #tpu.memory_space<hbm>> -> memref<2048xf32, #tpu.memory_space<hbm>>
      %dma_wait3A_864 = tpu.memref_slice %arg7[%mul3A_860] : memref<32768xf32, #tpu.memory_space<vmem>> -> memref<2048xf32, #tpu.memory_space<vmem>>
      %dma_wait3A_865 = tpu.memref_slice %arg2[%add3A, %dma_wait3A, %mul3A_860] : memref<32x16x32768xf32, #tpu.memory_space<hbm>> -> memref<1x1x2048xf32, #tpu.memory_space<hbm>>
      %dma_wait3A_866 = tpu.memref_squeeze %dma_wait3A_865 : memref<1x1x2048xf32, #tpu.memory_space<hbm>> -> memref<2048xf32, #tpu.memory_space<hbm>>
      tpu.wait_dma2 semaphore(%arg9 : memref<!tpu.dma_semaphore, #tpu.memory_space<semaphore_mem>>) src(%dma_wait3A_866 : memref<2048xf32, #tpu.memory_space<hbm>>) dst(%dma_wait3A_864 : memref<2048xf32, #tpu.memory_space<vmem>>)
      %parallel_loop3A = arith.constant 0 : i32
      %parallel_loop3A_867 = arith.constant 2048 : i32
      %parallel_loop3A_868 = arith.constant 16 : i32
      scf.for %parallel_loop3A_869 = %parallel_loop3A to %parallel_loop3A_867 step %parallel_loop3A_868  : i32 {
        %parallel_loop3A_870 = arith.addi %mul3A_37, %mul3A_860 : i32
        %parallel_loop3A_871 = arith.addi %parallel_loop3A_870, %parallel_loop3A_869 : i32
        %parallel_loop3A_872 = arith.addi %mul3A_860, %parallel_loop3A_869 : i32
        %parallel_loop3A_873 = arith.index_cast %parallel_loop3A_872 : i32 to index
        %parallel_loop3A_874 = tpu.vector_load %arg7[%parallel_loop3A_873] {strides = array<i32>} : memref<32768xf32, #tpu.memory_space<vmem>>, vector<16xf32>,
        %parallel_loop3A_875 = vector.shape_cast %parallel_loop3A_874 : vector<16xf32> to vector<16xf32>
        %parallel_loop3A_876 = arith.index_cast %parallel_loop3A_871 : i32 to index
        %parallel_loop3A_877 = tpu.vector_load %arg6[%parallel_loop3A_876] {strides = array<i32>} : memref<34560xf32, #tpu.memory_space<vmem>>, vector<16xf32>,
        %parallel_loop3A_878 = vector.shape_cast %parallel_loop3A_877 : vector<16xf32> to vector<16xf32>
        %parallel_loop3A_879 = vector.shape_cast %parallel_loop3A_875 : vector<16xf32> to vector<16xf32>
        tpu.vector_store %arg6[%parallel_loop3A_876], %parallel_loop3A_879 {add = true, strides = array<i32>} : memref<34560xf32, #tpu.memory_space<vmem>>, vector<16xf32>,
      } {sc.loop_unroll_factor = 8 : i64, sc.parallel_access}
    }
    %while3A_741 = arith.constant 0 : i32
    %while3A_742 = arith.subi %select_n3A_387, %while3A_741 : i32
    %while3A_743 = arith.addi %while3A_741, %while3A_742 : i32
    %while3A_744 = arith.constant 1 : i32
    %while3A_745 = arith.divsi %while3A_742, %while3A_744 : i32
    %while3A_746 = arith.muli %while3A_745, %while3A_744 : i32
    %while3A_747 = arith.addi %while3A_741, %while3A_746 : i32
    %while3A_748 = arith.constant 1 : i32
    scf.for %while3A_858 = %while3A_741 to %while3A_747 step %while3A_748  : i32 {
      %mul3A_859 = arith.constant 2048 : i32
      %mul3A_860 = arith.muli %while3A_858, %mul3A_859 : i32
      %mul3A_861 = arith.constant 2048 : i32
      %mul3A_862 = arith.muli %while3A_858, %mul3A_861 : i32
      %dma_start3A = arith.constant 10 : i32
      %dma_start3A_863 = tpu.memref_slice %arg7[%mul3A_862] : memref<32768xf32, #tpu.memory_space<vmem>> -> memref<2048xf32, #tpu.memory_space<vmem>>
      %dma_start3A_864 = tpu.memref_slice %arg2[%add3A, %dma_start3A, %mul3A_860] : memref<32x16x32768xf32, #tpu.memory_space<hbm>> -> memref<1x1x2048xf32, #tpu.memory_space<hbm>>
      %dma_start3A_865 = tpu.memref_squeeze %dma_start3A_864 : memref<1x1x2048xf32, #tpu.memory_space<hbm>> -> memref<2048xf32, #tpu.memory_space<hbm>>
      %dma_start3A_866 = tpu.memref_slice %arg7[%mul3A_862] : memref<32768xf32, #tpu.memory_space<vmem>> -> memref<2048xf32, #tpu.memory_space<vmem>>
      %dma_start3A_867 = tpu.memref_slice %arg2[%add3A, %dma_start3A, %mul3A_860] : memref<32x16x32768xf32, #tpu.memory_space<hbm>> -> memref<1x1x2048xf32, #tpu.memory_space<hbm>>
      %dma_start3A_868 = tpu.memref_squeeze %dma_start3A_867 : memref<1x1x2048xf32, #tpu.memory_space<hbm>> -> memref<2048xf32, #tpu.memory_space<hbm>>
      tpu.enqueue_dma source(%dma_start3A_868 : memref<2048xf32, #tpu.memory_space<hbm>>) target(%dma_start3A_866 : memref<2048xf32, #tpu.memory_space<vmem>>) target_semaphore(%arg9 : memref<!tpu.dma_semaphore, #tpu.memory_space<semaphore_mem>>)
    }
    %while3A_749 = arith.constant 1 : i32
    scf.for %while3A_858 = %while3A_747 to %while3A_743 step %while3A_749  : i32 {
      %mul3A_859 = arith.constant 2048 : i32
      %mul3A_860 = arith.muli %while3A_858, %mul3A_859 : i32
      %mul3A_861 = arith.constant 2048 : i32
      %mul3A_862 = arith.muli %while3A_858, %mul3A_861 : i32
      %dma_start3A = arith.constant 10 : i32
      %dma_start3A_863 = tpu.memref_slice %arg7[%mul3A_862] : memref<32768xf32, #tpu.memory_space<vmem>> -> memref<2048xf32, #tpu.memory_space<vmem>>
      %dma_start3A_864 = tpu.memref_slice %arg2[%add3A, %dma_start3A, %mul3A_860] : memref<32x16x32768xf32, #tpu.memory_space<hbm>> -> memref<1x1x2048xf32, #tpu.memory_space<hbm>>
      %dma_start3A_865 = tpu.memref_squeeze %dma_start3A_864 : memref<1x1x2048xf32, #tpu.memory_space<hbm>> -> memref<2048xf32, #tpu.memory_space<hbm>>
      %dma_start3A_866 = tpu.memref_slice %arg7[%mul3A_862] : memref<32768xf32, #tpu.memory_space<vmem>> -> memref<2048xf32, #tpu.memory_space<vmem>>
      %dma_start3A_867 = tpu.memref_slice %arg2[%add3A, %dma_start3A, %mul3A_860] : memref<32x16x32768xf32, #tpu.memory_space<hbm>> -> memref<1x1x2048xf32, #tpu.memory_space<hbm>>
      %dma_start3A_868 = tpu.memref_squeeze %dma_start3A_867 : memref<1x1x2048xf32, #tpu.memory_space<hbm>> -> memref<2048xf32, #tpu.memory_space<hbm>>
      tpu.enqueue_dma source(%dma_start3A_868 : memref<2048xf32, #tpu.memory_space<hbm>>) target(%dma_start3A_866 : memref<2048xf32, #tpu.memory_space<vmem>>) target_semaphore(%arg9 : memref<!tpu.dma_semaphore, #tpu.memory_space<semaphore_mem>>)
    }
    %while3A_750 = arith.constant 0 : i32
    %while3A_751 = arith.subi %select_n3A_357, %while3A_750 : i32
    %while3A_752 = arith.addi %while3A_750, %while3A_751 : i32
    %while3A_753 = arith.constant 1 : i32
    %while3A_754 = arith.divsi %while3A_751, %while3A_753 : i32
    %while3A_755 = arith.muli %while3A_754, %while3A_753 : i32
    %while3A_756 = arith.addi %while3A_750, %while3A_755 : i32
    %while3A_757 = arith.constant 1 : i32
    scf.for %while3A_858 = %while3A_750 to %while3A_756 step %while3A_757  : i32 {
      %mul3A_859 = arith.constant 2048 : i32
      %mul3A_860 = arith.muli %while3A_858, %mul3A_859 : i32
      %dma_wait3A = arith.constant 9 : i32
      %dma_wait3A_861 = tpu.memref_slice %arg8[%mul3A_860] : memref<32768xf32, #tpu.memory_space<vmem>> -> memref<2048xf32, #tpu.memory_space<vmem>>
      %dma_wait3A_862 = tpu.memref_slice %arg2[%add3A, %dma_wait3A, %mul3A_860] : memref<32x16x32768xf32, #tpu.memory_space<hbm>> -> memref<1x1x2048xf32, #tpu.memory_space<hbm>>
      %dma_wait3A_863 = tpu.memref_squeeze %dma_wait3A_862 : memref<1x1x2048xf32, #tpu.memory_space<hbm>> -> memref<2048xf32, #tpu.memory_space<hbm>>
      %dma_wait3A_864 = tpu.memref_slice %arg8[%mul3A_860] : memref<32768xf32, #tpu.memory_space<vmem>> -> memref<2048xf32, #tpu.memory_space<vmem>>
      %dma_wait3A_865 = tpu.memref_slice %arg2[%add3A, %dma_wait3A, %mul3A_860] : memref<32x16x32768xf32, #tpu.memory_space<hbm>> -> memref<1x1x2048xf32, #tpu.memory_space<hbm>>
      %dma_wait3A_866 = tpu.memref_squeeze %dma_wait3A_865 : memref<1x1x2048xf32, #tpu.memory_space<hbm>> -> memref<2048xf32, #tpu.memory_space<hbm>>
      tpu.wait_dma2 semaphore(%arg10 : memref<!tpu.dma_semaphore, #tpu.memory_space<semaphore_mem>>) src(%dma_wait3A_866 : memref<2048xf32, #tpu.memory_space<hbm>>) dst(%dma_wait3A_864 : memref<2048xf32, #tpu.memory_space<vmem>>)
      %parallel_loop3A = arith.constant 0 : i32
      %parallel_loop3A_867 = arith.constant 2048 : i32
      %parallel_loop3A_868 = arith.constant 16 : i32
      scf.for %parallel_loop3A_869 = %parallel_loop3A to %parallel_loop3A_867 step %parallel_loop3A_868  : i32 {
        %parallel_loop3A_870 = arith.addi %mul3A_41, %mul3A_860 : i32
        %parallel_loop3A_871 = arith.addi %parallel_loop3A_870, %parallel_loop3A_869 : i32
        %parallel_loop3A_872 = arith.addi %mul3A_860, %parallel_loop3A_869 : i32
        %parallel_loop3A_873 = arith.index_cast %parallel_loop3A_872 : i32 to index
        %parallel_loop3A_874 = tpu.vector_load %arg8[%parallel_loop3A_873] {strides = array<i32>} : memref<32768xf32, #tpu.memory_space<vmem>>, vector<16xf32>,
        %parallel_loop3A_875 = vector.shape_cast %parallel_loop3A_874 : vector<16xf32> to vector<16xf32>
        %parallel_loop3A_876 = arith.index_cast %parallel_loop3A_871 : i32 to index
        %parallel_loop3A_877 = tpu.vector_load %arg6[%parallel_loop3A_876] {strides = array<i32>} : memref<34560xf32, #tpu.memory_space<vmem>>, vector<16xf32>,
        %parallel_loop3A_878 = vector.shape_cast %parallel_loop3A_877 : vector<16xf32> to vector<16xf32>
        %parallel_loop3A_879 = vector.shape_cast %parallel_loop3A_875 : vector<16xf32> to vector<16xf32>
        tpu.vector_store %arg6[%parallel_loop3A_876], %parallel_loop3A_879 {add = true, strides = array<i32>} : memref<34560xf32, #tpu.memory_space<vmem>>, vector<16xf32>,
      } {sc.loop_unroll_factor = 8 : i64, sc.parallel_access}
    }
    %while3A_758 = arith.constant 1 : i32
    scf.for %while3A_858 = %while3A_756 to %while3A_752 step %while3A_758  : i32 {
      %mul3A_859 = arith.constant 2048 : i32
      %mul3A_860 = arith.muli %while3A_858, %mul3A_859 : i32
      %dma_wait3A = arith.constant 9 : i32
      %dma_wait3A_861 = tpu.memref_slice %arg8[%mul3A_860] : memref<32768xf32, #tpu.memory_space<vmem>> -> memref<2048xf32, #tpu.memory_space<vmem>>
      %dma_wait3A_862 = tpu.memref_slice %arg2[%add3A, %dma_wait3A, %mul3A_860] : memref<32x16x32768xf32, #tpu.memory_space<hbm>> -> memref<1x1x2048xf32, #tpu.memory_space<hbm>>
      %dma_wait3A_863 = tpu.memref_squeeze %dma_wait3A_862 : memref<1x1x2048xf32, #tpu.memory_space<hbm>> -> memref<2048xf32, #tpu.memory_space<hbm>>
      %dma_wait3A_864 = tpu.memref_slice %arg8[%mul3A_860] : memref<32768xf32, #tpu.memory_space<vmem>> -> memref<2048xf32, #tpu.memory_space<vmem>>
      %dma_wait3A_865 = tpu.memref_slice %arg2[%add3A, %dma_wait3A, %mul3A_860] : memref<32x16x32768xf32, #tpu.memory_space<hbm>> -> memref<1x1x2048xf32, #tpu.memory_space<hbm>>
      %dma_wait3A_866 = tpu.memref_squeeze %dma_wait3A_865 : memref<1x1x2048xf32, #tpu.memory_space<hbm>> -> memref<2048xf32, #tpu.memory_space<hbm>>
      tpu.wait_dma2 semaphore(%arg10 : memref<!tpu.dma_semaphore, #tpu.memory_space<semaphore_mem>>) src(%dma_wait3A_866 : memref<2048xf32, #tpu.memory_space<hbm>>) dst(%dma_wait3A_864 : memref<2048xf32, #tpu.memory_space<vmem>>)
      %parallel_loop3A = arith.constant 0 : i32
      %parallel_loop3A_867 = arith.constant 2048 : i32
      %parallel_loop3A_868 = arith.constant 16 : i32
      scf.for %parallel_loop3A_869 = %parallel_loop3A to %parallel_loop3A_867 step %parallel_loop3A_868  : i32 {
        %parallel_loop3A_870 = arith.addi %mul3A_41, %mul3A_860 : i32
        %parallel_loop3A_871 = arith.addi %parallel_loop3A_870, %parallel_loop3A_869 : i32
        %parallel_loop3A_872 = arith.addi %mul3A_860, %parallel_loop3A_869 : i32
        %parallel_loop3A_873 = arith.index_cast %parallel_loop3A_872 : i32 to index
        %parallel_loop3A_874 = tpu.vector_load %arg8[%parallel_loop3A_873] {strides = array<i32>} : memref<32768xf32, #tpu.memory_space<vmem>>, vector<16xf32>,
        %parallel_loop3A_875 = vector.shape_cast %parallel_loop3A_874 : vector<16xf32> to vector<16xf32>
        %parallel_loop3A_876 = arith.index_cast %parallel_loop3A_871 : i32 to index
        %parallel_loop3A_877 = tpu.vector_load %arg6[%parallel_loop3A_876] {strides = array<i32>} : memref<34560xf32, #tpu.memory_space<vmem>>, vector<16xf32>,
        %parallel_loop3A_878 = vector.shape_cast %parallel_loop3A_877 : vector<16xf32> to vector<16xf32>
        %parallel_loop3A_879 = vector.shape_cast %parallel_loop3A_875 : vector<16xf32> to vector<16xf32>
        tpu.vector_store %arg6[%parallel_loop3A_876], %parallel_loop3A_879 {add = true, strides = array<i32>} : memref<34560xf32, #tpu.memory_space<vmem>>, vector<16xf32>,
      } {sc.loop_unroll_factor = 8 : i64, sc.parallel_access}
    }
    %while3A_759 = arith.constant 0 : i32
    %while3A_760 = arith.subi %select_n3A_417, %while3A_759 : i32
    %while3A_761 = arith.addi %while3A_759, %while3A_760 : i32
    %while3A_762 = arith.constant 1 : i32
    %while3A_763 = arith.divsi %while3A_760, %while3A_762 : i32
    %while3A_764 = arith.muli %while3A_763, %while3A_762 : i32
    %while3A_765 = arith.addi %while3A_759, %while3A_764 : i32
    %while3A_766 = arith.constant 1 : i32
    scf.for %while3A_858 = %while3A_759 to %while3A_765 step %while3A_766  : i32 {
      %mul3A_859 = arith.constant 2048 : i32
      %mul3A_860 = arith.muli %while3A_858, %mul3A_859 : i32
      %mul3A_861 = arith.constant 2048 : i32
      %mul3A_862 = arith.muli %while3A_858, %mul3A_861 : i32
      %dma_start3A = arith.constant 11 : i32
      %dma_start3A_863 = tpu.memref_slice %arg8[%mul3A_862] : memref<32768xf32, #tpu.memory_space<vmem>> -> memref<2048xf32, #tpu.memory_space<vmem>>
      %dma_start3A_864 = tpu.memref_slice %arg2[%add3A, %dma_start3A, %mul3A_860] : memref<32x16x32768xf32, #tpu.memory_space<hbm>> -> memref<1x1x2048xf32, #tpu.memory_space<hbm>>
      %dma_start3A_865 = tpu.memref_squeeze %dma_start3A_864 : memref<1x1x2048xf32, #tpu.memory_space<hbm>> -> memref<2048xf32, #tpu.memory_space<hbm>>
      %dma_start3A_866 = tpu.memref_slice %arg8[%mul3A_862] : memref<32768xf32, #tpu.memory_space<vmem>> -> memref<2048xf32, #tpu.memory_space<vmem>>
      %dma_start3A_867 = tpu.memref_slice %arg2[%add3A, %dma_start3A, %mul3A_860] : memref<32x16x32768xf32, #tpu.memory_space<hbm>> -> memref<1x1x2048xf32, #tpu.memory_space<hbm>>
      %dma_start3A_868 = tpu.memref_squeeze %dma_start3A_867 : memref<1x1x2048xf32, #tpu.memory_space<hbm>> -> memref<2048xf32, #tpu.memory_space<hbm>>
      tpu.enqueue_dma source(%dma_start3A_868 : memref<2048xf32, #tpu.memory_space<hbm>>) target(%dma_start3A_866 : memref<2048xf32, #tpu.memory_space<vmem>>) target_semaphore(%arg10 : memref<!tpu.dma_semaphore, #tpu.memory_space<semaphore_mem>>)
    }
    %while3A_767 = arith.constant 1 : i32
    scf.for %while3A_858 = %while3A_765 to %while3A_761 step %while3A_767  : i32 {
      %mul3A_859 = arith.constant 2048 : i32
      %mul3A_860 = arith.muli %while3A_858, %mul3A_859 : i32
      %mul3A_861 = arith.constant 2048 : i32
      %mul3A_862 = arith.muli %while3A_858, %mul3A_861 : i32
      %dma_start3A = arith.constant 11 : i32
      %dma_start3A_863 = tpu.memref_slice %arg8[%mul3A_862] : memref<32768xf32, #tpu.memory_space<vmem>> -> memref<2048xf32, #tpu.memory_space<vmem>>
      %dma_start3A_864 = tpu.memref_slice %arg2[%add3A, %dma_start3A, %mul3A_860] : memref<32x16x32768xf32, #tpu.memory_space<hbm>> -> memref<1x1x2048xf32, #tpu.memory_space<hbm>>
      %dma_start3A_865 = tpu.memref_squeeze %dma_start3A_864 : memref<1x1x2048xf32, #tpu.memory_space<hbm>> -> memref<2048xf32, #tpu.memory_space<hbm>>
      %dma_start3A_866 = tpu.memref_slice %arg8[%mul3A_862] : memref<32768xf32, #tpu.memory_space<vmem>> -> memref<2048xf32, #tpu.memory_space<vmem>>
      %dma_start3A_867 = tpu.memref_slice %arg2[%add3A, %dma_start3A, %mul3A_860] : memref<32x16x32768xf32, #tpu.memory_space<hbm>> -> memref<1x1x2048xf32, #tpu.memory_space<hbm>>
      %dma_start3A_868 = tpu.memref_squeeze %dma_start3A_867 : memref<1x1x2048xf32, #tpu.memory_space<hbm>> -> memref<2048xf32, #tpu.memory_space<hbm>>
      tpu.enqueue_dma source(%dma_start3A_868 : memref<2048xf32, #tpu.memory_space<hbm>>) target(%dma_start3A_866 : memref<2048xf32, #tpu.memory_space<vmem>>) target_semaphore(%arg10 : memref<!tpu.dma_semaphore, #tpu.memory_space<semaphore_mem>>)
    }
    %while3A_768 = arith.constant 0 : i32
    %while3A_769 = arith.subi %select_n3A_387, %while3A_768 : i32
    %while3A_770 = arith.addi %while3A_768, %while3A_769 : i32
    %while3A_771 = arith.constant 1 : i32
    %while3A_772 = arith.divsi %while3A_769, %while3A_771 : i32
    %while3A_773 = arith.muli %while3A_772, %while3A_771 : i32
    %while3A_774 = arith.addi %while3A_768, %while3A_773 : i32
    %while3A_775 = arith.constant 1 : i32
    scf.for %while3A_858 = %while3A_768 to %while3A_774 step %while3A_775  : i32 {
      %mul3A_859 = arith.constant 2048 : i32
      %mul3A_860 = arith.muli %while3A_858, %mul3A_859 : i32
      %dma_wait3A = arith.constant 10 : i32
      %dma_wait3A_861 = tpu.memref_slice %arg7[%mul3A_860] : memref<32768xf32, #tpu.memory_space<vmem>> -> memref<2048xf32, #tpu.memory_space<vmem>>
      %dma_wait3A_862 = tpu.memref_slice %arg2[%add3A, %dma_wait3A, %mul3A_860] : memref<32x16x32768xf32, #tpu.memory_space<hbm>> -> memref<1x1x2048xf32, #tpu.memory_space<hbm>>
      %dma_wait3A_863 = tpu.memref_squeeze %dma_wait3A_862 : memref<1x1x2048xf32, #tpu.memory_space<hbm>> -> memref<2048xf32, #tpu.memory_space<hbm>>
      %dma_wait3A_864 = tpu.memref_slice %arg7[%mul3A_860] : memref<32768xf32, #tpu.memory_space<vmem>> -> memref<2048xf32, #tpu.memory_space<vmem>>
      %dma_wait3A_865 = tpu.memref_slice %arg2[%add3A, %dma_wait3A, %mul3A_860] : memref<32x16x32768xf32, #tpu.memory_space<hbm>> -> memref<1x1x2048xf32, #tpu.memory_space<hbm>>
      %dma_wait3A_866 = tpu.memref_squeeze %dma_wait3A_865 : memref<1x1x2048xf32, #tpu.memory_space<hbm>> -> memref<2048xf32, #tpu.memory_space<hbm>>
      tpu.wait_dma2 semaphore(%arg9 : memref<!tpu.dma_semaphore, #tpu.memory_space<semaphore_mem>>) src(%dma_wait3A_866 : memref<2048xf32, #tpu.memory_space<hbm>>) dst(%dma_wait3A_864 : memref<2048xf32, #tpu.memory_space<vmem>>)
      %parallel_loop3A = arith.constant 0 : i32
      %parallel_loop3A_867 = arith.constant 2048 : i32
      %parallel_loop3A_868 = arith.constant 16 : i32
      scf.for %parallel_loop3A_869 = %parallel_loop3A to %parallel_loop3A_867 step %parallel_loop3A_868  : i32 {
        %parallel_loop3A_870 = arith.addi %mul3A_45, %mul3A_860 : i32
        %parallel_loop3A_871 = arith.addi %parallel_loop3A_870, %parallel_loop3A_869 : i32
        %parallel_loop3A_872 = arith.addi %mul3A_860, %parallel_loop3A_869 : i32
        %parallel_loop3A_873 = arith.index_cast %parallel_loop3A_872 : i32 to index
        %parallel_loop3A_874 = tpu.vector_load %arg7[%parallel_loop3A_873] {strides = array<i32>} : memref<32768xf32, #tpu.memory_space<vmem>>, vector<16xf32>,
        %parallel_loop3A_875 = vector.shape_cast %parallel_loop3A_874 : vector<16xf32> to vector<16xf32>
        %parallel_loop3A_876 = arith.index_cast %parallel_loop3A_871 : i32 to index
        %parallel_loop3A_877 = tpu.vector_load %arg6[%parallel_loop3A_876] {strides = array<i32>} : memref<34560xf32, #tpu.memory_space<vmem>>, vector<16xf32>,
        %parallel_loop3A_878 = vector.shape_cast %parallel_loop3A_877 : vector<16xf32> to vector<16xf32>
        %parallel_loop3A_879 = vector.shape_cast %parallel_loop3A_875 : vector<16xf32> to vector<16xf32>
        tpu.vector_store %arg6[%parallel_loop3A_876], %parallel_loop3A_879 {add = true, strides = array<i32>} : memref<34560xf32, #tpu.memory_space<vmem>>, vector<16xf32>,
      } {sc.loop_unroll_factor = 8 : i64, sc.parallel_access}
    }
    %while3A_776 = arith.constant 1 : i32
    scf.for %while3A_858 = %while3A_774 to %while3A_770 step %while3A_776  : i32 {
      %mul3A_859 = arith.constant 2048 : i32
      %mul3A_860 = arith.muli %while3A_858, %mul3A_859 : i32
      %dma_wait3A = arith.constant 10 : i32
      %dma_wait3A_861 = tpu.memref_slice %arg7[%mul3A_860] : memref<32768xf32, #tpu.memory_space<vmem>> -> memref<2048xf32, #tpu.memory_space<vmem>>
      %dma_wait3A_862 = tpu.memref_slice %arg2[%add3A, %dma_wait3A, %mul3A_860] : memref<32x16x32768xf32, #tpu.memory_space<hbm>> -> memref<1x1x2048xf32, #tpu.memory_space<hbm>>
      %dma_wait3A_863 = tpu.memref_squeeze %dma_wait3A_862 : memref<1x1x2048xf32, #tpu.memory_space<hbm>> -> memref<2048xf32, #tpu.memory_space<hbm>>
      %dma_wait3A_864 = tpu.memref_slice %arg7[%mul3A_860] : memref<32768xf32, #tpu.memory_space<vmem>> -> memref<2048xf32, #tpu.memory_space<vmem>>
      %dma_wait3A_865 = tpu.memref_slice %arg2[%add3A, %dma_wait3A, %mul3A_860] : memref<32x16x32768xf32, #tpu.memory_space<hbm>> -> memref<1x1x2048xf32, #tpu.memory_space<hbm>>
      %dma_wait3A_866 = tpu.memref_squeeze %dma_wait3A_865 : memref<1x1x2048xf32, #tpu.memory_space<hbm>> -> memref<2048xf32, #tpu.memory_space<hbm>>
      tpu.wait_dma2 semaphore(%arg9 : memref<!tpu.dma_semaphore, #tpu.memory_space<semaphore_mem>>) src(%dma_wait3A_866 : memref<2048xf32, #tpu.memory_space<hbm>>) dst(%dma_wait3A_864 : memref<2048xf32, #tpu.memory_space<vmem>>)
      %parallel_loop3A = arith.constant 0 : i32
      %parallel_loop3A_867 = arith.constant 2048 : i32
      %parallel_loop3A_868 = arith.constant 16 : i32
      scf.for %parallel_loop3A_869 = %parallel_loop3A to %parallel_loop3A_867 step %parallel_loop3A_868  : i32 {
        %parallel_loop3A_870 = arith.addi %mul3A_45, %mul3A_860 : i32
        %parallel_loop3A_871 = arith.addi %parallel_loop3A_870, %parallel_loop3A_869 : i32
        %parallel_loop3A_872 = arith.addi %mul3A_860, %parallel_loop3A_869 : i32
        %parallel_loop3A_873 = arith.index_cast %parallel_loop3A_872 : i32 to index
        %parallel_loop3A_874 = tpu.vector_load %arg7[%parallel_loop3A_873] {strides = array<i32>} : memref<32768xf32, #tpu.memory_space<vmem>>, vector<16xf32>,
        %parallel_loop3A_875 = vector.shape_cast %parallel_loop3A_874 : vector<16xf32> to vector<16xf32>
        %parallel_loop3A_876 = arith.index_cast %parallel_loop3A_871 : i32 to index
        %parallel_loop3A_877 = tpu.vector_load %arg6[%parallel_loop3A_876] {strides = array<i32>} : memref<34560xf32, #tpu.memory_space<vmem>>, vector<16xf32>,
        %parallel_loop3A_878 = vector.shape_cast %parallel_loop3A_877 : vector<16xf32> to vector<16xf32>
        %parallel_loop3A_879 = vector.shape_cast %parallel_loop3A_875 : vector<16xf32> to vector<16xf32>
        tpu.vector_store %arg6[%parallel_loop3A_876], %parallel_loop3A_879 {add = true, strides = array<i32>} : memref<34560xf32, #tpu.memory_space<vmem>>, vector<16xf32>,
      } {sc.loop_unroll_factor = 8 : i64, sc.parallel_access}
    }
    %while3A_777 = arith.constant 0 : i32
    %while3A_778 = arith.subi %select_n3A_447, %while3A_777 : i32
    %while3A_779 = arith.addi %while3A_777, %while3A_778 : i32
    %while3A_780 = arith.constant 1 : i32
    %while3A_781 = arith.divsi %while3A_778, %while3A_780 : i32
    %while3A_782 = arith.muli %while3A_781, %while3A_780 : i32
    %while3A_783 = arith.addi %while3A_777, %while3A_782 : i32
    %while3A_784 = arith.constant 1 : i32
    scf.for %while3A_858 = %while3A_777 to %while3A_783 step %while3A_784  : i32 {
      %mul3A_859 = arith.constant 2048 : i32
      %mul3A_860 = arith.muli %while3A_858, %mul3A_859 : i32
      %mul3A_861 = arith.constant 2048 : i32
      %mul3A_862 = arith.muli %while3A_858, %mul3A_861 : i32
      %dma_start3A = arith.constant 12 : i32
      %dma_start3A_863 = tpu.memref_slice %arg7[%mul3A_862] : memref<32768xf32, #tpu.memory_space<vmem>> -> memref<2048xf32, #tpu.memory_space<vmem>>
      %dma_start3A_864 = tpu.memref_slice %arg2[%add3A, %dma_start3A, %mul3A_860] : memref<32x16x32768xf32, #tpu.memory_space<hbm>> -> memref<1x1x2048xf32, #tpu.memory_space<hbm>>
      %dma_start3A_865 = tpu.memref_squeeze %dma_start3A_864 : memref<1x1x2048xf32, #tpu.memory_space<hbm>> -> memref<2048xf32, #tpu.memory_space<hbm>>
      %dma_start3A_866 = tpu.memref_slice %arg7[%mul3A_862] : memref<32768xf32, #tpu.memory_space<vmem>> -> memref<2048xf32, #tpu.memory_space<vmem>>
      %dma_start3A_867 = tpu.memref_slice %arg2[%add3A, %dma_start3A, %mul3A_860] : memref<32x16x32768xf32, #tpu.memory_space<hbm>> -> memref<1x1x2048xf32, #tpu.memory_space<hbm>>
      %dma_start3A_868 = tpu.memref_squeeze %dma_start3A_867 : memref<1x1x2048xf32, #tpu.memory_space<hbm>> -> memref<2048xf32, #tpu.memory_space<hbm>>
      tpu.enqueue_dma source(%dma_start3A_868 : memref<2048xf32, #tpu.memory_space<hbm>>) target(%dma_start3A_866 : memref<2048xf32, #tpu.memory_space<vmem>>) target_semaphore(%arg9 : memref<!tpu.dma_semaphore, #tpu.memory_space<semaphore_mem>>)
    }
    %while3A_785 = arith.constant 1 : i32
    scf.for %while3A_858 = %while3A_783 to %while3A_779 step %while3A_785  : i32 {
      %mul3A_859 = arith.constant 2048 : i32
      %mul3A_860 = arith.muli %while3A_858, %mul3A_859 : i32
      %mul3A_861 = arith.constant 2048 : i32
      %mul3A_862 = arith.muli %while3A_858, %mul3A_861 : i32
      %dma_start3A = arith.constant 12 : i32
      %dma_start3A_863 = tpu.memref_slice %arg7[%mul3A_862] : memref<32768xf32, #tpu.memory_space<vmem>> -> memref<2048xf32, #tpu.memory_space<vmem>>
      %dma_start3A_864 = tpu.memref_slice %arg2[%add3A, %dma_start3A, %mul3A_860] : memref<32x16x32768xf32, #tpu.memory_space<hbm>> -> memref<1x1x2048xf32, #tpu.memory_space<hbm>>
      %dma_start3A_865 = tpu.memref_squeeze %dma_start3A_864 : memref<1x1x2048xf32, #tpu.memory_space<hbm>> -> memref<2048xf32, #tpu.memory_space<hbm>>
      %dma_start3A_866 = tpu.memref_slice %arg7[%mul3A_862] : memref<32768xf32, #tpu.memory_space<vmem>> -> memref<2048xf32, #tpu.memory_space<vmem>>
      %dma_start3A_867 = tpu.memref_slice %arg2[%add3A, %dma_start3A, %mul3A_860] : memref<32x16x32768xf32, #tpu.memory_space<hbm>> -> memref<1x1x2048xf32, #tpu.memory_space<hbm>>
      %dma_start3A_868 = tpu.memref_squeeze %dma_start3A_867 : memref<1x1x2048xf32, #tpu.memory_space<hbm>> -> memref<2048xf32, #tpu.memory_space<hbm>>
      tpu.enqueue_dma source(%dma_start3A_868 : memref<2048xf32, #tpu.memory_space<hbm>>) target(%dma_start3A_866 : memref<2048xf32, #tpu.memory_space<vmem>>) target_semaphore(%arg9 : memref<!tpu.dma_semaphore, #tpu.memory_space<semaphore_mem>>)
    }
    %while3A_786 = arith.constant 0 : i32
    %while3A_787 = arith.subi %select_n3A_417, %while3A_786 : i32
    %while3A_788 = arith.addi %while3A_786, %while3A_787 : i32
    %while3A_789 = arith.constant 1 : i32
    %while3A_790 = arith.divsi %while3A_787, %while3A_789 : i32
    %while3A_791 = arith.muli %while3A_790, %while3A_789 : i32
    %while3A_792 = arith.addi %while3A_786, %while3A_791 : i32
    %while3A_793 = arith.constant 1 : i32
    scf.for %while3A_858 = %while3A_786 to %while3A_792 step %while3A_793  : i32 {
      %mul3A_859 = arith.constant 2048 : i32
      %mul3A_860 = arith.muli %while3A_858, %mul3A_859 : i32
      %dma_wait3A = arith.constant 11 : i32
      %dma_wait3A_861 = tpu.memref_slice %arg8[%mul3A_860] : memref<32768xf32, #tpu.memory_space<vmem>> -> memref<2048xf32, #tpu.memory_space<vmem>>
      %dma_wait3A_862 = tpu.memref_slice %arg2[%add3A, %dma_wait3A, %mul3A_860] : memref<32x16x32768xf32, #tpu.memory_space<hbm>> -> memref<1x1x2048xf32, #tpu.memory_space<hbm>>
      %dma_wait3A_863 = tpu.memref_squeeze %dma_wait3A_862 : memref<1x1x2048xf32, #tpu.memory_space<hbm>> -> memref<2048xf32, #tpu.memory_space<hbm>>
      %dma_wait3A_864 = tpu.memref_slice %arg8[%mul3A_860] : memref<32768xf32, #tpu.memory_space<vmem>> -> memref<2048xf32, #tpu.memory_space<vmem>>
      %dma_wait3A_865 = tpu.memref_slice %arg2[%add3A, %dma_wait3A, %mul3A_860] : memref<32x16x32768xf32, #tpu.memory_space<hbm>> -> memref<1x1x2048xf32, #tpu.memory_space<hbm>>
      %dma_wait3A_866 = tpu.memref_squeeze %dma_wait3A_865 : memref<1x1x2048xf32, #tpu.memory_space<hbm>> -> memref<2048xf32, #tpu.memory_space<hbm>>
      tpu.wait_dma2 semaphore(%arg10 : memref<!tpu.dma_semaphore, #tpu.memory_space<semaphore_mem>>) src(%dma_wait3A_866 : memref<2048xf32, #tpu.memory_space<hbm>>) dst(%dma_wait3A_864 : memref<2048xf32, #tpu.memory_space<vmem>>)
      %parallel_loop3A = arith.constant 0 : i32
      %parallel_loop3A_867 = arith.constant 2048 : i32
      %parallel_loop3A_868 = arith.constant 16 : i32
      scf.for %parallel_loop3A_869 = %parallel_loop3A to %parallel_loop3A_867 step %parallel_loop3A_868  : i32 {
        %parallel_loop3A_870 = arith.addi %mul3A_49, %mul3A_860 : i32
        %parallel_loop3A_871 = arith.addi %parallel_loop3A_870, %parallel_loop3A_869 : i32
        %parallel_loop3A_872 = arith.addi %mul3A_860, %parallel_loop3A_869 : i32
        %parallel_loop3A_873 = arith.index_cast %parallel_loop3A_872 : i32 to index
        %parallel_loop3A_874 = tpu.vector_load %arg8[%parallel_loop3A_873] {strides = array<i32>} : memref<32768xf32, #tpu.memory_space<vmem>>, vector<16xf32>,
        %parallel_loop3A_875 = vector.shape_cast %parallel_loop3A_874 : vector<16xf32> to vector<16xf32>
        %parallel_loop3A_876 = arith.index_cast %parallel_loop3A_871 : i32 to index
        %parallel_loop3A_877 = tpu.vector_load %arg6[%parallel_loop3A_876] {strides = array<i32>} : memref<34560xf32, #tpu.memory_space<vmem>>, vector<16xf32>,
        %parallel_loop3A_878 = vector.shape_cast %parallel_loop3A_877 : vector<16xf32> to vector<16xf32>
        %parallel_loop3A_879 = vector.shape_cast %parallel_loop3A_875 : vector<16xf32> to vector<16xf32>
        tpu.vector_store %arg6[%parallel_loop3A_876], %parallel_loop3A_879 {add = true, strides = array<i32>} : memref<34560xf32, #tpu.memory_space<vmem>>, vector<16xf32>,
      } {sc.loop_unroll_factor = 8 : i64, sc.parallel_access}
    }
    %while3A_794 = arith.constant 1 : i32
    scf.for %while3A_858 = %while3A_792 to %while3A_788 step %while3A_794  : i32 {
      %mul3A_859 = arith.constant 2048 : i32
      %mul3A_860 = arith.muli %while3A_858, %mul3A_859 : i32
      %dma_wait3A = arith.constant 11 : i32
      %dma_wait3A_861 = tpu.memref_slice %arg8[%mul3A_860] : memref<32768xf32, #tpu.memory_space<vmem>> -> memref<2048xf32, #tpu.memory_space<vmem>>
      %dma_wait3A_862 = tpu.memref_slice %arg2[%add3A, %dma_wait3A, %mul3A_860] : memref<32x16x32768xf32, #tpu.memory_space<hbm>> -> memref<1x1x2048xf32, #tpu.memory_space<hbm>>
      %dma_wait3A_863 = tpu.memref_squeeze %dma_wait3A_862 : memref<1x1x2048xf32, #tpu.memory_space<hbm>> -> memref<2048xf32, #tpu.memory_space<hbm>>
      %dma_wait3A_864 = tpu.memref_slice %arg8[%mul3A_860] : memref<32768xf32, #tpu.memory_space<vmem>> -> memref<2048xf32, #tpu.memory_space<vmem>>
      %dma_wait3A_865 = tpu.memref_slice %arg2[%add3A, %dma_wait3A, %mul3A_860] : memref<32x16x32768xf32, #tpu.memory_space<hbm>> -> memref<1x1x2048xf32, #tpu.memory_space<hbm>>
      %dma_wait3A_866 = tpu.memref_squeeze %dma_wait3A_865 : memref<1x1x2048xf32, #tpu.memory_space<hbm>> -> memref<2048xf32, #tpu.memory_space<hbm>>
      tpu.wait_dma2 semaphore(%arg10 : memref<!tpu.dma_semaphore, #tpu.memory_space<semaphore_mem>>) src(%dma_wait3A_866 : memref<2048xf32, #tpu.memory_space<hbm>>) dst(%dma_wait3A_864 : memref<2048xf32, #tpu.memory_space<vmem>>)
      %parallel_loop3A = arith.constant 0 : i32
      %parallel_loop3A_867 = arith.constant 2048 : i32
      %parallel_loop3A_868 = arith.constant 16 : i32
      scf.for %parallel_loop3A_869 = %parallel_loop3A to %parallel_loop3A_867 step %parallel_loop3A_868  : i32 {
        %parallel_loop3A_870 = arith.addi %mul3A_49, %mul3A_860 : i32
        %parallel_loop3A_871 = arith.addi %parallel_loop3A_870, %parallel_loop3A_869 : i32
        %parallel_loop3A_872 = arith.addi %mul3A_860, %parallel_loop3A_869 : i32
        %parallel_loop3A_873 = arith.index_cast %parallel_loop3A_872 : i32 to index
        %parallel_loop3A_874 = tpu.vector_load %arg8[%parallel_loop3A_873] {strides = array<i32>} : memref<32768xf32, #tpu.memory_space<vmem>>, vector<16xf32>,
        %parallel_loop3A_875 = vector.shape_cast %parallel_loop3A_874 : vector<16xf32> to vector<16xf32>
        %parallel_loop3A_876 = arith.index_cast %parallel_loop3A_871 : i32 to index
        %parallel_loop3A_877 = tpu.vector_load %arg6[%parallel_loop3A_876] {strides = array<i32>} : memref<34560xf32, #tpu.memory_space<vmem>>, vector<16xf32>,
        %parallel_loop3A_878 = vector.shape_cast %parallel_loop3A_877 : vector<16xf32> to vector<16xf32>
        %parallel_loop3A_879 = vector.shape_cast %parallel_loop3A_875 : vector<16xf32> to vector<16xf32>
        tpu.vector_store %arg6[%parallel_loop3A_876], %parallel_loop3A_879 {add = true, strides = array<i32>} : memref<34560xf32, #tpu.memory_space<vmem>>, vector<16xf32>,
      } {sc.loop_unroll_factor = 8 : i64, sc.parallel_access}
    }
    %while3A_795 = arith.constant 0 : i32
    %while3A_796 = arith.subi %select_n3A_477, %while3A_795 : i32
    %while3A_797 = arith.addi %while3A_795, %while3A_796 : i32
    %while3A_798 = arith.constant 1 : i32
    %while3A_799 = arith.divsi %while3A_796, %while3A_798 : i32
    %while3A_800 = arith.muli %while3A_799, %while3A_798 : i32
    %while3A_801 = arith.addi %while3A_795, %while3A_800 : i32
    %while3A_802 = arith.constant 1 : i32
    scf.for %while3A_858 = %while3A_795 to %while3A_801 step %while3A_802  : i32 {
      %mul3A_859 = arith.constant 2048 : i32
      %mul3A_860 = arith.muli %while3A_858, %mul3A_859 : i32
      %mul3A_861 = arith.constant 2048 : i32
      %mul3A_862 = arith.muli %while3A_858, %mul3A_861 : i32
      %dma_start3A = arith.constant 13 : i32
      %dma_start3A_863 = tpu.memref_slice %arg8[%mul3A_862] : memref<32768xf32, #tpu.memory_space<vmem>> -> memref<2048xf32, #tpu.memory_space<vmem>>
      %dma_start3A_864 = tpu.memref_slice %arg2[%add3A, %dma_start3A, %mul3A_860] : memref<32x16x32768xf32, #tpu.memory_space<hbm>> -> memref<1x1x2048xf32, #tpu.memory_space<hbm>>
      %dma_start3A_865 = tpu.memref_squeeze %dma_start3A_864 : memref<1x1x2048xf32, #tpu.memory_space<hbm>> -> memref<2048xf32, #tpu.memory_space<hbm>>
      %dma_start3A_866 = tpu.memref_slice %arg8[%mul3A_862] : memref<32768xf32, #tpu.memory_space<vmem>> -> memref<2048xf32, #tpu.memory_space<vmem>>
      %dma_start3A_867 = tpu.memref_slice %arg2[%add3A, %dma_start3A, %mul3A_860] : memref<32x16x32768xf32, #tpu.memory_space<hbm>> -> memref<1x1x2048xf32, #tpu.memory_space<hbm>>
      %dma_start3A_868 = tpu.memref_squeeze %dma_start3A_867 : memref<1x1x2048xf32, #tpu.memory_space<hbm>> -> memref<2048xf32, #tpu.memory_space<hbm>>
      tpu.enqueue_dma source(%dma_start3A_868 : memref<2048xf32, #tpu.memory_space<hbm>>) target(%dma_start3A_866 : memref<2048xf32, #tpu.memory_space<vmem>>) target_semaphore(%arg10 : memref<!tpu.dma_semaphore, #tpu.memory_space<semaphore_mem>>)
    }
    %while3A_803 = arith.constant 1 : i32
    scf.for %while3A_858 = %while3A_801 to %while3A_797 step %while3A_803  : i32 {
      %mul3A_859 = arith.constant 2048 : i32
      %mul3A_860 = arith.muli %while3A_858, %mul3A_859 : i32
      %mul3A_861 = arith.constant 2048 : i32
      %mul3A_862 = arith.muli %while3A_858, %mul3A_861 : i32
      %dma_start3A = arith.constant 13 : i32
      %dma_start3A_863 = tpu.memref_slice %arg8[%mul3A_862] : memref<32768xf32, #tpu.memory_space<vmem>> -> memref<2048xf32, #tpu.memory_space<vmem>>
      %dma_start3A_864 = tpu.memref_slice %arg2[%add3A, %dma_start3A, %mul3A_860] : memref<32x16x32768xf32, #tpu.memory_space<hbm>> -> memref<1x1x2048xf32, #tpu.memory_space<hbm>>
      %dma_start3A_865 = tpu.memref_squeeze %dma_start3A_864 : memref<1x1x2048xf32, #tpu.memory_space<hbm>> -> memref<2048xf32, #tpu.memory_space<hbm>>
      %dma_start3A_866 = tpu.memref_slice %arg8[%mul3A_862] : memref<32768xf32, #tpu.memory_space<vmem>> -> memref<2048xf32, #tpu.memory_space<vmem>>
      %dma_start3A_867 = tpu.memref_slice %arg2[%add3A, %dma_start3A, %mul3A_860] : memref<32x16x32768xf32, #tpu.memory_space<hbm>> -> memref<1x1x2048xf32, #tpu.memory_space<hbm>>
      %dma_start3A_868 = tpu.memref_squeeze %dma_start3A_867 : memref<1x1x2048xf32, #tpu.memory_space<hbm>> -> memref<2048xf32, #tpu.memory_space<hbm>>
      tpu.enqueue_dma source(%dma_start3A_868 : memref<2048xf32, #tpu.memory_space<hbm>>) target(%dma_start3A_866 : memref<2048xf32, #tpu.memory_space<vmem>>) target_semaphore(%arg10 : memref<!tpu.dma_semaphore, #tpu.memory_space<semaphore_mem>>)
    }
    %while3A_804 = arith.constant 0 : i32
    %while3A_805 = arith.subi %select_n3A_447, %while3A_804 : i32
    %while3A_806 = arith.addi %while3A_804, %while3A_805 : i32
    %while3A_807 = arith.constant 1 : i32
    %while3A_808 = arith.divsi %while3A_805, %while3A_807 : i32
    %while3A_809 = arith.muli %while3A_808, %while3A_807 : i32
    %while3A_810 = arith.addi %while3A_804, %while3A_809 : i32
    %while3A_811 = arith.constant 1 : i32
    scf.for %while3A_858 = %while3A_804 to %while3A_810 step %while3A_811  : i32 {
      %mul3A_859 = arith.constant 2048 : i32
      %mul3A_860 = arith.muli %while3A_858, %mul3A_859 : i32
      %dma_wait3A = arith.constant 12 : i32
      %dma_wait3A_861 = tpu.memref_slice %arg7[%mul3A_860] : memref<32768xf32, #tpu.memory_space<vmem>> -> memref<2048xf32, #tpu.memory_space<vmem>>
      %dma_wait3A_862 = tpu.memref_slice %arg2[%add3A, %dma_wait3A, %mul3A_860] : memref<32x16x32768xf32, #tpu.memory_space<hbm>> -> memref<1x1x2048xf32, #tpu.memory_space<hbm>>
      %dma_wait3A_863 = tpu.memref_squeeze %dma_wait3A_862 : memref<1x1x2048xf32, #tpu.memory_space<hbm>> -> memref<2048xf32, #tpu.memory_space<hbm>>
      %dma_wait3A_864 = tpu.memref_slice %arg7[%mul3A_860] : memref<32768xf32, #tpu.memory_space<vmem>> -> memref<2048xf32, #tpu.memory_space<vmem>>
      %dma_wait3A_865 = tpu.memref_slice %arg2[%add3A, %dma_wait3A, %mul3A_860] : memref<32x16x32768xf32, #tpu.memory_space<hbm>> -> memref<1x1x2048xf32, #tpu.memory_space<hbm>>
      %dma_wait3A_866 = tpu.memref_squeeze %dma_wait3A_865 : memref<1x1x2048xf32, #tpu.memory_space<hbm>> -> memref<2048xf32, #tpu.memory_space<hbm>>
      tpu.wait_dma2 semaphore(%arg9 : memref<!tpu.dma_semaphore, #tpu.memory_space<semaphore_mem>>) src(%dma_wait3A_866 : memref<2048xf32, #tpu.memory_space<hbm>>) dst(%dma_wait3A_864 : memref<2048xf32, #tpu.memory_space<vmem>>)
      %parallel_loop3A = arith.constant 0 : i32
      %parallel_loop3A_867 = arith.constant 2048 : i32
      %parallel_loop3A_868 = arith.constant 16 : i32
      scf.for %parallel_loop3A_869 = %parallel_loop3A to %parallel_loop3A_867 step %parallel_loop3A_868  : i32 {
        %parallel_loop3A_870 = arith.addi %mul3A_53, %mul3A_860 : i32
        %parallel_loop3A_871 = arith.addi %parallel_loop3A_870, %parallel_loop3A_869 : i32
        %parallel_loop3A_872 = arith.addi %mul3A_860, %parallel_loop3A_869 : i32
        %parallel_loop3A_873 = arith.index_cast %parallel_loop3A_872 : i32 to index
        %parallel_loop3A_874 = tpu.vector_load %arg7[%parallel_loop3A_873] {strides = array<i32>} : memref<32768xf32, #tpu.memory_space<vmem>>, vector<16xf32>,
        %parallel_loop3A_875 = vector.shape_cast %parallel_loop3A_874 : vector<16xf32> to vector<16xf32>
        %parallel_loop3A_876 = arith.index_cast %parallel_loop3A_871 : i32 to index
        %parallel_loop3A_877 = tpu.vector_load %arg6[%parallel_loop3A_876] {strides = array<i32>} : memref<34560xf32, #tpu.memory_space<vmem>>, vector<16xf32>,
        %parallel_loop3A_878 = vector.shape_cast %parallel_loop3A_877 : vector<16xf32> to vector<16xf32>
        %parallel_loop3A_879 = vector.shape_cast %parallel_loop3A_875 : vector<16xf32> to vector<16xf32>
        tpu.vector_store %arg6[%parallel_loop3A_876], %parallel_loop3A_879 {add = true, strides = array<i32>} : memref<34560xf32, #tpu.memory_space<vmem>>, vector<16xf32>,
      } {sc.loop_unroll_factor = 8 : i64, sc.parallel_access}
    }
    %while3A_812 = arith.constant 1 : i32
    scf.for %while3A_858 = %while3A_810 to %while3A_806 step %while3A_812  : i32 {
      %mul3A_859 = arith.constant 2048 : i32
      %mul3A_860 = arith.muli %while3A_858, %mul3A_859 : i32
      %dma_wait3A = arith.constant 12 : i32
      %dma_wait3A_861 = tpu.memref_slice %arg7[%mul3A_860] : memref<32768xf32, #tpu.memory_space<vmem>> -> memref<2048xf32, #tpu.memory_space<vmem>>
      %dma_wait3A_862 = tpu.memref_slice %arg2[%add3A, %dma_wait3A, %mul3A_860] : memref<32x16x32768xf32, #tpu.memory_space<hbm>> -> memref<1x1x2048xf32, #tpu.memory_space<hbm>>
      %dma_wait3A_863 = tpu.memref_squeeze %dma_wait3A_862 : memref<1x1x2048xf32, #tpu.memory_space<hbm>> -> memref<2048xf32, #tpu.memory_space<hbm>>
      %dma_wait3A_864 = tpu.memref_slice %arg7[%mul3A_860] : memref<32768xf32, #tpu.memory_space<vmem>> -> memref<2048xf32, #tpu.memory_space<vmem>>
      %dma_wait3A_865 = tpu.memref_slice %arg2[%add3A, %dma_wait3A, %mul3A_860] : memref<32x16x32768xf32, #tpu.memory_space<hbm>> -> memref<1x1x2048xf32, #tpu.memory_space<hbm>>
      %dma_wait3A_866 = tpu.memref_squeeze %dma_wait3A_865 : memref<1x1x2048xf32, #tpu.memory_space<hbm>> -> memref<2048xf32, #tpu.memory_space<hbm>>
      tpu.wait_dma2 semaphore(%arg9 : memref<!tpu.dma_semaphore, #tpu.memory_space<semaphore_mem>>) src(%dma_wait3A_866 : memref<2048xf32, #tpu.memory_space<hbm>>) dst(%dma_wait3A_864 : memref<2048xf32, #tpu.memory_space<vmem>>)
      %parallel_loop3A = arith.constant 0 : i32
      %parallel_loop3A_867 = arith.constant 2048 : i32
      %parallel_loop3A_868 = arith.constant 16 : i32
      scf.for %parallel_loop3A_869 = %parallel_loop3A to %parallel_loop3A_867 step %parallel_loop3A_868  : i32 {
        %parallel_loop3A_870 = arith.addi %mul3A_53, %mul3A_860 : i32
        %parallel_loop3A_871 = arith.addi %parallel_loop3A_870, %parallel_loop3A_869 : i32
        %parallel_loop3A_872 = arith.addi %mul3A_860, %parallel_loop3A_869 : i32
        %parallel_loop3A_873 = arith.index_cast %parallel_loop3A_872 : i32 to index
        %parallel_loop3A_874 = tpu.vector_load %arg7[%parallel_loop3A_873] {strides = array<i32>} : memref<32768xf32, #tpu.memory_space<vmem>>, vector<16xf32>,
        %parallel_loop3A_875 = vector.shape_cast %parallel_loop3A_874 : vector<16xf32> to vector<16xf32>
        %parallel_loop3A_876 = arith.index_cast %parallel_loop3A_871 : i32 to index
        %parallel_loop3A_877 = tpu.vector_load %arg6[%parallel_loop3A_876] {strides = array<i32>} : memref<34560xf32, #tpu.memory_space<vmem>>, vector<16xf32>,
        %parallel_loop3A_878 = vector.shape_cast %parallel_loop3A_877 : vector<16xf32> to vector<16xf32>
        %parallel_loop3A_879 = vector.shape_cast %parallel_loop3A_875 : vector<16xf32> to vector<16xf32>
        tpu.vector_store %arg6[%parallel_loop3A_876], %parallel_loop3A_879 {add = true, strides = array<i32>} : memref<34560xf32, #tpu.memory_space<vmem>>, vector<16xf32>,
      } {sc.loop_unroll_factor = 8 : i64, sc.parallel_access}
    }
    %while3A_813 = arith.constant 0 : i32
    %while3A_814 = arith.subi %select_n3A_507, %while3A_813 : i32
    %while3A_815 = arith.addi %while3A_813, %while3A_814 : i32
    %while3A_816 = arith.constant 1 : i32
    %while3A_817 = arith.divsi %while3A_814, %while3A_816 : i32
    %while3A_818 = arith.muli %while3A_817, %while3A_816 : i32
    %while3A_819 = arith.addi %while3A_813, %while3A_818 : i32
    %while3A_820 = arith.constant 1 : i32
    scf.for %while3A_858 = %while3A_813 to %while3A_819 step %while3A_820  : i32 {
      %mul3A_859 = arith.constant 2048 : i32
      %mul3A_860 = arith.muli %while3A_858, %mul3A_859 : i32
      %mul3A_861 = arith.constant 2048 : i32
      %mul3A_862 = arith.muli %while3A_858, %mul3A_861 : i32
      %dma_start3A = arith.constant 14 : i32
      %dma_start3A_863 = tpu.memref_slice %arg7[%mul3A_862] : memref<32768xf32, #tpu.memory_space<vmem>> -> memref<2048xf32, #tpu.memory_space<vmem>>
      %dma_start3A_864 = tpu.memref_slice %arg2[%add3A, %dma_start3A, %mul3A_860] : memref<32x16x32768xf32, #tpu.memory_space<hbm>> -> memref<1x1x2048xf32, #tpu.memory_space<hbm>>
      %dma_start3A_865 = tpu.memref_squeeze %dma_start3A_864 : memref<1x1x2048xf32, #tpu.memory_space<hbm>> -> memref<2048xf32, #tpu.memory_space<hbm>>
      %dma_start3A_866 = tpu.memref_slice %arg7[%mul3A_862] : memref<32768xf32, #tpu.memory_space<vmem>> -> memref<2048xf32, #tpu.memory_space<vmem>>
      %dma_start3A_867 = tpu.memref_slice %arg2[%add3A, %dma_start3A, %mul3A_860] : memref<32x16x32768xf32, #tpu.memory_space<hbm>> -> memref<1x1x2048xf32, #tpu.memory_space<hbm>>
      %dma_start3A_868 = tpu.memref_squeeze %dma_start3A_867 : memref<1x1x2048xf32, #tpu.memory_space<hbm>> -> memref<2048xf32, #tpu.memory_space<hbm>>
      tpu.enqueue_dma source(%dma_start3A_868 : memref<2048xf32, #tpu.memory_space<hbm>>) target(%dma_start3A_866 : memref<2048xf32, #tpu.memory_space<vmem>>) target_semaphore(%arg9 : memref<!tpu.dma_semaphore, #tpu.memory_space<semaphore_mem>>)
    }
    %while3A_821 = arith.constant 1 : i32
    scf.for %while3A_858 = %while3A_819 to %while3A_815 step %while3A_821  : i32 {
      %mul3A_859 = arith.constant 2048 : i32
      %mul3A_860 = arith.muli %while3A_858, %mul3A_859 : i32
      %mul3A_861 = arith.constant 2048 : i32
      %mul3A_862 = arith.muli %while3A_858, %mul3A_861 : i32
      %dma_start3A = arith.constant 14 : i32
      %dma_start3A_863 = tpu.memref_slice %arg7[%mul3A_862] : memref<32768xf32, #tpu.memory_space<vmem>> -> memref<2048xf32, #tpu.memory_space<vmem>>
      %dma_start3A_864 = tpu.memref_slice %arg2[%add3A, %dma_start3A, %mul3A_860] : memref<32x16x32768xf32, #tpu.memory_space<hbm>> -> memref<1x1x2048xf32, #tpu.memory_space<hbm>>
      %dma_start3A_865 = tpu.memref_squeeze %dma_start3A_864 : memref<1x1x2048xf32, #tpu.memory_space<hbm>> -> memref<2048xf32, #tpu.memory_space<hbm>>
      %dma_start3A_866 = tpu.memref_slice %arg7[%mul3A_862] : memref<32768xf32, #tpu.memory_space<vmem>> -> memref<2048xf32, #tpu.memory_space<vmem>>
      %dma_start3A_867 = tpu.memref_slice %arg2[%add3A, %dma_start3A, %mul3A_860] : memref<32x16x32768xf32, #tpu.memory_space<hbm>> -> memref<1x1x2048xf32, #tpu.memory_space<hbm>>
      %dma_start3A_868 = tpu.memref_squeeze %dma_start3A_867 : memref<1x1x2048xf32, #tpu.memory_space<hbm>> -> memref<2048xf32, #tpu.memory_space<hbm>>
      tpu.enqueue_dma source(%dma_start3A_868 : memref<2048xf32, #tpu.memory_space<hbm>>) target(%dma_start3A_866 : memref<2048xf32, #tpu.memory_space<vmem>>) target_semaphore(%arg9 : memref<!tpu.dma_semaphore, #tpu.memory_space<semaphore_mem>>)
    }
    %while3A_822 = arith.constant 0 : i32
    %while3A_823 = arith.subi %select_n3A_477, %while3A_822 : i32
    %while3A_824 = arith.addi %while3A_822, %while3A_823 : i32
    %while3A_825 = arith.constant 1 : i32
    %while3A_826 = arith.divsi %while3A_823, %while3A_825 : i32
    %while3A_827 = arith.muli %while3A_826, %while3A_825 : i32
    %while3A_828 = arith.addi %while3A_822, %while3A_827 : i32
    %while3A_829 = arith.constant 1 : i32
    scf.for %while3A_858 = %while3A_822 to %while3A_828 step %while3A_829  : i32 {
      %mul3A_859 = arith.constant 2048 : i32
      %mul3A_860 = arith.muli %while3A_858, %mul3A_859 : i32
      %dma_wait3A = arith.constant 13 : i32
      %dma_wait3A_861 = tpu.memref_slice %arg8[%mul3A_860] : memref<32768xf32, #tpu.memory_space<vmem>> -> memref<2048xf32, #tpu.memory_space<vmem>>
      %dma_wait3A_862 = tpu.memref_slice %arg2[%add3A, %dma_wait3A, %mul3A_860] : memref<32x16x32768xf32, #tpu.memory_space<hbm>> -> memref<1x1x2048xf32, #tpu.memory_space<hbm>>
      %dma_wait3A_863 = tpu.memref_squeeze %dma_wait3A_862 : memref<1x1x2048xf32, #tpu.memory_space<hbm>> -> memref<2048xf32, #tpu.memory_space<hbm>>
      %dma_wait3A_864 = tpu.memref_slice %arg8[%mul3A_860] : memref<32768xf32, #tpu.memory_space<vmem>> -> memref<2048xf32, #tpu.memory_space<vmem>>
      %dma_wait3A_865 = tpu.memref_slice %arg2[%add3A, %dma_wait3A, %mul3A_860] : memref<32x16x32768xf32, #tpu.memory_space<hbm>> -> memref<1x1x2048xf32, #tpu.memory_space<hbm>>
      %dma_wait3A_866 = tpu.memref_squeeze %dma_wait3A_865 : memref<1x1x2048xf32, #tpu.memory_space<hbm>> -> memref<2048xf32, #tpu.memory_space<hbm>>
      tpu.wait_dma2 semaphore(%arg10 : memref<!tpu.dma_semaphore, #tpu.memory_space<semaphore_mem>>) src(%dma_wait3A_866 : memref<2048xf32, #tpu.memory_space<hbm>>) dst(%dma_wait3A_864 : memref<2048xf32, #tpu.memory_space<vmem>>)
      %parallel_loop3A = arith.constant 0 : i32
      %parallel_loop3A_867 = arith.constant 2048 : i32
      %parallel_loop3A_868 = arith.constant 16 : i32
      scf.for %parallel_loop3A_869 = %parallel_loop3A to %parallel_loop3A_867 step %parallel_loop3A_868  : i32 {
        %parallel_loop3A_870 = arith.addi %mul3A_57, %mul3A_860 : i32
        %parallel_loop3A_871 = arith.addi %parallel_loop3A_870, %parallel_loop3A_869 : i32
        %parallel_loop3A_872 = arith.addi %mul3A_860, %parallel_loop3A_869 : i32
        %parallel_loop3A_873 = arith.index_cast %parallel_loop3A_872 : i32 to index
        %parallel_loop3A_874 = tpu.vector_load %arg8[%parallel_loop3A_873] {strides = array<i32>} : memref<32768xf32, #tpu.memory_space<vmem>>, vector<16xf32>,
        %parallel_loop3A_875 = vector.shape_cast %parallel_loop3A_874 : vector<16xf32> to vector<16xf32>
        %parallel_loop3A_876 = arith.index_cast %parallel_loop3A_871 : i32 to index
        %parallel_loop3A_877 = tpu.vector_load %arg6[%parallel_loop3A_876] {strides = array<i32>} : memref<34560xf32, #tpu.memory_space<vmem>>, vector<16xf32>,
        %parallel_loop3A_878 = vector.shape_cast %parallel_loop3A_877 : vector<16xf32> to vector<16xf32>
        %parallel_loop3A_879 = vector.shape_cast %parallel_loop3A_875 : vector<16xf32> to vector<16xf32>
        tpu.vector_store %arg6[%parallel_loop3A_876], %parallel_loop3A_879 {add = true, strides = array<i32>} : memref<34560xf32, #tpu.memory_space<vmem>>, vector<16xf32>,
      } {sc.loop_unroll_factor = 8 : i64, sc.parallel_access}
    }
    %while3A_830 = arith.constant 1 : i32
    scf.for %while3A_858 = %while3A_828 to %while3A_824 step %while3A_830  : i32 {
      %mul3A_859 = arith.constant 2048 : i32
      %mul3A_860 = arith.muli %while3A_858, %mul3A_859 : i32
      %dma_wait3A = arith.constant 13 : i32
      %dma_wait3A_861 = tpu.memref_slice %arg8[%mul3A_860] : memref<32768xf32, #tpu.memory_space<vmem>> -> memref<2048xf32, #tpu.memory_space<vmem>>
      %dma_wait3A_862 = tpu.memref_slice %arg2[%add3A, %dma_wait3A, %mul3A_860] : memref<32x16x32768xf32, #tpu.memory_space<hbm>> -> memref<1x1x2048xf32, #tpu.memory_space<hbm>>
      %dma_wait3A_863 = tpu.memref_squeeze %dma_wait3A_862 : memref<1x1x2048xf32, #tpu.memory_space<hbm>> -> memref<2048xf32, #tpu.memory_space<hbm>>
      %dma_wait3A_864 = tpu.memref_slice %arg8[%mul3A_860] : memref<32768xf32, #tpu.memory_space<vmem>> -> memref<2048xf32, #tpu.memory_space<vmem>>
      %dma_wait3A_865 = tpu.memref_slice %arg2[%add3A, %dma_wait3A, %mul3A_860] : memref<32x16x32768xf32, #tpu.memory_space<hbm>> -> memref<1x1x2048xf32, #tpu.memory_space<hbm>>
      %dma_wait3A_866 = tpu.memref_squeeze %dma_wait3A_865 : memref<1x1x2048xf32, #tpu.memory_space<hbm>> -> memref<2048xf32, #tpu.memory_space<hbm>>
      tpu.wait_dma2 semaphore(%arg10 : memref<!tpu.dma_semaphore, #tpu.memory_space<semaphore_mem>>) src(%dma_wait3A_866 : memref<2048xf32, #tpu.memory_space<hbm>>) dst(%dma_wait3A_864 : memref<2048xf32, #tpu.memory_space<vmem>>)
      %parallel_loop3A = arith.constant 0 : i32
      %parallel_loop3A_867 = arith.constant 2048 : i32
      %parallel_loop3A_868 = arith.constant 16 : i32
      scf.for %parallel_loop3A_869 = %parallel_loop3A to %parallel_loop3A_867 step %parallel_loop3A_868  : i32 {
        %parallel_loop3A_870 = arith.addi %mul3A_57, %mul3A_860 : i32
        %parallel_loop3A_871 = arith.addi %parallel_loop3A_870, %parallel_loop3A_869 : i32
        %parallel_loop3A_872 = arith.addi %mul3A_860, %parallel_loop3A_869 : i32
        %parallel_loop3A_873 = arith.index_cast %parallel_loop3A_872 : i32 to index
        %parallel_loop3A_874 = tpu.vector_load %arg8[%parallel_loop3A_873] {strides = array<i32>} : memref<32768xf32, #tpu.memory_space<vmem>>, vector<16xf32>,
        %parallel_loop3A_875 = vector.shape_cast %parallel_loop3A_874 : vector<16xf32> to vector<16xf32>
        %parallel_loop3A_876 = arith.index_cast %parallel_loop3A_871 : i32 to index
        %parallel_loop3A_877 = tpu.vector_load %arg6[%parallel_loop3A_876] {strides = array<i32>} : memref<34560xf32, #tpu.memory_space<vmem>>, vector<16xf32>,
        %parallel_loop3A_878 = vector.shape_cast %parallel_loop3A_877 : vector<16xf32> to vector<16xf32>
        %parallel_loop3A_879 = vector.shape_cast %parallel_loop3A_875 : vector<16xf32> to vector<16xf32>
        tpu.vector_store %arg6[%parallel_loop3A_876], %parallel_loop3A_879 {add = true, strides = array<i32>} : memref<34560xf32, #tpu.memory_space<vmem>>, vector<16xf32>,
      } {sc.loop_unroll_factor = 8 : i64, sc.parallel_access}
    }
    %while3A_831 = arith.constant 0 : i32
    %while3A_832 = arith.subi %select_n3A_537, %while3A_831 : i32
    %while3A_833 = arith.addi %while3A_831, %while3A_832 : i32
    %while3A_834 = arith.constant 1 : i32
    %while3A_835 = arith.divsi %while3A_832, %while3A_834 : i32
    %while3A_836 = arith.muli %while3A_835, %while3A_834 : i32
    %while3A_837 = arith.addi %while3A_831, %while3A_836 : i32
    %while3A_838 = arith.constant 1 : i32
    scf.for %while3A_858 = %while3A_831 to %while3A_837 step %while3A_838  : i32 {
      %mul3A_859 = arith.constant 2048 : i32
      %mul3A_860 = arith.muli %while3A_858, %mul3A_859 : i32
      %mul3A_861 = arith.constant 2048 : i32
      %mul3A_862 = arith.muli %while3A_858, %mul3A_861 : i32
      %dma_start3A = arith.constant 15 : i32
      %dma_start3A_863 = tpu.memref_slice %arg8[%mul3A_862] : memref<32768xf32, #tpu.memory_space<vmem>> -> memref<2048xf32, #tpu.memory_space<vmem>>
      %dma_start3A_864 = tpu.memref_slice %arg2[%add3A, %dma_start3A, %mul3A_860] : memref<32x16x32768xf32, #tpu.memory_space<hbm>> -> memref<1x1x2048xf32, #tpu.memory_space<hbm>>
      %dma_start3A_865 = tpu.memref_squeeze %dma_start3A_864 : memref<1x1x2048xf32, #tpu.memory_space<hbm>> -> memref<2048xf32, #tpu.memory_space<hbm>>
      %dma_start3A_866 = tpu.memref_slice %arg8[%mul3A_862] : memref<32768xf32, #tpu.memory_space<vmem>> -> memref<2048xf32, #tpu.memory_space<vmem>>
      %dma_start3A_867 = tpu.memref_slice %arg2[%add3A, %dma_start3A, %mul3A_860] : memref<32x16x32768xf32, #tpu.memory_space<hbm>> -> memref<1x1x2048xf32, #tpu.memory_space<hbm>>
      %dma_start3A_868 = tpu.memref_squeeze %dma_start3A_867 : memref<1x1x2048xf32, #tpu.memory_space<hbm>> -> memref<2048xf32, #tpu.memory_space<hbm>>
      tpu.enqueue_dma source(%dma_start3A_868 : memref<2048xf32, #tpu.memory_space<hbm>>) target(%dma_start3A_866 : memref<2048xf32, #tpu.memory_space<vmem>>) target_semaphore(%arg10 : memref<!tpu.dma_semaphore, #tpu.memory_space<semaphore_mem>>)
    }
    %while3A_839 = arith.constant 1 : i32
    scf.for %while3A_858 = %while3A_837 to %while3A_833 step %while3A_839  : i32 {
      %mul3A_859 = arith.constant 2048 : i32
      %mul3A_860 = arith.muli %while3A_858, %mul3A_859 : i32
      %mul3A_861 = arith.constant 2048 : i32
      %mul3A_862 = arith.muli %while3A_858, %mul3A_861 : i32
      %dma_start3A = arith.constant 15 : i32
      %dma_start3A_863 = tpu.memref_slice %arg8[%mul3A_862] : memref<32768xf32, #tpu.memory_space<vmem>> -> memref<2048xf32, #tpu.memory_space<vmem>>
      %dma_start3A_864 = tpu.memref_slice %arg2[%add3A, %dma_start3A, %mul3A_860] : memref<32x16x32768xf32, #tpu.memory_space<hbm>> -> memref<1x1x2048xf32, #tpu.memory_space<hbm>>
      %dma_start3A_865 = tpu.memref_squeeze %dma_start3A_864 : memref<1x1x2048xf32, #tpu.memory_space<hbm>> -> memref<2048xf32, #tpu.memory_space<hbm>>
      %dma_start3A_866 = tpu.memref_slice %arg8[%mul3A_862] : memref<32768xf32, #tpu.memory_space<vmem>> -> memref<2048xf32, #tpu.memory_space<vmem>>
      %dma_start3A_867 = tpu.memref_slice %arg2[%add3A, %dma_start3A, %mul3A_860] : memref<32x16x32768xf32, #tpu.memory_space<hbm>> -> memref<1x1x2048xf32, #tpu.memory_space<hbm>>
      %dma_start3A_868 = tpu.memref_squeeze %dma_start3A_867 : memref<1x1x2048xf32, #tpu.memory_space<hbm>> -> memref<2048xf32, #tpu.memory_space<hbm>>
      tpu.enqueue_dma source(%dma_start3A_868 : memref<2048xf32, #tpu.memory_space<hbm>>) target(%dma_start3A_866 : memref<2048xf32, #tpu.memory_space<vmem>>) target_semaphore(%arg10 : memref<!tpu.dma_semaphore, #tpu.memory_space<semaphore_mem>>)
    }
    %while3A_840 = arith.constant 0 : i32
    %while3A_841 = arith.subi %select_n3A_507, %while3A_840 : i32
    %while3A_842 = arith.addi %while3A_840, %while3A_841 : i32
    %while3A_843 = arith.constant 1 : i32
    %while3A_844 = arith.divsi %while3A_841, %while3A_843 : i32
    %while3A_845 = arith.muli %while3A_844, %while3A_843 : i32
    %while3A_846 = arith.addi %while3A_840, %while3A_845 : i32
    %while3A_847 = arith.constant 1 : i32
    scf.for %while3A_858 = %while3A_840 to %while3A_846 step %while3A_847  : i32 {
      %mul3A_859 = arith.constant 2048 : i32
      %mul3A_860 = arith.muli %while3A_858, %mul3A_859 : i32
      %dma_wait3A = arith.constant 14 : i32
      %dma_wait3A_861 = tpu.memref_slice %arg7[%mul3A_860] : memref<32768xf32, #tpu.memory_space<vmem>> -> memref<2048xf32, #tpu.memory_space<vmem>>
      %dma_wait3A_862 = tpu.memref_slice %arg2[%add3A, %dma_wait3A, %mul3A_860] : memref<32x16x32768xf32, #tpu.memory_space<hbm>> -> memref<1x1x2048xf32, #tpu.memory_space<hbm>>
      %dma_wait3A_863 = tpu.memref_squeeze %dma_wait3A_862 : memref<1x1x2048xf32, #tpu.memory_space<hbm>> -> memref<2048xf32, #tpu.memory_space<hbm>>
      %dma_wait3A_864 = tpu.memref_slice %arg7[%mul3A_860] : memref<32768xf32, #tpu.memory_space<vmem>> -> memref<2048xf32, #tpu.memory_space<vmem>>
      %dma_wait3A_865 = tpu.memref_slice %arg2[%add3A, %dma_wait3A, %mul3A_860] : memref<32x16x32768xf32, #tpu.memory_space<hbm>> -> memref<1x1x2048xf32, #tpu.memory_space<hbm>>
      %dma_wait3A_866 = tpu.memref_squeeze %dma_wait3A_865 : memref<1x1x2048xf32, #tpu.memory_space<hbm>> -> memref<2048xf32, #tpu.memory_space<hbm>>
      tpu.wait_dma2 semaphore(%arg9 : memref<!tpu.dma_semaphore, #tpu.memory_space<semaphore_mem>>) src(%dma_wait3A_866 : memref<2048xf32, #tpu.memory_space<hbm>>) dst(%dma_wait3A_864 : memref<2048xf32, #tpu.memory_space<vmem>>)
      %parallel_loop3A = arith.constant 0 : i32
      %parallel_loop3A_867 = arith.constant 2048 : i32
      %parallel_loop3A_868 = arith.constant 16 : i32
      scf.for %parallel_loop3A_869 = %parallel_loop3A to %parallel_loop3A_867 step %parallel_loop3A_868  : i32 {
        %parallel_loop3A_870 = arith.addi %mul3A_61, %mul3A_860 : i32
        %parallel_loop3A_871 = arith.addi %parallel_loop3A_870, %parallel_loop3A_869 : i32
        %parallel_loop3A_872 = arith.addi %mul3A_860, %parallel_loop3A_869 : i32
        %parallel_loop3A_873 = arith.index_cast %parallel_loop3A_872 : i32 to index
        %parallel_loop3A_874 = tpu.vector_load %arg7[%parallel_loop3A_873] {strides = array<i32>} : memref<32768xf32, #tpu.memory_space<vmem>>, vector<16xf32>,
        %parallel_loop3A_875 = vector.shape_cast %parallel_loop3A_874 : vector<16xf32> to vector<16xf32>
        %parallel_loop3A_876 = arith.index_cast %parallel_loop3A_871 : i32 to index
        %parallel_loop3A_877 = tpu.vector_load %arg6[%parallel_loop3A_876] {strides = array<i32>} : memref<34560xf32, #tpu.memory_space<vmem>>, vector<16xf32>,
        %parallel_loop3A_878 = vector.shape_cast %parallel_loop3A_877 : vector<16xf32> to vector<16xf32>
        %parallel_loop3A_879 = vector.shape_cast %parallel_loop3A_875 : vector<16xf32> to vector<16xf32>
        tpu.vector_store %arg6[%parallel_loop3A_876], %parallel_loop3A_879 {add = true, strides = array<i32>} : memref<34560xf32, #tpu.memory_space<vmem>>, vector<16xf32>,
      } {sc.loop_unroll_factor = 8 : i64, sc.parallel_access}
    }
    %while3A_848 = arith.constant 1 : i32
    scf.for %while3A_858 = %while3A_846 to %while3A_842 step %while3A_848  : i32 {
      %mul3A_859 = arith.constant 2048 : i32
      %mul3A_860 = arith.muli %while3A_858, %mul3A_859 : i32
      %dma_wait3A = arith.constant 14 : i32
      %dma_wait3A_861 = tpu.memref_slice %arg7[%mul3A_860] : memref<32768xf32, #tpu.memory_space<vmem>> -> memref<2048xf32, #tpu.memory_space<vmem>>
      %dma_wait3A_862 = tpu.memref_slice %arg2[%add3A, %dma_wait3A, %mul3A_860] : memref<32x16x32768xf32, #tpu.memory_space<hbm>> -> memref<1x1x2048xf32, #tpu.memory_space<hbm>>
      %dma_wait3A_863 = tpu.memref_squeeze %dma_wait3A_862 : memref<1x1x2048xf32, #tpu.memory_space<hbm>> -> memref<2048xf32, #tpu.memory_space<hbm>>
      %dma_wait3A_864 = tpu.memref_slice %arg7[%mul3A_860] : memref<32768xf32, #tpu.memory_space<vmem>> -> memref<2048xf32, #tpu.memory_space<vmem>>
      %dma_wait3A_865 = tpu.memref_slice %arg2[%add3A, %dma_wait3A, %mul3A_860] : memref<32x16x32768xf32, #tpu.memory_space<hbm>> -> memref<1x1x2048xf32, #tpu.memory_space<hbm>>
      %dma_wait3A_866 = tpu.memref_squeeze %dma_wait3A_865 : memref<1x1x2048xf32, #tpu.memory_space<hbm>> -> memref<2048xf32, #tpu.memory_space<hbm>>
      tpu.wait_dma2 semaphore(%arg9 : memref<!tpu.dma_semaphore, #tpu.memory_space<semaphore_mem>>) src(%dma_wait3A_866 : memref<2048xf32, #tpu.memory_space<hbm>>) dst(%dma_wait3A_864 : memref<2048xf32, #tpu.memory_space<vmem>>)
      %parallel_loop3A = arith.constant 0 : i32
      %parallel_loop3A_867 = arith.constant 2048 : i32
      %parallel_loop3A_868 = arith.constant 16 : i32
      scf.for %parallel_loop3A_869 = %parallel_loop3A to %parallel_loop3A_867 step %parallel_loop3A_868  : i32 {
        %parallel_loop3A_870 = arith.addi %mul3A_61, %mul3A_860 : i32
        %parallel_loop3A_871 = arith.addi %parallel_loop3A_870, %parallel_loop3A_869 : i32
        %parallel_loop3A_872 = arith.addi %mul3A_860, %parallel_loop3A_869 : i32
        %parallel_loop3A_873 = arith.index_cast %parallel_loop3A_872 : i32 to index
        %parallel_loop3A_874 = tpu.vector_load %arg7[%parallel_loop3A_873] {strides = array<i32>} : memref<32768xf32, #tpu.memory_space<vmem>>, vector<16xf32>,
        %parallel_loop3A_875 = vector.shape_cast %parallel_loop3A_874 : vector<16xf32> to vector<16xf32>
        %parallel_loop3A_876 = arith.index_cast %parallel_loop3A_871 : i32 to index
        %parallel_loop3A_877 = tpu.vector_load %arg6[%parallel_loop3A_876] {strides = array<i32>} : memref<34560xf32, #tpu.memory_space<vmem>>, vector<16xf32>,
        %parallel_loop3A_878 = vector.shape_cast %parallel_loop3A_877 : vector<16xf32> to vector<16xf32>
        %parallel_loop3A_879 = vector.shape_cast %parallel_loop3A_875 : vector<16xf32> to vector<16xf32>
        tpu.vector_store %arg6[%parallel_loop3A_876], %parallel_loop3A_879 {add = true, strides = array<i32>} : memref<34560xf32, #tpu.memory_space<vmem>>, vector<16xf32>,
      } {sc.loop_unroll_factor = 8 : i64, sc.parallel_access}
    }
    %while3A_849 = arith.constant 0 : i32
    %while3A_850 = arith.subi %select_n3A_537, %while3A_849 : i32
    %while3A_851 = arith.addi %while3A_849, %while3A_850 : i32
    %while3A_852 = arith.constant 1 : i32
    %while3A_853 = arith.divsi %while3A_850, %while3A_852 : i32
    %while3A_854 = arith.muli %while3A_853, %while3A_852 : i32
    %while3A_855 = arith.addi %while3A_849, %while3A_854 : i32
    %while3A_856 = arith.constant 1 : i32
    scf.for %while3A_858 = %while3A_849 to %while3A_855 step %while3A_856  : i32 {
      %mul3A_859 = arith.constant 2048 : i32
      %mul3A_860 = arith.muli %while3A_858, %mul3A_859 : i32
      %dma_wait3A = arith.constant 15 : i32
      %dma_wait3A_861 = tpu.memref_slice %arg8[%mul3A_860] : memref<32768xf32, #tpu.memory_space<vmem>> -> memref<2048xf32, #tpu.memory_space<vmem>>
      %dma_wait3A_862 = tpu.memref_slice %arg2[%add3A, %dma_wait3A, %mul3A_860] : memref<32x16x32768xf32, #tpu.memory_space<hbm>> -> memref<1x1x2048xf32, #tpu.memory_space<hbm>>
      %dma_wait3A_863 = tpu.memref_squeeze %dma_wait3A_862 : memref<1x1x2048xf32, #tpu.memory_space<hbm>> -> memref<2048xf32, #tpu.memory_space<hbm>>
      %dma_wait3A_864 = tpu.memref_slice %arg8[%mul3A_860] : memref<32768xf32, #tpu.memory_space<vmem>> -> memref<2048xf32, #tpu.memory_space<vmem>>
      %dma_wait3A_865 = tpu.memref_slice %arg2[%add3A, %dma_wait3A, %mul3A_860] : memref<32x16x32768xf32, #tpu.memory_space<hbm>> -> memref<1x1x2048xf32, #tpu.memory_space<hbm>>
      %dma_wait3A_866 = tpu.memref_squeeze %dma_wait3A_865 : memref<1x1x2048xf32, #tpu.memory_space<hbm>> -> memref<2048xf32, #tpu.memory_space<hbm>>
      tpu.wait_dma2 semaphore(%arg10 : memref<!tpu.dma_semaphore, #tpu.memory_space<semaphore_mem>>) src(%dma_wait3A_866 : memref<2048xf32, #tpu.memory_space<hbm>>) dst(%dma_wait3A_864 : memref<2048xf32, #tpu.memory_space<vmem>>)
      %parallel_loop3A = arith.constant 0 : i32
      %parallel_loop3A_867 = arith.constant 2048 : i32
      %parallel_loop3A_868 = arith.constant 16 : i32
      scf.for %parallel_loop3A_869 = %parallel_loop3A to %parallel_loop3A_867 step %parallel_loop3A_868  : i32 {
        %parallel_loop3A_870 = arith.addi %mul3A_65, %mul3A_860 : i32
        %parallel_loop3A_871 = arith.addi %parallel_loop3A_870, %parallel_loop3A_869 : i32
        %parallel_loop3A_872 = arith.addi %mul3A_860, %parallel_loop3A_869 : i32
        %parallel_loop3A_873 = arith.index_cast %parallel_loop3A_872 : i32 to index
        %parallel_loop3A_874 = tpu.vector_load %arg8[%parallel_loop3A_873] {strides = array<i32>} : memref<32768xf32, #tpu.memory_space<vmem>>, vector<16xf32>,
        %parallel_loop3A_875 = vector.shape_cast %parallel_loop3A_874 : vector<16xf32> to vector<16xf32>
        %parallel_loop3A_876 = arith.index_cast %parallel_loop3A_871 : i32 to index
        %parallel_loop3A_877 = tpu.vector_load %arg6[%parallel_loop3A_876] {strides = array<i32>} : memref<34560xf32, #tpu.memory_space<vmem>>, vector<16xf32>,
        %parallel_loop3A_878 = vector.shape_cast %parallel_loop3A_877 : vector<16xf32> to vector<16xf32>
        %parallel_loop3A_879 = vector.shape_cast %parallel_loop3A_875 : vector<16xf32> to vector<16xf32>
        tpu.vector_store %arg6[%parallel_loop3A_876], %parallel_loop3A_879 {add = true, strides = array<i32>} : memref<34560xf32, #tpu.memory_space<vmem>>, vector<16xf32>,
      } {sc.loop_unroll_factor = 8 : i64, sc.parallel_access}
    }
    %while3A_857 = arith.constant 1 : i32
    scf.for %while3A_858 = %while3A_855 to %while3A_851 step %while3A_857  : i32 {
      %mul3A_859 = arith.constant 2048 : i32
      %mul3A_860 = arith.muli %while3A_858, %mul3A_859 : i32
      %dma_wait3A = arith.constant 15 : i32
      %dma_wait3A_861 = tpu.memref_slice %arg8[%mul3A_860] : memref<32768xf32, #tpu.memory_space<vmem>> -> memref<2048xf32, #tpu.memory_space<vmem>>
      %dma_wait3A_862 = tpu.memref_slice %arg2[%add3A, %dma_wait3A, %mul3A_860] : memref<32x16x32768xf32, #tpu.memory_space<hbm>> -> memref<1x1x2048xf32, #tpu.memory_space<hbm>>
      %dma_wait3A_863 = tpu.memref_squeeze %dma_wait3A_862 : memref<1x1x2048xf32, #tpu.memory_space<hbm>> -> memref<2048xf32, #tpu.memory_space<hbm>>
      %dma_wait3A_864 = tpu.memref_slice %arg8[%mul3A_860] : memref<32768xf32, #tpu.memory_space<vmem>> -> memref<2048xf32, #tpu.memory_space<vmem>>
      %dma_wait3A_865 = tpu.memref_slice %arg2[%add3A, %dma_wait3A, %mul3A_860] : memref<32x16x32768xf32, #tpu.memory_space<hbm>> -> memref<1x1x2048xf32, #tpu.memory_space<hbm>>
      %dma_wait3A_866 = tpu.memref_squeeze %dma_wait3A_865 : memref<1x1x2048xf32, #tpu.memory_space<hbm>> -> memref<2048xf32, #tpu.memory_space<hbm>>
      tpu.wait_dma2 semaphore(%arg10 : memref<!tpu.dma_semaphore, #tpu.memory_space<semaphore_mem>>) src(%dma_wait3A_866 : memref<2048xf32, #tpu.memory_space<hbm>>) dst(%dma_wait3A_864 : memref<2048xf32, #tpu.memory_space<vmem>>)
      %parallel_loop3A = arith.constant 0 : i32
      %parallel_loop3A_867 = arith.constant 2048 : i32
      %parallel_loop3A_868 = arith.constant 16 : i32
      scf.for %parallel_loop3A_869 = %parallel_loop3A to %parallel_loop3A_867 step %parallel_loop3A_868  : i32 {
        %parallel_loop3A_870 = arith.addi %mul3A_65, %mul3A_860 : i32
        %parallel_loop3A_871 = arith.addi %parallel_loop3A_870, %parallel_loop3A_869 : i32
        %parallel_loop3A_872 = arith.addi %mul3A_860, %parallel_loop3A_869 : i32
        %parallel_loop3A_873 = arith.index_cast %parallel_loop3A_872 : i32 to index
        %parallel_loop3A_874 = tpu.vector_load %arg8[%parallel_loop3A_873] {strides = array<i32>} : memref<32768xf32, #tpu.memory_space<vmem>>, vector<16xf32>,
        %parallel_loop3A_875 = vector.shape_cast %parallel_loop3A_874 : vector<16xf32> to vector<16xf32>
        %parallel_loop3A_876 = arith.index_cast %parallel_loop3A_871 : i32 to index
        %parallel_loop3A_877 = tpu.vector_load %arg6[%parallel_loop3A_876] {strides = array<i32>} : memref<34560xf32, #tpu.memory_space<vmem>>, vector<16xf32>,
        %parallel_loop3A_878 = vector.shape_cast %parallel_loop3A_877 : vector<16xf32> to vector<16xf32>
        %parallel_loop3A_879 = vector.shape_cast %parallel_loop3A_875 : vector<16xf32> to vector<16xf32>
        tpu.vector_store %arg6[%parallel_loop3A_876], %parallel_loop3A_879 {add = true, strides = array<i32>} : memref<34560xf32, #tpu.memory_space<vmem>>, vector<16xf32>,
      } {sc.loop_unroll_factor = 8 : i64, sc.parallel_access}
    }
    %run_scoped3A = arith.constant 0 : i32
    "tpu.region"() ({
      %run_scoped3A_858 = tpu.sem_alloc : memref<!tpu.dma_semaphore, #tpu.memory_space<semaphore_mem>>
      %dma_start3A = arith.constant 0 : i32
      %dma_start3A_859 = tpu.memref_slice %arg6[%dma_start3A] : memref<34560xf32, #tpu.memory_space<vmem>> -> memref<32768xf32, #tpu.memory_space<vmem>>
      %dma_start3A_860 = arith.constant 0 : i32
      %dma_start3A_861 = tpu.memref_slice %arg4[%add3A, %run_scoped3A, %dma_start3A_860] : memref<32x1x32768xf32, #tpu.memory_space<hbm>> -> memref<1x1x32768xf32, #tpu.memory_space<hbm>>
      %dma_start3A_862 = tpu.memref_squeeze %dma_start3A_861 : memref<1x1x32768xf32, #tpu.memory_space<hbm>> -> memref<32768xf32, #tpu.memory_space<hbm>>
      %dma_start3A_863 = arith.constant 0 : i32
      %dma_start3A_864 = tpu.memref_slice %arg4[%add3A, %run_scoped3A, %dma_start3A_863] : memref<32x1x32768xf32, #tpu.memory_space<hbm>> -> memref<1x1x32768xf32, #tpu.memory_space<hbm>>
      %dma_start3A_865 = tpu.memref_squeeze %dma_start3A_864 : memref<1x1x32768xf32, #tpu.memory_space<hbm>> -> memref<32768xf32, #tpu.memory_space<hbm>>
      %dma_start3A_866 = arith.constant 0 : i32
      %dma_start3A_867 = tpu.memref_slice %arg6[%dma_start3A_866] : memref<34560xf32, #tpu.memory_space<vmem>> -> memref<32768xf32, #tpu.memory_space<vmem>>
      tpu.enqueue_dma source(%dma_start3A_867 : memref<32768xf32, #tpu.memory_space<vmem>>) target(%dma_start3A_865 : memref<32768xf32, #tpu.memory_space<hbm>>) target_semaphore(%run_scoped3A_858 : memref<!tpu.dma_semaphore, #tpu.memory_space<semaphore_mem>>)
      %dma_wait3A = arith.constant 0 : i32
      %dma_wait3A_868 = tpu.memref_slice %arg6[%dma_wait3A] : memref<34560xf32, #tpu.memory_space<vmem>> -> memref<32768xf32, #tpu.memory_space<vmem>>
      %dma_wait3A_869 = arith.constant 0 : i32
      %dma_wait3A_870 = tpu.memref_slice %arg4[%add3A, %run_scoped3A, %dma_wait3A_869] : memref<32x1x32768xf32, #tpu.memory_space<hbm>> -> memref<1x1x32768xf32, #tpu.memory_space<hbm>>
      %dma_wait3A_871 = tpu.memref_squeeze %dma_wait3A_870 : memref<1x1x32768xf32, #tpu.memory_space<hbm>> -> memref<32768xf32, #tpu.memory_space<hbm>>
      %dma_wait3A_872 = arith.constant 0 : i32
      %dma_wait3A_873 = tpu.memref_slice %arg4[%add3A, %run_scoped3A, %dma_wait3A_872] : memref<32x1x32768xf32, #tpu.memory_space<hbm>> -> memref<1x1x32768xf32, #tpu.memory_space<hbm>>
      %dma_wait3A_874 = tpu.memref_squeeze %dma_wait3A_873 : memref<1x1x32768xf32, #tpu.memory_space<hbm>> -> memref<32768xf32, #tpu.memory_space<hbm>>
      %dma_wait3A_875 = arith.constant 0 : i32
      %dma_wait3A_876 = tpu.memref_slice %arg6[%dma_wait3A_875] : memref<34560xf32, #tpu.memory_space<vmem>> -> memref<32768xf32, #tpu.memory_space<vmem>>
      tpu.wait_dma2 semaphore(%run_scoped3A_858 : memref<!tpu.dma_semaphore, #tpu.memory_space<semaphore_mem>>) src(%dma_wait3A_876 : memref<32768xf32, #tpu.memory_space<vmem>>) dst(%dma_wait3A_874 : memref<32768xf32, #tpu.memory_space<hbm>>)
      tpu.yield
    }) : () -> ()
    return
  }
}

</mosaic_0001>

<sc_bundles>
// kernel: kernel.3.cloned.1.call-start
scs
__scs_entry_jumppad:
0x0: {  	(pc) =	sbr.rel $0x88, $3  }
0x1: {  	(tag) =	ssettag $0x0;
	lr =	simm.s32 $0x1  }
0x2: {  	[smem:$0x3F9F] =	sst lr;
	_ =	strace $0xD0000000  }
0x3: {  	_ = 	snop  }
0x4: {  	_ = 	snop  }
0x5: {  	_ = 	snop  }
0x6: {  	_ = 	snop  }
0x7: {  	_ = 	snop  }
__scs_overlays_trampoline_lowered:
0x8: {  	[smem:$0x3FAE] =	sst s0  }
0x9: {  	[smem:$0x3FAF] =	sst s1  }
0xa: {  	[smem:$0x3FB0] =	sst s2  }
0xb: {  	[smem:$0x3FB1] =	sst s3  }
0xc: {  	[smem:$0x3FB2] =	sst s4  }
0xd: {  	[smem:$0x3FB3] =	sst s5  }
0xe: {  	[smem:$0x3FB4] =	sst s6  }
0xf: {  	[smem:$0x3FB5] =	sst s7  }
0x10: {  	[smem:$0x3FB6] =	sst s8  }
0x11: {  	[smem:$0x3FB7] =	sst s9;
	s0 =	simm.s32 @!p0 $0x0  }
0x12: {  	s1 =	sld [smem:$0x3F9D];
	s0 =	simm.s32 @p0 $0x1  }
0x13: {  	[smem:$0x3FB8] =	sst s0;
	s0 =	simm.s32 @!p1 $0x0  }
0x14: {  	s2 =	sld [smem:$0x3F9C];
	s0 =	simm.s32 @p1 $0x1  }
0x15: {  	[smem:$0x3FB9] =	sst s0;
	s0 =	simm.s32 @!p2 $0x0  }
0x16: {  	s3 =	sld [smem:$0x3FDB];
	s0 =	simm.s32 @p2 $0x1  }
0x17: {  	s4 =	simm.s32 $0x1BF5;
	[smem:$0x3FBB] =	sst s0  }
0x18: {  	s0 =	sld [smem:$0x3F9E];
	_ =	swait.ge [sflag:s4], $0x0  }
0x19: {  	s7 =	sld [smem:$0x3F9F]  }
0x1a: {  	s8 =	sadd.s32 $0xFFFFE003, lr  }
0x1b: {  	s9 =	sadd.s32 $0xFFFFFEF7, lr;
	s5 =	simm.s32 $0xFFFFFFFF;
	p2 =	slt.u32 s8, $0xFFFFF086  }
0x1c: {  	p1 =	slt.u32 s9, $0xF7A;
	s5 =	simm.s32 @!p2 $0x0  }
0x1d: {  	s5 =	simm.s32 @p1 $0x1;
	p0 =	seq.s32 s7, s2  }
0x1e: {  	s7 =	smul.u32 @!p0 $0xF7A, s2;
	p2 =	seq.s32 @!p0 s5, $0x0  }
0x1f: {  	s9 =	smul.u32 $0xF7A, s1;
	s8 =	simm.s32 @!p0 $0x1BF5;
	p2 =	por !p2, p0  }
0x20: {  	[sflag:s8] =	ssyncset.s32 @!p0 $0xFFFFF086;
	s6 =	sadd.s32 @!p0 s3, s7;
	s7 =	simm.s32 @!p0 $0x108  }
0x21: {  	s3 =	sadd.s32 s3, s9;
	s6 =	sadd.s32 @!p0 $0x88, s6;
	s7 =	simm.s32 @p2 $0x1082  }
0x22: {  	[simem:s7], [sflag:s8] =	dma.local @!p0 [hbm:s6], $0xF7A  }
0x23: {  	s9 =	sor.u32 $0xD0000000, s2;
	s6 =	simm.s32 $0x108;
	_ =	swait.ge @!p0 [sflag:s8], $0x0  }
0x24: {  	s3 =	sadd.s32 $0x88, s3;
	s6 =	simm.s32 @!p1 $0x1082;
	[sflag:s4] =	ssyncset.s32 $0xFFFFF086  }
0x25: {  	[simem:s6], [sflag:s4] =	dma.local [hbm:s3], $0xF7A  }
0x26: {  	[smem:$0x3F9F] =	sst s1;
	(tag) =	ssettag s2;
	_ =	strace s9  }
0x27: {  	s1 =	sld [smem:$0x3FAF]  }
0x28: {  	s2 =	sld [smem:$0x3FB0]  }
0x29: {  	s4 =	sld [smem:$0x3FB2]  }
0x2a: {  	p0 =	seq.s32 s5, $0x0;
	s5 =	sld [smem:$0x3FB3]  }
0x2b: {  	s6 =	sld [smem:$0x3FB4]  }
0x2c: {  	s7 =	sld [smem:$0x3FB5]  }
0x2d: {  	s3 =	simm.s32 $0x108;
	s8 =	sld [smem:$0x3FB6]  }
0x2e: {  	s3 =	simm.s32 @!p0 $0x1082;
	s9 =	sld [smem:$0x3FB7]  }
0x2f: {  	lr =	sadd.s32 s0, s3;
	s0 =	sld [smem:$0x3FAE]  }
0x30: {  	s3 =	sld [smem:$0x3FB1]  }
0x31: {  	[smem:$0x3FBA] =	sst s10  }
0x32: {  	s10 =	sld [smem:$0x3FB8];
	_ =	sdelay $0x3  }
0x33: {  	p0 =	seq.s32 s10, $0x1;
	s10 =	sld [smem:$0x3FBA];
	_ =	sdelay $0x3  }
0x34: {  	[smem:$0x3FBA] =	sst s10  }
0x35: {  	s10 =	sld [smem:$0x3FB9];
	_ =	sdelay $0x3  }
0x36: {  	p1 =	seq.s32 s10, $0x1;
	s10 =	sld [smem:$0x3FBA];
	_ =	sdelay $0x3  }
0x37: {  	[smem:$0x3FBA] =	sst s10  }
0x38: {  	s10 =	sld [smem:$0x3FBB]  }
0x39: {  	_ = 	snop;
	(pc) =	sbr.ind lr, $3  }
0x3a: {  	_ = 	snop  }
0x3b: {  	_ = 	snop  }
0x3c: {  	p2 =	seq.s32 s10, $0x1;
	s10 =	sld [smem:$0x3FBA]  }
0x3d: {  	_ =	shalt  }
0x3e: {  	_ =	shalt  }
0x3f: {  	_ =	shalt  }
0x40: {  	_ =	shalt  }
0x41: {  	_ =	shalt  }
0x42: {  	_ =	shalt  }
0x43: {  	_ =	shalt  }
0x44: {  	_ =	shalt  }
0x45: {  	_ =	shalt  }
0x46: {  	_ =	shalt  }
0x47: {  	_ =	shalt  }
0x48: {  	_ =	shalt  }
0x49: {  	_ =	shalt  }
0x4a: {  	_ =	shalt  }
0x4b: {  	_ =	shalt  }
0x4c: {  	_ =	shalt  }
0x4d: {  	_ =	shalt  }
0x4e: {  	_ =	shalt  }
0x4f: {  	_ =	shalt  }
0x50: {  	_ =	shalt  }
0x51: {  	_ =	shalt  }
0x52: {  	_ =	shalt  }
0x53: {  	_ =	shalt  }
0x54: {  	_ =	shalt  }
0x55: {  	_ =	shalt  }
0x56: {  	_ =	shalt  }
0x57: {  	_ =	shalt  }
0x58: {  	_ =	shalt  }
0x59: {  	_ =	shalt  }
0x5a: {  	_ =	shalt  }
0x5b: {  	_ =	shalt  }
0x5c: {  	_ =	shalt  }
0x5d: {  	_ =	shalt  }
0x5e: {  	_ =	shalt  }
0x5f: {  	_ =	shalt  }
0x60: {  	_ =	shalt  }
0x61: {  	_ =	shalt  }
0x62: {  	_ =	shalt  }
0x63: {  	_ =	shalt  }
0x64: {  	_ =	shalt  }
0x65: {  	_ =	shalt  }
0x66: {  	_ =	shalt  }
0x67: {  	_ =	shalt  }
0x68: {  	_ =	shalt  }
0x69: {  	_ =	shalt  }
0x6a: {  	_ =	shalt  }
0x6b: {  	_ =	shalt  }
0x6c: {  	_ =	shalt  }
0x6d: {  	_ =	shalt  }
0x6e: {  	_ =	shalt  }
0x6f: {  	_ =	shalt  }
0x70: {  	_ =	shalt  }
0x71: {  	_ =	shalt  }
0x72: {  	_ =	shalt  }
0x73: {  	_ =	shalt  }
0x74: {  	_ =	shalt  }
0x75: {  	_ =	shalt  }
0x76: {  	_ =	shalt  }
0x77: {  	_ =	shalt  }
0x78: {  	_ =	shalt  }
0x79: {  	_ =	shalt  }
0x7a: {  	_ =	shalt  }
0x7b: {  	_ =	shalt  }
0x7c: {  	_ =	shalt  }
0x7d: {  	_ =	shalt  }
0x7e: {  	_ =	shalt  }
0x7f: {  	_ =	shalt  }
0x80: {  	_ =	shalt  }
0x81: {  	_ =	shalt  }
0x82: {  	_ =	shalt  }
0x83: {  	_ =	shalt  }
0x84: {  	_ =	shalt  }
0x85: {  	_ =	shalt  }
0x86: {  	_ =	shalt  }
0x87: {  	_ =	shalt  }
.Lfunc_end0:
.L_simem_size_0:
called_computation_lowered:
.L_overlay_start_0:
0x88: {  	s2 =	sld [smem:$0x3FD9]  }
0x89: {  	s3 =	sld [smem:$0x3FFE];
	_ =	sdelay $0x1  }
0x8a: {  	s1 =	srdreg.scid  }
0x8b: {  	s0 =	sand.u32 $0x1, s1  }
0x8c: {  	s17 =	sshll.u32 s0, $0xA;
	s2 =	sadd.s32 s3, s2  }
0x8d: {  	s2 =	sadd.s32 s2, s17  }
0x8e: {  	[smem:$0x3FC6] =	sst s2  }
0x8f: {  	_ = 	snop  }
0x90: {  	s2 =	sld [smem:$0x3FC9]  }
0x91: {  	s18 =	sld [smem:$0x3FD0];
	(tm) =	ssettm $0x1  }
0x92: {  	s4 =	sld [smem:$0x3FFB];
	_ =	sdelay $0x3  }
0x93: {  	_ =	strace s4  }
0x94: {  	s4 =	sld [smem:$0x3FFC];
	_ =	sdelay $0x3  }
0x95: {  	_ =	strace s4  }
0x96: {  	s4 =	sld [smem:$0x3FFD];
	_ =	sdelay $0x3  }
0x97: {  	_ =	strace s4  }
0x98: {  	_ =	strace $0x8FFFFFFF  }
0x99: {  	s19 =	sld [smem:$0x3FDB];
	_ =	sdelay $0x1  }
0x9a: {  	s5 =	simm.s32 $_scs_section_size  }
0x9b: {  	s6 =	simm.s32 $_size__tile_overlayer_lowered;
	s7 =	simm.s32 $_tile_overlayer_lowered  }
0x9c: {  	s22 =	simm.s32 $0x1BFF;
	s21 =	sshll.u32 s7, $0x1;
	s4 =	sadd.s32 s5, s19  }
0x9d: {  	s8 =	simm.s32 $0x0;
	s20 =	sshll.u32 s6, $0x1;
	s6 =	sadd.s32 s21, s4  }
0x9e: {  	[timem:s8], [sflag:s22] =	dma.local [hbm:s6], s20  }
0x9f: {  	_ =	swait.ge [sflag:s22], s20  }
0xa0: {  	s5 =	ssub.s32 $0x0, s20;
	[sflag:s22] =	ssyncset.done $0x0  }
0xa1: {  	[sflag:s22] =	ssyncadd.s32 s5;
	_ =	sdelay $0x1  }
0xa2: {  	s23 =	simm.s32 $0x1B8B  }
0xa3: {  	_ =	swait.ge [sflag:s23], $0x1  }
0xa4: {  	[sflag:s23] =	ssyncset.done $0x0  }
0xa5: {  	s25 =	simm.s32 $0x1B8E;
	s24 =	sld [smem:$0x3FFE];
	[sflag:s23] =	ssyncadd.s32 $0xFFFFFFFF  }
0xa6: {  	s26 =	simm.s32 $execute0_lowered;
	[smem:$0x3FD2] =	sst s25  }
0xa7: {  	s6 =	sshll.u32 s26, $0x1;
	_ =	strace $0x80000046;
	[dreg:$0x1] =	wrdreg $0xFFFFFFFF  }
0xa8: {  	s28 =	simm.s32 $_size_execute0_lowered;
	s4 =	sadd.s32 s4, s6;
	[dreg:$0x0] =	wrdreg $0x0  }
0xa9: {  	s6 =	sshll.u32 s28, $0x1;
	[dreg:$0x2] =	wrdreg s4  }
0xaa: {  	[dreg:$0x3] =	wrdreg s6  }
0xab: {  	[dreg:$0x4] =	wrdreg $0xC0  }
0xac: {  	_ =	task [dreg:s8], $0x5FFFF  }
0xad: {  	[dreg:$0x1] =	wrdreg $0xFFFFFFFF  }
0xae: {  	[dreg:$0x0] =	wrdreg $0x60  }
0xaf: {  	[dreg:$0x2] =	wrdreg s2  }
0xb0: {  	[dreg:$0x3] =	wrdreg s24  }
0xb1: {  	[dreg:$0x4] =	wrdreg s18  }
0xb2: {  	[dreg:$0x5] =	wrdreg $0x9  }
0xb3: {  	_ =	task.clear_ibuf [dreg:s8], $0x6FFFF;
	_ =	strace $0x90000046  }
0xb4: {  	s29 =	simm.s32 $0x9;
	_ =	strace $0x80000048  }
0xb5: {  	_ =	swait.ge [sflag:s29], $0x1  }
0xb6: {  	[sflag:s29] =	ssyncadd.s32 $0xFFFFFFFF  }
0xb7: {  	_ =	strace $0x90000048  }
0xb8: {  	_ =	sfence  }
0xb9: {  	s30 =	sld [smem:$0x0];
	_ =	sdelay $0x2  }
0xba: {  	s31 =	sshll.u32 s1, $0xD;
	s1 =	sshrl.u32 s1, $0x2  }
0xbb: {  	s3 =	sand.u32 $0x4000, s31;
	s1 =	sadd.s32 s1, s30  }
0xbc: {  	s0 =	sor.u32 s3, s0;
	s1 =	sshll.u32 s1, $0x11  }
0xbd: {  	s0 =	sor.u32 s1, s0  }
0xbe: {  	s0 =	sadd.s32 $0x8F2B, s0  }
0xbf: {  	[sflag:s0] =	ssyncadd.remote.s32 $0x1  }
0xc0: {  	_ =	sfence.sel $0xFFFF  }
0xc1: {  	[dreg:$0x0] =	wrdreg $0xFFFFFFFF;
	(pc) =	sbr.abs _section_cstart, $3  }
0xc2: {  	[dreg:$0x1] =	wrdreg $0xFFFFFFFF  }
0xc3: {  	_ =	task.clear_ibuf [dreg:s8], $0x2FFFF;
	_ =	strace $0x9FFFFFFF  }
0xc4: {  	(tm) =	ssettm $0x7FFFFFFF  }
0xc5: {  	_ =	shalt  }
tec
execute0_lowered:
.L_overlay_start_1:
0x0: {  	(tag) =	ssettag $0x1  }
0x1: {  	s2 =	rddreg [dreg:$0x0]  }
0x2: {  	s0 =	rddreg [dreg:$0x1]  }
0x3: {  	s1 =	rddreg [dreg:$0x2]  }
0x4: {  	s3 =	srdreg.scid;
	s11 =	stileid.u32  }
0x5: {  	s14 =	simm.s32 $0x0;
	s17 =	simm.s32 $0x80;
	s18 =	simm.s32 $0x400  }
0x6: {  	s19 =	simm.s32 $0x1;
	s20 =	simm.s32 $0x2;
	s3 =	sand.u32 $0x1, s3  }
0x7: {  	s4 =	sshll.u32 s11, $0x1;
	[smem:$0x7FF] =	sst s14;
	s8 =	sadd.s32 $0x40, s2  }
0x8: {  	s9 =	sadd.s32 $0x50, s2;
	s10 =	sadd.s32 $0x60, s2;
	s29 =	sshll.u32 s11, $0x14  }
0x9: {  	s11 =	sadd.s32 $0x70, s2;
	s4 =	sor.u32 s3, s4;
	s5 =	ssub.s32 $0x2, s3  }
0xa: {  	_ =	strace $0x80000047;
	s3 =	sshll.u32 s3, $0x13;
	s6 =	sshll.u32 s4, $0x4  }
0xb: {  	s7 =	sshrl.u32 s5, $0x1;
	s4 =	sshll.u32 s4, $0xC;
	s12 =	sor.u32 s3, s29  }
.Ltmp0:
0xc: {  	s3 =	simm.s32 $0x0;
	s0 =	sadd.s32 s6, s0;
	(pc) =	sbr.rel .LBB2_1-.Ltmp0, $4  }
0xd: {  	s13 =	ssub.s32 s5, s7;
	s5 =	sadd.s32 $0x10, s2;
	s30 =	sadd.s32 s1, s4  }
0xe: {  	s6 =	sadd.s32 $0x20, s2;
	s0 =	sadd.s32 $0x400, s0;
	[dreg:$0x5] =	wrdreg s30  }
0xf: {  	s7 =	sadd.s32 $0x30, s2;
	s31 =	smax.u32 s13, $0x1;
	[dreg:$0x4] =	wrdreg s0  }
0x10: {  	v0 =	vimm.f32 $0.0e+00;
	s15 =	sor.u32 $0x40000, s12;
	s1 =	simm.s32 $0x3;
	[dreg:$0x6] =	wrdreg s31  }
.LBB2_96:
0x11: {  	s14 =	simm.s32 $0x0;
	s0 =	rddreg [dreg:$0x5];
	s1 =	simm.s32 $0x3  }
0x12: {  	[hbm4b:s0+s14] =	stream.linear.scatter [tilespmem:s17], [sflag:$0x3], $0x8000, $0x38;
	[tilespmem:$0x18780] =	vst v63  }
0x13: {  	_ =	swait.ge [sflag:s1], $0x8000  }
0x14: {  	s3 =	rddreg [dreg:$0x8]  }
0x15: {  	s31 =	rddreg [dreg:$0x6];
	s3 =	sadd.s32 $0x1, s3  }
0x16: {  	p0 =	sne.s32 s3, s31  }
.Ltmp1:
0x17: {  	_ = 	snop;
	(pc) =	sbr.rel @!p0 .LBB2_97-.Ltmp1, $3  }
0x18: {  	_ =	sdelay $0x1  }
0x19: {  	[sflag:s1] =	ssyncset.done $0x0  }
0x1a: {  	[sflag:s1] =	ssyncadd.s32 $0xFFFF8000  }
.LBB2_1:
0x1b: {  	[dreg:$0x8] =	wrdreg s3  }
0x1c: {  	s0 =	rddreg [dreg:$0x4]  }
0x1d: {  	[tilespmem:s14], [sflag:$0x3] =	stream.linear.gather [hbm4b:s0+s14], $0x80, $0x38;
	[tilespmem:$0x18780] =	vst v63  }
0x1e: {  	_ =	swait.ge [sflag:s1], $0x80  }
0x1f: {  	[sflag:s1] =	ssyncset.done $0x0  }
0x20: {  	[sflag:s1] =	ssyncadd.s32 $0xFFFFFF80  }
0x21: {  	v1 =	vld [tilespmem:$0x0];
	_ =	sdelay $0x4  }
0x22: {  	v1 =	vshll.u32 v1, $0x8  }
0x23: {  	(v2sf) =	vpush v1, $0x0  }
0x24: {  	(v2sf) =	vpush v1, $0x1  }
0x25: {  	(v2sf) =	vpush v1, $0x2  }
0x26: {  	(v2sf) =	vpush v1, $0x3  }
0x27: {  	(v2sf) =	vpush v1, $0x4  }
0x28: {  	(v2sf) =	vpush v1, $0x5  }
0x29: {  	(v2sf) =	vpush v1, $0x6  }
0x2a: {  	(v2sf) =	vpush v1, $0x7  }
0x2b: {  	(v2sf) =	vpush v1, $0x8  }
0x2c: {  	(v2sf) =	vpush v1, $0x9  }
0x2d: {  	(v2sf) =	vpush v1, $0xA  }
0x2e: {  	(v2sf) =	vpush v1, $0xB  }
0x2f: {  	(v2sf) =	vpush v1, $0xC  }
0x30: {  	(v2sf) =	vpush v1, $0xD  }
0x31: {  	(v2sf) =	vpush v1, $0xE  }
0x32: {  	s16 =	spop (v2sf);
	(v2sf) =	vpush v1, $0xF  }
0x33: {  	s22 =	spop (v2sf)  }
0x34: {  	s13 =	spop (v2sf)  }
0x35: {  	s4 =	spop (v2sf)  }
0x36: {  	s3 =	spop (v2sf)  }
0x37: {  	s28 =	ssub.s32 $0x87FF, s16;
	s1 =	spop (v2sf)  }
0x38: {  	s23 =	sshra.s32 s28, $0x1F;
	s24 =	spop (v2sf)  }
0x39: {  	[dreg:$0xc] =	wrdreg s24;
	s25 =	spop (v2sf);
	s24 =	sshrl.u32 s23, $0x15  }
0x3a: {  	s26 =	spop (v2sf);
	s14 =	sadd.s32 s24, s28  }
0x3b: {  	[dreg:$0xb] =	wrdreg s25;
	s25 =	spop (v2sf);
	s14 =	sshra.s32 s14, $0xB  }
0x3c: {  	s21 =	spop (v2sf);
	s14 =	sadd.s32 s23, s14  }
0x3d: {  	[dreg:$0xa] =	wrdreg s26;
	s29 =	spop (v2sf);
	p0 =	slt.s32 s14, $0x1  }
.Ltmp2:
0x3e: {  	s26 =	spop (v2sf);
	(pc) =	sbr.rel @p0 .LBB2_4-.Ltmp2, $4  }
0x3f: {  	s31 =	spop (v2sf)  }
0x40: {  	[dreg:$0x9] =	wrdreg s25;
	s30 =	spop (v2sf)  }
0x41: {  	[dreg:$0xd] =	wrdreg s26;
	s28 =	spop (v2sf)  }
0x42: {  	[dreg:$0x7] =	wrdreg s28  }
0x43: {  	p0 =	sne.s32 s14, $0x1  }
.Ltmp3:
0x44: {  	_ = 	snop;
	(pc) =	sbr.rel @!p0 .LBB2_4-.Ltmp3, $4  }
0x45: {  	s24 =	sshrl.u32 s12, $0x3  }
0x46: {  	s23 =	sadd.s32 $0x80, s16;
	s24 =	sadd.s32 s2, s24  }
0x47: {  	[tilespmem:s23], [sflag:$0x1] =	stream.strided.gather [hbm4b:s24+s17], $0x800, s18, s17, $0x38;
	[tilespmem:$0x18780] =	vst v63  }
0x48: {  	s25 =	sadd.s32 $0x4000, s12;
	s24 =	sadd.s32 $0xFFFFFFFF, s14  }
.LBB2_3:
0x49: {  	s26 =	sshrl.u32 s25, $0x3;
	p0 =	sne.s32 s24, $0x1;
	s24 =	sadd.s32 $0xFFFFFFFF, s24  }
.Ltmp4:
0x4a: {  	s23 =	sadd.s32 $0x800, s23;
	s26 =	sadd.s32 s2, s26;
	(pc) =	sbr.rel @p0 .LBB2_3-.Ltmp4, $3  }
0x4b: {  	[tilespmem:s23], [sflag:$0x1] =	stream.strided.gather [hbm4b:s26+s17], $0x800, s18, s17, $0x38;
	[tilespmem:$0x18780] =	vst v63  }
0x4c: {  	_ =	sdelay $0x1  }
0x4d: {  	s25 =	sadd.s32 $0x4000, s25  }
.LBB2_4:
0x4e: {  	s16 =	sshra.s32 s16, $0x8  }
0x4f: {  	p0 =	sgt.s32 s16, $0x0  }
.Ltmp5:
0x50: {  	_ = 	snop;
	(pc) =	sbr.rel @!p0 .LBB2_5-.Ltmp5, $2  }
0x51: {  	_ =	sdelay $0x2  }
0x52: {  	s23 =	simm.s32 $0x0  }
.LBB2_98:
0x53: {  	s24 =	sshll.u32 s23, $0xA  }
0x54: {  	s24 =	sshra.s32 s24, $0x2  }
0x55: {  	s24 =	sor.u32 $0x80, s24  }
0x56: {  	v1 =	vmov s24;
	_ =	sdelay $0x3  }
0x57: {  	p0 =	por $0x1, $0x1;
	s24 =	simm.s32 $0x0  }
.LBB2_99:
0x58: {  	[tilespmem:v1+s24+$0x0 ss:$0x1] =	vst.idx.msk $0xffff, v0  }
0x59: {  	[tilespmem:v1+s24+$0x10 ss:$0x1] =	vst.idx.msk $0xffff, v0  }
0x5a: {  	[tilespmem:v1+s24+$0x20 ss:$0x1] =	vst.idx.msk $0xffff, v0;
	p1 =	por p0, p0  }
.Ltmp6:
0x5b: {  	[tilespmem:v1+s24+$0x30 ss:$0x1] =	vst.idx.msk $0xffff, v0;
	(pc) =	sbr.rel @p1 .LBB2_99-.Ltmp6, $4  }
0x5c: {  	[tilespmem:v1+s24+$0x40 ss:$0x1] =	vst.idx.msk $0xffff, v0  }
0x5d: {  	[tilespmem:v1+s24+$0x50 ss:$0x1] =	vst.idx.msk $0xffff, v0  }
0x5e: {  	[tilespmem:v1+s24+$0x60 ss:$0x1] =	vst.idx.msk $0xffff, v0  }
0x5f: {  	[tilespmem:v1+s24+$0x70 ss:$0x1] =	vst.idx.msk $0xffff, v0;
	s24 =	simm.s32 $0x80;
	p0 =	por $0x0, $0x0  }
0x60: {  	s23 =	sadd.s32 $0x1, s23  }
0x61: {  	p0 =	seq.s32 s23, s16  }
.Ltmp7:
0x62: {  	_ = 	snop;
	(pc) =	sbr.rel @!p0 .LBB2_98-.Ltmp7, $1  }
0x63: {  	_ =	sdelay $0x3  }
.LBB2_5:
0x64: {  	s16 =	ssub.s32 $0x87FF, s22  }
0x65: {  	s23 =	sshra.s32 s16, $0x1F  }
0x66: {  	s24 =	sshrl.u32 s23, $0x15  }
0x67: {  	s16 =	sadd.s32 s24, s16  }
0x68: {  	s16 =	sshra.s32 s16, $0xB  }
0x69: {  	s23 =	sadd.s32 s23, s16  }
0x6a: {  	p0 =	sgt.s32 s23, $0x0  }
.Ltmp8:
0x6b: {  	_ = 	snop;
	(pc) =	sbr.rel @!p0 .LBB2_6-.Ltmp8, $2  }
0x6c: {  	_ =	sdelay $0x2  }
0x6d: {  	s16 =	simm.s32 $0x10780  }
0x6e: {  	p0 =	seq.s32 s23, $0x1  }
.Ltmp9:
0x6f: {  	_ = 	snop;
	(pc) =	sbr.rel @p0 .LBB2_6-.Ltmp9, $4  }
0x70: {  	s24 =	sshrl.u32 s12, $0x3  }
0x71: {  	s24 =	sadd.s32 s24, s5  }
0x72: {  	[tilespmem:s16], [sflag:$0x2] =	stream.strided.gather [hbm4b:s24+s17], $0x800, s18, s17, $0x38;
	[tilespmem:$0x18780] =	vst v63  }
0x73: {  	s25 =	sadd.s32 $0x4000, s12;
	s24 =	sadd.s32 $0xFFFFFFFF, s23  }
.LBB2_102:
0x74: {  	s26 =	sshrl.u32 s25, $0x3;
	p0 =	seq.s32 s24, $0x1;
	s24 =	sadd.s32 $0xFFFFFFFF, s24  }
.Ltmp10:
0x75: {  	s16 =	sadd.s32 $0x800, s16;
	s26 =	sadd.s32 s26, s5;
	(pc) =	sbr.rel @!p0 .LBB2_102-.Ltmp10, $3  }
0x76: {  	[tilespmem:s16], [sflag:$0x2] =	stream.strided.gather [hbm4b:s26+s17], $0x800, s18, s17, $0x38;
	[tilespmem:$0x18780] =	vst v63  }
0x77: {  	_ =	sdelay $0x1  }
0x78: {  	s25 =	sadd.s32 $0x4000, s25  }
.LBB2_6:
0x79: {  	p0 =	sgt.s32 s14, $0x0  }
.Ltmp11:
0x7a: {  	_ = 	snop;
	(pc) =	sbr.rel @!p0 .LBB2_7-.Ltmp11, $1  }
0x7b: {  	_ =	sdelay $0x3  }
0x7c: {  	p0 =	seq.s32 s14, $0x1  }
.Ltmp12:
0x7d: {  	_ = 	snop;
	(pc) =	sbr.rel @p0 .LBB2_105-.Ltmp12, $3  }
0x7e: {  	_ =	sdelay $0x1  }
0x7f: {  	_ =	swait.ge [sflag:s19], $0x800  }
0x80: {  	s14 =	sadd.s32 $0xFFFFFFFF, s14;
	[sflag:s19] =	ssyncset.done $0x0  }
.LBB2_104:
0x81: {  	p0 =	seq.s32 s14, $0x1;
	s14 =	sadd.s32 $0xFFFFFFFF, s14;
	[sflag:s19] =	ssyncadd.s32 $0xFFFFF800  }
.Ltmp13:
0x82: {  	(pc) =	sbr.rel @!p0 .LBB2_104-.Ltmp13, $3  }
0x83: {  	_ =	sdelay $0x1  }
0x84: {  	_ =	swait.ge [sflag:s19], $0x800  }
0x85: {  	[sflag:s19] =	ssyncset.done $0x0  }
.LBB2_105:
0x86: {  	[sflag:s19] =	ssyncadd.s32 $0xFFFFF800  }
.LBB2_7:
0x87: {  	s14 =	ssub.s32 $0x87FF, s13  }
0x88: {  	s16 =	sshra.s32 s14, $0x1F  }
0x89: {  	s24 =	sshrl.u32 s16, $0x15  }
0x8a: {  	s14 =	sadd.s32 s24, s14  }
0x8b: {  	s14 =	sshra.s32 s14, $0xB  }
0x8c: {  	s14 =	sadd.s32 s16, s14  }
0x8d: {  	p0 =	sgt.s32 s14, $0x0  }
.Ltmp14:
0x8e: {  	_ = 	snop;
	(pc) =	sbr.rel @!p0 .LBB2_8-.Ltmp14, $2  }
0x8f: {  	_ =	sdelay $0x2  }
0x90: {  	s16 =	simm.s32 $0x8780  }
0x91: {  	p0 =	seq.s32 s14, $0x1  }
.Ltmp15:
0x92: {  	_ = 	snop;
	(pc) =	sbr.rel @p0 .LBB2_8-.Ltmp15, $4  }
0x93: {  	s24 =	sshrl.u32 s12, $0x3  }
0x94: {  	s24 =	sadd.s32 s24, s6  }
0x95: {  	[tilespmem:s16], [sflag:$0x1] =	stream.strided.gather [hbm4b:s24+s17], $0x800, s18, s17, $0x38;
	[tilespmem:$0x18780] =	vst v63  }
0x96: {  	s25 =	sadd.s32 $0x4000, s12;
	s24 =	sadd.s32 $0xFFFFFFFF, s14  }
.LBB2_107:
0x97: {  	s26 =	sshrl.u32 s25, $0x3;
	p0 =	seq.s32 s24, $0x1;
	s24 =	sadd.s32 $0xFFFFFFFF, s24  }
.Ltmp16:
0x98: {  	s16 =	sadd.s32 $0x800, s16;
	s26 =	sadd.s32 s26, s6;
	(pc) =	sbr.rel @!p0 .LBB2_107-.Ltmp16, $3  }
0x99: {  	[tilespmem:s16], [sflag:$0x1] =	stream.strided.gather [hbm4b:s26+s17], $0x800, s18, s17, $0x38;
	[tilespmem:$0x18780] =	vst v63  }
0x9a: {  	_ =	sdelay $0x1  }
0x9b: {  	s25 =	sadd.s32 $0x4000, s25  }
.LBB2_8:
0x9c: {  	p0 =	slt.s32 s23, $0x1  }
.Ltmp17:
0x9d: {  	_ = 	snop;
	(pc) =	sbr.rel @p0 .LBB2_13-.Ltmp17, $3  }
0x9e: {  	_ =	sdelay $0x1  }
0x9f: {  	s0 =	smov.u32 s3  }
0xa0: {  	s3 =	smov.u32 s1;
	s1 =	smov.u32 s21;
	s21 =	smov.u32 s29  }
0xa1: {  	s22 =	sadd.s32 $0x80, s22;
	s16 =	simm.s32 $0x0;
	s24 =	simm.s32 $0x0  }
.LBB2_10:
0xa2: {  	_ =	swait.ge [sflag:s20], $0x800  }
0xa3: {  	[sflag:s20] =	ssyncset.done $0x0  }
0xa4: {  	s26 =	sshra.s32 s16, $0x2;
	[sflag:s20] =	ssyncadd.s32 $0xFFFFF800  }
0xa5: {  	v1 =	vld [tilespmem:s26+$0x107F0]  }
0xa6: {  	v2 =	vld [tilespmem:s26+$0x10780]  }
0xa7: {  	v3 =	vld [tilespmem:s26+$0x10790]  }
0xa8: {  	v4 =	vld [tilespmem:s26+$0x107A0]  }
0xa9: {  	v5 =	vld [tilespmem:s26+$0x107B0]  }
0xaa: {  	v6 =	vld [tilespmem:s26+$0x107C0]  }
0xab: {  	s25 =	sadd.s32 s26, s22;
	v7 =	vld [tilespmem:s26+$0x107D0]  }
0xac: {  	[tilespmem:s25+$0x70] =	vst.add.f32.msk $0xffff, v1  }
0xad: {  	v1 =	vld [tilespmem:s26+$0x107E0]  }
0xae: {  	[tilespmem:s25+$0x0] =	vst.add.f32.msk $0xffff, v2  }
0xaf: {  	[tilespmem:s25+$0x10] =	vst.add.f32.msk $0xffff, v3  }
0xb0: {  	[tilespmem:s25+$0x20] =	vst.add.f32.msk $0xffff, v4  }
0xb1: {  	[tilespmem:s25+$0x30] =	vst.add.f32.msk $0xffff, v5  }
0xb2: {  	[tilespmem:s25+$0x40] =	vst.add.f32.msk $0xffff, v6  }
0xb3: {  	s28 =	sadd.s32 $0x200, s16;
	s26 =	simm.s32 $0x0;
	[tilespmem:s25+$0x50] =	vst.add.f32.msk $0xffff, v7  }
.LBB2_11:
0xb4: {  	s29 =	sshra.s32 s28, $0x2;
	s26 =	sadd.s32 $0x80, s26;
	[tilespmem:s25+$0x60] =	vst.add.f32.msk $0xffff, v1  }
0xb5: {  	v1 =	vld [tilespmem:s29+$0x107F0];
	p0 =	slt.u32 s26, $0x780  }
0xb6: {  	v2 =	vld [tilespmem:s29+$0x10780]  }
0xb7: {  	v3 =	vld [tilespmem:s29+$0x10790]  }
0xb8: {  	v4 =	vld [tilespmem:s29+$0x107A0]  }
0xb9: {  	s25 =	sadd.s32 s29, s22;
	v5 =	vld [tilespmem:s29+$0x107B0]  }
0xba: {  	[tilespmem:s25+$0x70] =	vst.add.f32.msk $0xffff, v1  }
0xbb: {  	v6 =	vld [tilespmem:s29+$0x107C0]  }
0xbc: {  	v7 =	vld [tilespmem:s29+$0x107D0]  }
0xbd: {  	v1 =	vld [tilespmem:s29+$0x107E0]  }
0xbe: {  	[tilespmem:s25+$0x0] =	vst.add.f32.msk $0xffff, v2  }
.Ltmp18:
0xbf: {  	[tilespmem:s25+$0x10] =	vst.add.f32.msk $0xffff, v3;
	(pc) =	sbr.rel @p0 .LBB2_11-.Ltmp18, $4  }
0xc0: {  	[tilespmem:s25+$0x20] =	vst.add.f32.msk $0xffff, v4  }
0xc1: {  	[tilespmem:s25+$0x30] =	vst.add.f32.msk $0xffff, v5  }
0xc2: {  	[tilespmem:s25+$0x40] =	vst.add.f32.msk $0xffff, v6  }
0xc3: {  	s28 =	sadd.s32 $0x200, s28;
	[tilespmem:s25+$0x50] =	vst.add.f32.msk $0xffff, v7  }
0xc4: {  	s24 =	sadd.s32 $0x1, s24  }
0xc5: {  	p0 =	seq.s32 s24, s23  }
.Ltmp19:
0xc6: {  	_ = 	snop;
	(pc) =	sbr.rel @!p0 .LBB2_10-.Ltmp19, $2  }
0xc7: {  	_ =	sdelay $0x2  }
0xc8: {  	[tilespmem:s25+$0x60] =	vst.add.f32.msk $0xffff, v1;
	s16 =	sadd.s32 $0x2000, s16  }
.LBB2_13:
0xc9: {  	s16 =	ssub.s32 $0x87FF, s4  }
0xca: {  	s22 =	sshra.s32 s16, $0x1F  }
0xcb: {  	s23 =	sshrl.u32 s22, $0x15  }
0xcc: {  	s16 =	sadd.s32 s23, s16  }
0xcd: {  	s16 =	sshra.s32 s16, $0xB  }
0xce: {  	s22 =	sadd.s32 s22, s16  }
0xcf: {  	p0 =	sgt.s32 s22, $0x0  }
.Ltmp20:
0xd0: {  	_ = 	snop;
	(pc) =	sbr.rel @!p0 .LBB2_14-.Ltmp20, $3  }
0xd1: {  	_ =	sdelay $0x1  }
0xd2: {  	s29 =	smov.u32 s31;
	s31 =	smov.u32 s21  }
0xd3: {  	s21 =	smov.u32 s1;
	s1 =	smov.u32 s3;
	s16 =	simm.s32 $0x10780  }
0xd4: {  	p0 =	seq.s32 s22, $0x1  }
.Ltmp21:
0xd5: {  	_ = 	snop;
	(pc) =	sbr.rel @p0 .LBB2_14-.Ltmp21, $4  }
0xd6: {  	s23 =	sshrl.u32 s12, $0x3  }
0xd7: {  	s23 =	sadd.s32 s23, s7  }
0xd8: {  	[tilespmem:s16], [sflag:$0x2] =	stream.strided.gather [hbm4b:s23+s17], $0x800, s18, s17, $0x38;
	[tilespmem:$0x18780] =	vst v63  }
0xd9: {  	s24 =	sadd.s32 $0x4000, s12;
	s23 =	sadd.s32 $0xFFFFFFFF, s22  }
.LBB2_109:
0xda: {  	s25 =	sshrl.u32 s24, $0x3;
	p0 =	seq.s32 s23, $0x1;
	s23 =	sadd.s32 $0xFFFFFFFF, s23  }
.Ltmp22:
0xdb: {  	s16 =	sadd.s32 $0x800, s16;
	s25 =	sadd.s32 s25, s7;
	(pc) =	sbr.rel @!p0 .LBB2_109-.Ltmp22, $3  }
0xdc: {  	[tilespmem:s16], [sflag:$0x2] =	stream.strided.gather [hbm4b:s25+s17], $0x800, s18, s17, $0x38;
	[tilespmem:$0x18780] =	vst v63  }
0xdd: {  	_ =	sdelay $0x1  }
0xde: {  	s24 =	sadd.s32 $0x4000, s24  }
.LBB2_14:
0xdf: {  	p0 =	slt.s32 s14, $0x1  }
.Ltmp23:
0xe0: {  	_ = 	snop;
	(pc) =	sbr.rel @p0 .LBB2_19-.Ltmp23, $1  }
0xe1: {  	_ =	sdelay $0x3  }
0xe2: {  	s13 =	sadd.s32 $0x80, s13;
	s16 =	simm.s32 $0x0;
	s23 =	simm.s32 $0x0  }
.LBB2_16:
0xe3: {  	_ =	swait.ge [sflag:s19], $0x800  }
0xe4: {  	[sflag:s19] =	ssyncset.done $0x0  }
0xe5: {  	s25 =	sshra.s32 s16, $0x2;
	[sflag:s19] =	ssyncadd.s32 $0xFFFFF800  }
0xe6: {  	v1 =	vld [tilespmem:s25+$0x87F0]  }
0xe7: {  	v2 =	vld [tilespmem:s25+$0x8780]  }
0xe8: {  	v3 =	vld [tilespmem:s25+$0x8790]  }
0xe9: {  	v4 =	vld [tilespmem:s25+$0x87A0]  }
0xea: {  	v5 =	vld [tilespmem:s25+$0x87B0]  }
0xeb: {  	v6 =	vld [tilespmem:s25+$0x87C0]  }
0xec: {  	s24 =	sadd.s32 s25, s13;
	v7 =	vld [tilespmem:s25+$0x87D0]  }
0xed: {  	[tilespmem:s24+$0x70] =	vst.add.f32.msk $0xffff, v1  }
0xee: {  	v1 =	vld [tilespmem:s25+$0x87E0]  }
0xef: {  	[tilespmem:s24+$0x0] =	vst.add.f32.msk $0xffff, v2  }
0xf0: {  	[tilespmem:s24+$0x10] =	vst.add.f32.msk $0xffff, v3  }
0xf1: {  	[tilespmem:s24+$0x20] =	vst.add.f32.msk $0xffff, v4  }
0xf2: {  	[tilespmem:s24+$0x30] =	vst.add.f32.msk $0xffff, v5  }
0xf3: {  	[tilespmem:s24+$0x40] =	vst.add.f32.msk $0xffff, v6  }
0xf4: {  	s26 =	sadd.s32 $0x200, s16;
	s25 =	simm.s32 $0x0;
	[tilespmem:s24+$0x50] =	vst.add.f32.msk $0xffff, v7  }
.LBB2_17:
0xf5: {  	s28 =	sshra.s32 s26, $0x2;
	s25 =	sadd.s32 $0x80, s25;
	[tilespmem:s24+$0x60] =	vst.add.f32.msk $0xffff, v1  }
0xf6: {  	v1 =	vld [tilespmem:s28+$0x87F0];
	p0 =	slt.u32 s25, $0x780  }
0xf7: {  	v2 =	vld [tilespmem:s28+$0x8780]  }
0xf8: {  	v3 =	vld [tilespmem:s28+$0x8790]  }
0xf9: {  	v4 =	vld [tilespmem:s28+$0x87A0]  }
0xfa: {  	s24 =	sadd.s32 s28, s13;
	v5 =	vld [tilespmem:s28+$0x87B0]  }
0xfb: {  	[tilespmem:s24+$0x70] =	vst.add.f32.msk $0xffff, v1  }
0xfc: {  	v6 =	vld [tilespmem:s28+$0x87C0]  }
0xfd: {  	v7 =	vld [tilespmem:s28+$0x87D0]  }
0xfe: {  	v1 =	vld [tilespmem:s28+$0x87E0]  }
0xff: {  	[tilespmem:s24+$0x0] =	vst.add.f32.msk $0xffff, v2  }
.Ltmp24:
0x100: {  	[tilespmem:s24+$0x10] =	vst.add.f32.msk $0xffff, v3;
	(pc) =	sbr.rel @p0 .LBB2_17-.Ltmp24, $4  }
0x101: {  	[tilespmem:s24+$0x20] =	vst.add.f32.msk $0xffff, v4  }
0x102: {  	[tilespmem:s24+$0x30] =	vst.add.f32.msk $0xffff, v5  }
0x103: {  	[tilespmem:s24+$0x40] =	vst.add.f32.msk $0xffff, v6  }
0x104: {  	s26 =	sadd.s32 $0x200, s26;
	[tilespmem:s24+$0x50] =	vst.add.f32.msk $0xffff, v7  }
0x105: {  	s23 =	sadd.s32 $0x1, s23  }
0x106: {  	p0 =	seq.s32 s23, s14  }
.Ltmp25:
0x107: {  	_ = 	snop;
	(pc) =	sbr.rel @!p0 .LBB2_16-.Ltmp25, $2  }
0x108: {  	_ =	sdelay $0x2  }
0x109: {  	[tilespmem:s24+$0x60] =	vst.add.f32.msk $0xffff, v1;
	s16 =	sadd.s32 $0x2000, s16  }
.LBB2_19:
0x10a: {  	s13 =	ssub.s32 $0x87FF, s0  }
0x10b: {  	s14 =	sshra.s32 s13, $0x1F  }
0x10c: {  	s16 =	sshrl.u32 s14, $0x15  }
0x10d: {  	s13 =	sadd.s32 s16, s13  }
0x10e: {  	s13 =	sshra.s32 s13, $0xB  }
0x10f: {  	s13 =	sadd.s32 s14, s13  }
0x110: {  	p0 =	sgt.s32 s13, $0x0  }
.Ltmp26:
0x111: {  	_ = 	snop;
	(pc) =	sbr.rel @!p0 .LBB2_20-.Ltmp26, $2  }
0x112: {  	_ =	sdelay $0x2  }
0x113: {  	s28 =	smov.u32 s30;
	s30 =	rddreg [dreg:$0xd];
	s14 =	simm.s32 $0x8780  }
0x114: {  	p0 =	seq.s32 s13, $0x1  }
.Ltmp27:
0x115: {  	_ = 	snop;
	(pc) =	sbr.rel @p0 .LBB2_20-.Ltmp27, $4  }
0x116: {  	s16 =	sshrl.u32 s12, $0x3  }
0x117: {  	s16 =	sadd.s32 s16, s8  }
0x118: {  	[tilespmem:s14], [sflag:$0x1] =	stream.strided.gather [hbm4b:s16+s17], $0x800, s18, s17, $0x38;
	[tilespmem:$0x18780] =	vst v63  }
0x119: {  	s23 =	sadd.s32 $0x4000, s12;
	s16 =	sadd.s32 $0xFFFFFFFF, s13  }
.LBB2_111:
0x11a: {  	s24 =	sshrl.u32 s23, $0x3;
	p0 =	seq.s32 s16, $0x1;
	s16 =	sadd.s32 $0xFFFFFFFF, s16  }
.Ltmp28:
0x11b: {  	s14 =	sadd.s32 $0x800, s14;
	s24 =	sadd.s32 s24, s8;
	(pc) =	sbr.rel @!p0 .LBB2_111-.Ltmp28, $3  }
0x11c: {  	[tilespmem:s14], [sflag:$0x1] =	stream.strided.gather [hbm4b:s24+s17], $0x800, s18, s17, $0x38;
	[tilespmem:$0x18780] =	vst v63  }
0x11d: {  	_ =	sdelay $0x1  }
0x11e: {  	s23 =	sadd.s32 $0x4000, s23  }
.LBB2_20:
0x11f: {  	p0 =	slt.s32 s22, $0x1  }
.Ltmp29:
0x120: {  	_ = 	snop;
	(pc) =	sbr.rel @p0 .LBB2_25-.Ltmp29, $1  }
0x121: {  	_ =	sdelay $0x3  }
0x122: {  	s4 =	sadd.s32 $0x80, s4;
	s14 =	simm.s32 $0x0;
	s16 =	simm.s32 $0x0  }
.LBB2_22:
0x123: {  	_ =	swait.ge [sflag:s20], $0x800  }
0x124: {  	[sflag:s20] =	ssyncset.done $0x0  }
0x125: {  	s24 =	sshra.s32 s14, $0x2;
	[sflag:s20] =	ssyncadd.s32 $0xFFFFF800  }
0x126: {  	v1 =	vld [tilespmem:s24+$0x107F0]  }
0x127: {  	v2 =	vld [tilespmem:s24+$0x10780]  }
0x128: {  	v3 =	vld [tilespmem:s24+$0x10790]  }
0x129: {  	v4 =	vld [tilespmem:s24+$0x107A0]  }
0x12a: {  	v5 =	vld [tilespmem:s24+$0x107B0]  }
0x12b: {  	v6 =	vld [tilespmem:s24+$0x107C0]  }
0x12c: {  	s23 =	sadd.s32 s24, s4;
	v7 =	vld [tilespmem:s24+$0x107D0]  }
0x12d: {  	[tilespmem:s23+$0x70] =	vst.add.f32.msk $0xffff, v1  }
0x12e: {  	v1 =	vld [tilespmem:s24+$0x107E0]  }
0x12f: {  	[tilespmem:s23+$0x0] =	vst.add.f32.msk $0xffff, v2  }
0x130: {  	[tilespmem:s23+$0x10] =	vst.add.f32.msk $0xffff, v3  }
0x131: {  	[tilespmem:s23+$0x20] =	vst.add.f32.msk $0xffff, v4  }
0x132: {  	[tilespmem:s23+$0x30] =	vst.add.f32.msk $0xffff, v5  }
0x133: {  	[tilespmem:s23+$0x40] =	vst.add.f32.msk $0xffff, v6  }
0x134: {  	s25 =	sadd.s32 $0x200, s14;
	s24 =	simm.s32 $0x0;
	[tilespmem:s23+$0x50] =	vst.add.f32.msk $0xffff, v7  }
.LBB2_23:
0x135: {  	s26 =	sshra.s32 s25, $0x2;
	s24 =	sadd.s32 $0x80, s24;
	[tilespmem:s23+$0x60] =	vst.add.f32.msk $0xffff, v1  }
0x136: {  	v1 =	vld [tilespmem:s26+$0x107F0];
	p0 =	slt.u32 s24, $0x780  }
0x137: {  	v2 =	vld [tilespmem:s26+$0x10780]  }
0x138: {  	v3 =	vld [tilespmem:s26+$0x10790]  }
0x139: {  	v4 =	vld [tilespmem:s26+$0x107A0]  }
0x13a: {  	s23 =	sadd.s32 s26, s4;
	v5 =	vld [tilespmem:s26+$0x107B0]  }
0x13b: {  	[tilespmem:s23+$0x70] =	vst.add.f32.msk $0xffff, v1  }
0x13c: {  	v6 =	vld [tilespmem:s26+$0x107C0]  }
0x13d: {  	v7 =	vld [tilespmem:s26+$0x107D0]  }
0x13e: {  	v1 =	vld [tilespmem:s26+$0x107E0]  }
0x13f: {  	[tilespmem:s23+$0x0] =	vst.add.f32.msk $0xffff, v2  }
.Ltmp30:
0x140: {  	[tilespmem:s23+$0x10] =	vst.add.f32.msk $0xffff, v3;
	(pc) =	sbr.rel @p0 .LBB2_23-.Ltmp30, $4  }
0x141: {  	[tilespmem:s23+$0x20] =	vst.add.f32.msk $0xffff, v4  }
0x142: {  	[tilespmem:s23+$0x30] =	vst.add.f32.msk $0xffff, v5  }
0x143: {  	[tilespmem:s23+$0x40] =	vst.add.f32.msk $0xffff, v6  }
0x144: {  	s25 =	sadd.s32 $0x200, s25;
	[tilespmem:s23+$0x50] =	vst.add.f32.msk $0xffff, v7  }
0x145: {  	s16 =	sadd.s32 $0x1, s16  }
0x146: {  	p0 =	seq.s32 s16, s22  }
.Ltmp31:
0x147: {  	_ = 	snop;
	(pc) =	sbr.rel @!p0 .LBB2_22-.Ltmp31, $2  }
0x148: {  	_ =	sdelay $0x2  }
0x149: {  	[tilespmem:s23+$0x60] =	vst.add.f32.msk $0xffff, v1;
	s14 =	sadd.s32 $0x2000, s14  }
.LBB2_25:
0x14a: {  	s4 =	ssub.s32 $0x87FF, s1  }
0x14b: {  	s14 =	sshra.s32 s4, $0x1F  }
0x14c: {  	s16 =	sshrl.u32 s14, $0x15  }
0x14d: {  	s4 =	sadd.s32 s16, s4  }
0x14e: {  	s4 =	sshra.s32 s4, $0xB  }
0x14f: {  	s4 =	sadd.s32 s14, s4  }
0x150: {  	p0 =	sgt.s32 s4, $0x0  }
.Ltmp32:
0x151: {  	_ = 	snop;
	(pc) =	sbr.rel @!p0 .LBB2_26-.Ltmp32, $2  }
0x152: {  	_ =	sdelay $0x2  }
0x153: {  	s14 =	simm.s32 $0x10780  }
0x154: {  	p0 =	seq.s32 s4, $0x1  }
.Ltmp33:
0x155: {  	_ = 	snop;
	(pc) =	sbr.rel @p0 .LBB2_26-.Ltmp33, $4  }
0x156: {  	s16 =	sshrl.u32 s12, $0x3  }
0x157: {  	s16 =	sadd.s32 s16, s9  }
0x158: {  	[tilespmem:s14], [sflag:$0x2] =	stream.strided.gather [hbm4b:s16+s17], $0x800, s18, s17, $0x38;
	[tilespmem:$0x18780] =	vst v63  }
0x159: {  	s22 =	sadd.s32 $0x4000, s12;
	s16 =	sadd.s32 $0xFFFFFFFF, s4  }
.LBB2_113:
0x15a: {  	s23 =	sshrl.u32 s22, $0x3;
	p0 =	seq.s32 s16, $0x1;
	s16 =	sadd.s32 $0xFFFFFFFF, s16  }
.Ltmp34:
0x15b: {  	s14 =	sadd.s32 $0x800, s14;
	s23 =	sadd.s32 s23, s9;
	(pc) =	sbr.rel @!p0 .LBB2_113-.Ltmp34, $3  }
0x15c: {  	[tilespmem:s14], [sflag:$0x2] =	stream.strided.gather [hbm4b:s23+s17], $0x800, s18, s17, $0x38;
	[tilespmem:$0x18780] =	vst v63  }
0x15d: {  	_ =	sdelay $0x1  }
0x15e: {  	s22 =	sadd.s32 $0x4000, s22  }
.LBB2_26:
0x15f: {  	p0 =	slt.s32 s13, $0x1  }
.Ltmp35:
0x160: {  	_ = 	snop;
	(pc) =	sbr.rel @p0 .LBB2_31-.Ltmp35, $1  }
0x161: {  	_ =	sdelay $0x3  }
0x162: {  	s3 =	sadd.s32 $0x80, s0;
	s14 =	simm.s32 $0x0;
	s16 =	simm.s32 $0x0  }
.LBB2_28:
0x163: {  	_ =	swait.ge [sflag:s19], $0x800  }
0x164: {  	[sflag:s19] =	ssyncset.done $0x0  }
0x165: {  	s23 =	sshra.s32 s14, $0x2;
	[sflag:s19] =	ssyncadd.s32 $0xFFFFF800  }
0x166: {  	v1 =	vld [tilespmem:s23+$0x87F0]  }
0x167: {  	v2 =	vld [tilespmem:s23+$0x8780]  }
0x168: {  	v3 =	vld [tilespmem:s23+$0x8790]  }
0x169: {  	v4 =	vld [tilespmem:s23+$0x87A0]  }
0x16a: {  	v5 =	vld [tilespmem:s23+$0x87B0]  }
0x16b: {  	v6 =	vld [tilespmem:s23+$0x87C0]  }
0x16c: {  	s22 =	sadd.s32 s23, s3;
	v7 =	vld [tilespmem:s23+$0x87D0]  }
0x16d: {  	[tilespmem:s22+$0x70] =	vst.add.f32.msk $0xffff, v1  }
0x16e: {  	v1 =	vld [tilespmem:s23+$0x87E0]  }
0x16f: {  	[tilespmem:s22+$0x0] =	vst.add.f32.msk $0xffff, v2  }
0x170: {  	[tilespmem:s22+$0x10] =	vst.add.f32.msk $0xffff, v3  }
0x171: {  	[tilespmem:s22+$0x20] =	vst.add.f32.msk $0xffff, v4  }
0x172: {  	[tilespmem:s22+$0x30] =	vst.add.f32.msk $0xffff, v5  }
0x173: {  	[tilespmem:s22+$0x40] =	vst.add.f32.msk $0xffff, v6  }
0x174: {  	s24 =	sadd.s32 $0x200, s14;
	s23 =	simm.s32 $0x0;
	[tilespmem:s22+$0x50] =	vst.add.f32.msk $0xffff, v7  }
.LBB2_29:
0x175: {  	s25 =	sshra.s32 s24, $0x2;
	s23 =	sadd.s32 $0x80, s23;
	[tilespmem:s22+$0x60] =	vst.add.f32.msk $0xffff, v1  }
0x176: {  	v1 =	vld [tilespmem:s25+$0x87F0];
	p0 =	slt.u32 s23, $0x780  }
0x177: {  	v2 =	vld [tilespmem:s25+$0x8780]  }
0x178: {  	v3 =	vld [tilespmem:s25+$0x8790]  }
0x179: {  	v4 =	vld [tilespmem:s25+$0x87A0]  }
0x17a: {  	s22 =	sadd.s32 s25, s3;
	v5 =	vld [tilespmem:s25+$0x87B0]  }
0x17b: {  	[tilespmem:s22+$0x70] =	vst.add.f32.msk $0xffff, v1  }
0x17c: {  	v6 =	vld [tilespmem:s25+$0x87C0]  }
0x17d: {  	v7 =	vld [tilespmem:s25+$0x87D0]  }
0x17e: {  	v1 =	vld [tilespmem:s25+$0x87E0]  }
0x17f: {  	[tilespmem:s22+$0x0] =	vst.add.f32.msk $0xffff, v2  }
.Ltmp36:
0x180: {  	[tilespmem:s22+$0x10] =	vst.add.f32.msk $0xffff, v3;
	(pc) =	sbr.rel @p0 .LBB2_29-.Ltmp36, $4  }
0x181: {  	[tilespmem:s22+$0x20] =	vst.add.f32.msk $0xffff, v4  }
0x182: {  	[tilespmem:s22+$0x30] =	vst.add.f32.msk $0xffff, v5  }
0x183: {  	[tilespmem:s22+$0x40] =	vst.add.f32.msk $0xffff, v6  }
0x184: {  	s24 =	sadd.s32 $0x200, s24;
	[tilespmem:s22+$0x50] =	vst.add.f32.msk $0xffff, v7  }
0x185: {  	s16 =	sadd.s32 $0x1, s16  }
0x186: {  	p0 =	seq.s32 s16, s13  }
.Ltmp37:
0x187: {  	_ = 	snop;
	(pc) =	sbr.rel @!p0 .LBB2_28-.Ltmp37, $2  }
0x188: {  	_ =	sdelay $0x2  }
0x189: {  	[tilespmem:s22+$0x60] =	vst.add.f32.msk $0xffff, v1;
	s14 =	sadd.s32 $0x2000, s14  }
.LBB2_31:
0x18a: {  	s0 =	rddreg [dreg:$0xc]  }
0x18b: {  	s3 =	ssub.s32 $0x87FF, s0  }
0x18c: {  	s13 =	sshra.s32 s3, $0x1F  }
0x18d: {  	s14 =	sshrl.u32 s13, $0x15  }
0x18e: {  	s3 =	sadd.s32 s14, s3  }
0x18f: {  	s3 =	sshra.s32 s3, $0xB  }
0x190: {  	s3 =	sadd.s32 s13, s3  }
0x191: {  	p0 =	sgt.s32 s3, $0x0  }
.Ltmp38:
0x192: {  	_ = 	snop;
	(pc) =	sbr.rel @!p0 .LBB2_32-.Ltmp38, $2  }
0x193: {  	_ =	sdelay $0x2  }
0x194: {  	s13 =	simm.s32 $0x8780  }
0x195: {  	p0 =	seq.s32 s3, $0x1  }
.Ltmp39:
0x196: {  	_ = 	snop;
	(pc) =	sbr.rel @p0 .LBB2_32-.Ltmp39, $4  }
0x197: {  	s14 =	sshrl.u32 s12, $0x3  }
0x198: {  	s14 =	sadd.s32 s14, s10  }
0x199: {  	[tilespmem:s13], [sflag:$0x1] =	stream.strided.gather [hbm4b:s14+s17], $0x800, s18, s17, $0x38;
	[tilespmem:$0x18780] =	vst v63  }
0x19a: {  	s16 =	sadd.s32 $0x4000, s12;
	s14 =	sadd.s32 $0xFFFFFFFF, s3  }
.LBB2_115:
0x19b: {  	s22 =	sshrl.u32 s16, $0x3;
	p0 =	seq.s32 s14, $0x1;
	s14 =	sadd.s32 $0xFFFFFFFF, s14  }
.Ltmp40:
0x19c: {  	s13 =	sadd.s32 $0x800, s13;
	s22 =	sadd.s32 s22, s10;
	(pc) =	sbr.rel @!p0 .LBB2_115-.Ltmp40, $3  }
0x19d: {  	[tilespmem:s13], [sflag:$0x1] =	stream.strided.gather [hbm4b:s22+s17], $0x800, s18, s17, $0x38;
	[tilespmem:$0x18780] =	vst v63  }
0x19e: {  	_ =	sdelay $0x1  }
0x19f: {  	s16 =	sadd.s32 $0x4000, s16  }
.LBB2_32:
0x1a0: {  	p0 =	slt.s32 s4, $0x1  }
.Ltmp41:
0x1a1: {  	_ = 	snop;
	(pc) =	sbr.rel @p0 .LBB2_37-.Ltmp41, $1  }
0x1a2: {  	_ =	sdelay $0x3  }
0x1a3: {  	s1 =	sadd.s32 $0x80, s1;
	s13 =	simm.s32 $0x0;
	s14 =	simm.s32 $0x0  }
.LBB2_34:
0x1a4: {  	_ =	swait.ge [sflag:s20], $0x800  }
0x1a5: {  	[sflag:s20] =	ssyncset.done $0x0  }
0x1a6: {  	s22 =	sshra.s32 s13, $0x2;
	[sflag:s20] =	ssyncadd.s32 $0xFFFFF800  }
0x1a7: {  	v1 =	vld [tilespmem:s22+$0x107F0]  }
0x1a8: {  	v2 =	vld [tilespmem:s22+$0x10780]  }
0x1a9: {  	v3 =	vld [tilespmem:s22+$0x10790]  }
0x1aa: {  	v4 =	vld [tilespmem:s22+$0x107A0]  }
0x1ab: {  	v5 =	vld [tilespmem:s22+$0x107B0]  }
0x1ac: {  	v6 =	vld [tilespmem:s22+$0x107C0]  }
0x1ad: {  	s16 =	sadd.s32 s22, s1;
	v7 =	vld [tilespmem:s22+$0x107D0]  }
0x1ae: {  	[tilespmem:s16+$0x70] =	vst.add.f32.msk $0xffff, v1  }
0x1af: {  	v1 =	vld [tilespmem:s22+$0x107E0]  }
0x1b0: {  	[tilespmem:s16+$0x0] =	vst.add.f32.msk $0xffff, v2  }
0x1b1: {  	[tilespmem:s16+$0x10] =	vst.add.f32.msk $0xffff, v3  }
0x1b2: {  	[tilespmem:s16+$0x20] =	vst.add.f32.msk $0xffff, v4  }
0x1b3: {  	[tilespmem:s16+$0x30] =	vst.add.f32.msk $0xffff, v5  }
0x1b4: {  	[tilespmem:s16+$0x40] =	vst.add.f32.msk $0xffff, v6  }
0x1b5: {  	s23 =	sadd.s32 $0x200, s13;
	s22 =	simm.s32 $0x0;
	[tilespmem:s16+$0x50] =	vst.add.f32.msk $0xffff, v7  }
.LBB2_35:
0x1b6: {  	s24 =	sshra.s32 s23, $0x2;
	s22 =	sadd.s32 $0x80, s22;
	[tilespmem:s16+$0x60] =	vst.add.f32.msk $0xffff, v1  }
0x1b7: {  	v1 =	vld [tilespmem:s24+$0x107F0];
	p0 =	slt.u32 s22, $0x780  }
0x1b8: {  	v2 =	vld [tilespmem:s24+$0x10780]  }
0x1b9: {  	v3 =	vld [tilespmem:s24+$0x10790]  }
0x1ba: {  	v4 =	vld [tilespmem:s24+$0x107A0]  }
0x1bb: {  	s16 =	sadd.s32 s24, s1;
	v5 =	vld [tilespmem:s24+$0x107B0]  }
0x1bc: {  	[tilespmem:s16+$0x70] =	vst.add.f32.msk $0xffff, v1  }
0x1bd: {  	v6 =	vld [tilespmem:s24+$0x107C0]  }
0x1be: {  	v7 =	vld [tilespmem:s24+$0x107D0]  }
0x1bf: {  	v1 =	vld [tilespmem:s24+$0x107E0]  }
0x1c0: {  	[tilespmem:s16+$0x0] =	vst.add.f32.msk $0xffff, v2  }
.Ltmp42:
0x1c1: {  	[tilespmem:s16+$0x10] =	vst.add.f32.msk $0xffff, v3;
	(pc) =	sbr.rel @p0 .LBB2_35-.Ltmp42, $4  }
0x1c2: {  	[tilespmem:s16+$0x20] =	vst.add.f32.msk $0xffff, v4  }
0x1c3: {  	[tilespmem:s16+$0x30] =	vst.add.f32.msk $0xffff, v5  }
0x1c4: {  	[tilespmem:s16+$0x40] =	vst.add.f32.msk $0xffff, v6  }
0x1c5: {  	s23 =	sadd.s32 $0x200, s23;
	[tilespmem:s16+$0x50] =	vst.add.f32.msk $0xffff, v7  }
0x1c6: {  	s14 =	sadd.s32 $0x1, s14  }
0x1c7: {  	p0 =	seq.s32 s14, s4  }
.Ltmp43:
0x1c8: {  	_ = 	snop;
	(pc) =	sbr.rel @!p0 .LBB2_34-.Ltmp43, $2  }
0x1c9: {  	_ =	sdelay $0x2  }
0x1ca: {  	[tilespmem:s16+$0x60] =	vst.add.f32.msk $0xffff, v1;
	s13 =	sadd.s32 $0x2000, s13  }
.LBB2_37:
0x1cb: {  	s0 =	rddreg [dreg:$0xb]  }
0x1cc: {  	s1 =	ssub.s32 $0x87FF, s0  }
0x1cd: {  	s4 =	sshra.s32 s1, $0x1F  }
0x1ce: {  	s13 =	sshrl.u32 s4, $0x15  }
0x1cf: {  	s1 =	sadd.s32 s13, s1  }
0x1d0: {  	s1 =	sshra.s32 s1, $0xB  }
0x1d1: {  	s1 =	sadd.s32 s4, s1  }
0x1d2: {  	p0 =	sgt.s32 s1, $0x0  }
.Ltmp44:
0x1d3: {  	_ = 	snop;
	(pc) =	sbr.rel @!p0 .LBB2_38-.Ltmp44, $2  }
0x1d4: {  	_ =	sdelay $0x2  }
0x1d5: {  	s24 =	rddreg [dreg:$0x7];
	s4 =	simm.s32 $0x10780  }
0x1d6: {  	p0 =	seq.s32 s1, $0x1  }
.Ltmp45:
0x1d7: {  	_ = 	snop;
	(pc) =	sbr.rel @p0 .LBB2_38-.Ltmp45, $4  }
0x1d8: {  	s13 =	sshrl.u32 s12, $0x3  }
0x1d9: {  	s13 =	sadd.s32 s13, s11  }
0x1da: {  	[tilespmem:s4], [sflag:$0x2] =	stream.strided.gather [hbm4b:s13+s17], $0x800, s18, s17, $0x38;
	[tilespmem:$0x18780] =	vst v63  }
0x1db: {  	s14 =	sadd.s32 $0x4000, s12;
	s13 =	sadd.s32 $0xFFFFFFFF, s1  }
.LBB2_117:
0x1dc: {  	s16 =	sshrl.u32 s14, $0x3;
	p0 =	seq.s32 s13, $0x1;
	s13 =	sadd.s32 $0xFFFFFFFF, s13  }
.Ltmp46:
0x1dd: {  	s4 =	sadd.s32 $0x800, s4;
	s16 =	sadd.s32 s16, s11;
	(pc) =	sbr.rel @!p0 .LBB2_117-.Ltmp46, $3  }
0x1de: {  	[tilespmem:s4], [sflag:$0x2] =	stream.strided.gather [hbm4b:s16+s17], $0x800, s18, s17, $0x38;
	[tilespmem:$0x18780] =	vst v63  }
0x1df: {  	_ =	sdelay $0x1  }
0x1e0: {  	s14 =	sadd.s32 $0x4000, s14  }
.LBB2_38:
0x1e1: {  	p0 =	slt.s32 s3, $0x1  }
.Ltmp47:
0x1e2: {  	_ = 	snop;
	(pc) =	sbr.rel @p0 .LBB2_43-.Ltmp47, $1  }
0x1e3: {  	_ =	sdelay $0x3  }
0x1e4: {  	s0 =	rddreg [dreg:$0xc]  }
0x1e5: {  	s4 =	simm.s32 $0x0;
	s13 =	simm.s32 $0x0;
	s0 =	sadd.s32 $0x80, s0  }
.LBB2_40:
0x1e6: {  	_ =	swait.ge [sflag:s19], $0x800  }
0x1e7: {  	[sflag:s19] =	ssyncset.done $0x0  }
0x1e8: {  	s16 =	sshra.s32 s4, $0x2;
	[sflag:s19] =	ssyncadd.s32 $0xFFFFF800  }
0x1e9: {  	v1 =	vld [tilespmem:s16+$0x87F0]  }
0x1ea: {  	v2 =	vld [tilespmem:s16+$0x8780]  }
0x1eb: {  	v3 =	vld [tilespmem:s16+$0x8790]  }
0x1ec: {  	v4 =	vld [tilespmem:s16+$0x87A0]  }
0x1ed: {  	v5 =	vld [tilespmem:s16+$0x87B0]  }
0x1ee: {  	v6 =	vld [tilespmem:s16+$0x87C0]  }
0x1ef: {  	s14 =	sadd.s32 s16, s0;
	v7 =	vld [tilespmem:s16+$0x87D0]  }
0x1f0: {  	[tilespmem:s14+$0x70] =	vst.add.f32.msk $0xffff, v1  }
0x1f1: {  	v1 =	vld [tilespmem:s16+$0x87E0]  }
0x1f2: {  	[tilespmem:s14+$0x0] =	vst.add.f32.msk $0xffff, v2  }
0x1f3: {  	[tilespmem:s14+$0x10] =	vst.add.f32.msk $0xffff, v3  }
0x1f4: {  	[tilespmem:s14+$0x20] =	vst.add.f32.msk $0xffff, v4  }
0x1f5: {  	[tilespmem:s14+$0x30] =	vst.add.f32.msk $0xffff, v5  }
0x1f6: {  	[tilespmem:s14+$0x40] =	vst.add.f32.msk $0xffff, v6  }
0x1f7: {  	s22 =	sadd.s32 $0x200, s4;
	s16 =	simm.s32 $0x0;
	[tilespmem:s14+$0x50] =	vst.add.f32.msk $0xffff, v7  }
.LBB2_41:
0x1f8: {  	s23 =	sshra.s32 s22, $0x2;
	s16 =	sadd.s32 $0x80, s16;
	[tilespmem:s14+$0x60] =	vst.add.f32.msk $0xffff, v1  }
0x1f9: {  	v1 =	vld [tilespmem:s23+$0x87F0];
	p0 =	slt.u32 s16, $0x780  }
0x1fa: {  	v2 =	vld [tilespmem:s23+$0x8780]  }
0x1fb: {  	v3 =	vld [tilespmem:s23+$0x8790]  }
0x1fc: {  	v4 =	vld [tilespmem:s23+$0x87A0]  }
0x1fd: {  	s14 =	sadd.s32 s23, s0;
	v5 =	vld [tilespmem:s23+$0x87B0]  }
0x1fe: {  	[tilespmem:s14+$0x70] =	vst.add.f32.msk $0xffff, v1  }
0x1ff: {  	v6 =	vld [tilespmem:s23+$0x87C0]  }
0x200: {  	v7 =	vld [tilespmem:s23+$0x87D0]  }
0x201: {  	v1 =	vld [tilespmem:s23+$0x87E0]  }
0x202: {  	[tilespmem:s14+$0x0] =	vst.add.f32.msk $0xffff, v2  }
.Ltmp48:
0x203: {  	[tilespmem:s14+$0x10] =	vst.add.f32.msk $0xffff, v3;
	(pc) =	sbr.rel @p0 .LBB2_41-.Ltmp48, $4  }
0x204: {  	[tilespmem:s14+$0x20] =	vst.add.f32.msk $0xffff, v4  }
0x205: {  	[tilespmem:s14+$0x30] =	vst.add.f32.msk $0xffff, v5  }
0x206: {  	[tilespmem:s14+$0x40] =	vst.add.f32.msk $0xffff, v6  }
0x207: {  	s22 =	sadd.s32 $0x200, s22;
	[tilespmem:s14+$0x50] =	vst.add.f32.msk $0xffff, v7  }
0x208: {  	s13 =	sadd.s32 $0x1, s13  }
0x209: {  	p0 =	seq.s32 s13, s3  }
.Ltmp49:
0x20a: {  	_ = 	snop;
	(pc) =	sbr.rel @!p0 .LBB2_40-.Ltmp49, $2  }
0x20b: {  	_ =	sdelay $0x2  }
0x20c: {  	[tilespmem:s14+$0x60] =	vst.add.f32.msk $0xffff, v1;
	s4 =	sadd.s32 $0x2000, s4  }
.LBB2_43:
0x20d: {  	s0 =	rddreg [dreg:$0xa]  }
0x20e: {  	s0 =	ssub.s32 $0x87FF, s0  }
0x20f: {  	s3 =	sshra.s32 s0, $0x1F  }
0x210: {  	s4 =	sshrl.u32 s3, $0x15  }
0x211: {  	s0 =	sadd.s32 s4, s0  }
0x212: {  	s0 =	sshra.s32 s0, $0xB  }
0x213: {  	s0 =	sadd.s32 s3, s0  }
0x214: {  	p0 =	sgt.s32 s0, $0x0  }
.Ltmp50:
0x215: {  	_ = 	snop;
	(pc) =	sbr.rel @!p0 .LBB2_44-.Ltmp50, $2  }
0x216: {  	_ =	sdelay $0x2  }
0x217: {  	s3 =	simm.s32 $0x8780  }
0x218: {  	p0 =	seq.s32 s0, $0x1  }
.Ltmp51:
0x219: {  	_ = 	snop;
	(pc) =	sbr.rel @p0 .LBB2_44-.Ltmp51, $4  }
0x21a: {  	s4 =	sshrl.u32 s15, $0x3  }
0x21b: {  	s4 =	sadd.s32 s2, s4  }
0x21c: {  	[tilespmem:s3], [sflag:$0x1] =	stream.strided.gather [hbm4b:s4+s17], $0x800, s18, s17, $0x38;
	[tilespmem:$0x18780] =	vst v63  }
0x21d: {  	s13 =	sadd.s32 $0x4000, s15;
	s4 =	sadd.s32 $0xFFFFFFFF, s0  }
.LBB2_119:
0x21e: {  	s14 =	sshrl.u32 s13, $0x3;
	p0 =	seq.s32 s4, $0x1;
	s4 =	sadd.s32 $0xFFFFFFFF, s4  }
.Ltmp52:
0x21f: {  	s3 =	sadd.s32 $0x800, s3;
	s14 =	sadd.s32 s2, s14;
	(pc) =	sbr.rel @!p0 .LBB2_119-.Ltmp52, $3  }
0x220: {  	[tilespmem:s3], [sflag:$0x1] =	stream.strided.gather [hbm4b:s14+s17], $0x800, s18, s17, $0x38;
	[tilespmem:$0x18780] =	vst v63  }
0x221: {  	_ =	sdelay $0x1  }
0x222: {  	s13 =	sadd.s32 $0x4000, s13  }
.LBB2_44:
0x223: {  	p0 =	slt.s32 s1, $0x1  }
.Ltmp53:
0x224: {  	_ = 	snop;
	(pc) =	sbr.rel @p0 .LBB2_49-.Ltmp53, $1  }
0x225: {  	_ =	sdelay $0x3  }
0x226: {  	s3 =	rddreg [dreg:$0xb]  }
0x227: {  	s4 =	simm.s32 $0x0;
	s13 =	simm.s32 $0x0;
	s3 =	sadd.s32 $0x80, s3  }
.LBB2_46:
0x228: {  	_ =	swait.ge [sflag:s20], $0x800  }
0x229: {  	[sflag:s20] =	ssyncset.done $0x0  }
0x22a: {  	s16 =	sshra.s32 s4, $0x2;
	[sflag:s20] =	ssyncadd.s32 $0xFFFFF800  }
0x22b: {  	v1 =	vld [tilespmem:s16+$0x107F0]  }
0x22c: {  	v2 =	vld [tilespmem:s16+$0x10780]  }
0x22d: {  	v3 =	vld [tilespmem:s16+$0x10790]  }
0x22e: {  	v4 =	vld [tilespmem:s16+$0x107A0]  }
0x22f: {  	v5 =	vld [tilespmem:s16+$0x107B0]  }
0x230: {  	v6 =	vld [tilespmem:s16+$0x107C0]  }
0x231: {  	s14 =	sadd.s32 s16, s3;
	v7 =	vld [tilespmem:s16+$0x107D0]  }
0x232: {  	[tilespmem:s14+$0x70] =	vst.add.f32.msk $0xffff, v1  }
0x233: {  	v1 =	vld [tilespmem:s16+$0x107E0]  }
0x234: {  	[tilespmem:s14+$0x0] =	vst.add.f32.msk $0xffff, v2  }
0x235: {  	[tilespmem:s14+$0x10] =	vst.add.f32.msk $0xffff, v3  }
0x236: {  	[tilespmem:s14+$0x20] =	vst.add.f32.msk $0xffff, v4  }
0x237: {  	[tilespmem:s14+$0x30] =	vst.add.f32.msk $0xffff, v5  }
0x238: {  	[tilespmem:s14+$0x40] =	vst.add.f32.msk $0xffff, v6  }
0x239: {  	s22 =	sadd.s32 $0x200, s4;
	s16 =	simm.s32 $0x0;
	[tilespmem:s14+$0x50] =	vst.add.f32.msk $0xffff, v7  }
.LBB2_47:
0x23a: {  	s23 =	sshra.s32 s22, $0x2;
	s16 =	sadd.s32 $0x80, s16;
	[tilespmem:s14+$0x60] =	vst.add.f32.msk $0xffff, v1  }
0x23b: {  	v1 =	vld [tilespmem:s23+$0x107F0];
	p0 =	slt.u32 s16, $0x780  }
0x23c: {  	v2 =	vld [tilespmem:s23+$0x10780]  }
0x23d: {  	v3 =	vld [tilespmem:s23+$0x10790]  }
0x23e: {  	v4 =	vld [tilespmem:s23+$0x107A0]  }
0x23f: {  	s14 =	sadd.s32 s23, s3;
	v5 =	vld [tilespmem:s23+$0x107B0]  }
0x240: {  	[tilespmem:s14+$0x70] =	vst.add.f32.msk $0xffff, v1  }
0x241: {  	v6 =	vld [tilespmem:s23+$0x107C0]  }
0x242: {  	v7 =	vld [tilespmem:s23+$0x107D0]  }
0x243: {  	v1 =	vld [tilespmem:s23+$0x107E0]  }
0x244: {  	[tilespmem:s14+$0x0] =	vst.add.f32.msk $0xffff, v2  }
.Ltmp54:
0x245: {  	[tilespmem:s14+$0x10] =	vst.add.f32.msk $0xffff, v3;
	(pc) =	sbr.rel @p0 .LBB2_47-.Ltmp54, $4  }
0x246: {  	[tilespmem:s14+$0x20] =	vst.add.f32.msk $0xffff, v4  }
0x247: {  	[tilespmem:s14+$0x30] =	vst.add.f32.msk $0xffff, v5  }
0x248: {  	[tilespmem:s14+$0x40] =	vst.add.f32.msk $0xffff, v6  }
0x249: {  	s22 =	sadd.s32 $0x200, s22;
	[tilespmem:s14+$0x50] =	vst.add.f32.msk $0xffff, v7  }
0x24a: {  	s13 =	sadd.s32 $0x1, s13  }
0x24b: {  	p0 =	seq.s32 s13, s1  }
.Ltmp55:
0x24c: {  	_ = 	snop;
	(pc) =	sbr.rel @!p0 .LBB2_46-.Ltmp55, $2  }
0x24d: {  	_ =	sdelay $0x2  }
0x24e: {  	[tilespmem:s14+$0x60] =	vst.add.f32.msk $0xffff, v1;
	s4 =	sadd.s32 $0x2000, s4  }
.LBB2_49:
0x24f: {  	s1 =	rddreg [dreg:$0x9]  }
0x250: {  	s1 =	ssub.s32 $0x87FF, s1  }
0x251: {  	s3 =	sshra.s32 s1, $0x1F  }
0x252: {  	s4 =	sshrl.u32 s3, $0x15  }
0x253: {  	s1 =	sadd.s32 s4, s1  }
0x254: {  	s1 =	sshra.s32 s1, $0xB  }
0x255: {  	s1 =	sadd.s32 s3, s1  }
0x256: {  	p0 =	sgt.s32 s1, $0x0  }
.Ltmp56:
0x257: {  	_ = 	snop;
	(pc) =	sbr.rel @!p0 .LBB2_50-.Ltmp56, $2  }
0x258: {  	_ =	sdelay $0x2  }
0x259: {  	s3 =	simm.s32 $0x10780  }
0x25a: {  	p0 =	seq.s32 s1, $0x1  }
.Ltmp57:
0x25b: {  	_ = 	snop;
	(pc) =	sbr.rel @p0 .LBB2_50-.Ltmp57, $4  }
0x25c: {  	s4 =	sshrl.u32 s15, $0x3  }
0x25d: {  	s4 =	sadd.s32 s4, s5  }
0x25e: {  	[tilespmem:s3], [sflag:$0x2] =	stream.strided.gather [hbm4b:s4+s17], $0x800, s18, s17, $0x38;
	[tilespmem:$0x18780] =	vst v63  }
0x25f: {  	s13 =	sadd.s32 $0x4000, s15;
	s4 =	sadd.s32 $0xFFFFFFFF, s1  }
.LBB2_121:
0x260: {  	s14 =	sshrl.u32 s13, $0x3;
	p0 =	seq.s32 s4, $0x1;
	s4 =	sadd.s32 $0xFFFFFFFF, s4  }
.Ltmp58:
0x261: {  	s3 =	sadd.s32 $0x800, s3;
	s14 =	sadd.s32 s14, s5;
	(pc) =	sbr.rel @!p0 .LBB2_121-.Ltmp58, $3  }
0x262: {  	[tilespmem:s3], [sflag:$0x2] =	stream.strided.gather [hbm4b:s14+s17], $0x800, s18, s17, $0x38;
	[tilespmem:$0x18780] =	vst v63  }
0x263: {  	_ =	sdelay $0x1  }
0x264: {  	s13 =	sadd.s32 $0x4000, s13  }
.LBB2_50:
0x265: {  	p0 =	slt.s32 s0, $0x1  }
.Ltmp59:
0x266: {  	_ = 	snop;
	(pc) =	sbr.rel @p0 .LBB2_55-.Ltmp59, $1  }
0x267: {  	_ =	sdelay $0x3  }
0x268: {  	s3 =	rddreg [dreg:$0xa]  }
0x269: {  	s4 =	simm.s32 $0x0;
	s13 =	simm.s32 $0x0;
	s3 =	sadd.s32 $0x80, s3  }
.LBB2_52:
0x26a: {  	_ =	swait.ge [sflag:s19], $0x800  }
0x26b: {  	[sflag:s19] =	ssyncset.done $0x0  }
0x26c: {  	s16 =	sshra.s32 s4, $0x2;
	[sflag:s19] =	ssyncadd.s32 $0xFFFFF800  }
0x26d: {  	v1 =	vld [tilespmem:s16+$0x87F0]  }
0x26e: {  	v2 =	vld [tilespmem:s16+$0x8780]  }
0x26f: {  	v3 =	vld [tilespmem:s16+$0x8790]  }
0x270: {  	v4 =	vld [tilespmem:s16+$0x87A0]  }
0x271: {  	v5 =	vld [tilespmem:s16+$0x87B0]  }
0x272: {  	v6 =	vld [tilespmem:s16+$0x87C0]  }
0x273: {  	s14 =	sadd.s32 s16, s3;
	v7 =	vld [tilespmem:s16+$0x87D0]  }
0x274: {  	[tilespmem:s14+$0x70] =	vst.add.f32.msk $0xffff, v1  }
0x275: {  	v1 =	vld [tilespmem:s16+$0x87E0]  }
0x276: {  	[tilespmem:s14+$0x0] =	vst.add.f32.msk $0xffff, v2  }
0x277: {  	[tilespmem:s14+$0x10] =	vst.add.f32.msk $0xffff, v3  }
0x278: {  	[tilespmem:s14+$0x20] =	vst.add.f32.msk $0xffff, v4  }
0x279: {  	[tilespmem:s14+$0x30] =	vst.add.f32.msk $0xffff, v5  }
0x27a: {  	[tilespmem:s14+$0x40] =	vst.add.f32.msk $0xffff, v6  }
0x27b: {  	s22 =	sadd.s32 $0x200, s4;
	s16 =	simm.s32 $0x0;
	[tilespmem:s14+$0x50] =	vst.add.f32.msk $0xffff, v7  }
.LBB2_53:
0x27c: {  	s23 =	sshra.s32 s22, $0x2;
	s16 =	sadd.s32 $0x80, s16;
	[tilespmem:s14+$0x60] =	vst.add.f32.msk $0xffff, v1  }
0x27d: {  	v1 =	vld [tilespmem:s23+$0x87F0];
	p0 =	slt.u32 s16, $0x780  }
0x27e: {  	v2 =	vld [tilespmem:s23+$0x8780]  }
0x27f: {  	v3 =	vld [tilespmem:s23+$0x8790]  }
0x280: {  	v4 =	vld [tilespmem:s23+$0x87A0]  }
0x281: {  	s14 =	sadd.s32 s23, s3;
	v5 =	vld [tilespmem:s23+$0x87B0]  }
0x282: {  	[tilespmem:s14+$0x70] =	vst.add.f32.msk $0xffff, v1  }
0x283: {  	v6 =	vld [tilespmem:s23+$0x87C0]  }
0x284: {  	v7 =	vld [tilespmem:s23+$0x87D0]  }
0x285: {  	v1 =	vld [tilespmem:s23+$0x87E0]  }
0x286: {  	[tilespmem:s14+$0x0] =	vst.add.f32.msk $0xffff, v2  }
.Ltmp60:
0x287: {  	[tilespmem:s14+$0x10] =	vst.add.f32.msk $0xffff, v3;
	(pc) =	sbr.rel @p0 .LBB2_53-.Ltmp60, $4  }
0x288: {  	[tilespmem:s14+$0x20] =	vst.add.f32.msk $0xffff, v4  }
0x289: {  	[tilespmem:s14+$0x30] =	vst.add.f32.msk $0xffff, v5  }
0x28a: {  	[tilespmem:s14+$0x40] =	vst.add.f32.msk $0xffff, v6  }
0x28b: {  	s22 =	sadd.s32 $0x200, s22;
	[tilespmem:s14+$0x50] =	vst.add.f32.msk $0xffff, v7  }
0x28c: {  	s13 =	sadd.s32 $0x1, s13  }
0x28d: {  	p0 =	seq.s32 s13, s0  }
.Ltmp61:
0x28e: {  	_ = 	snop;
	(pc) =	sbr.rel @!p0 .LBB2_52-.Ltmp61, $2  }
0x28f: {  	_ =	sdelay $0x2  }
0x290: {  	[tilespmem:s14+$0x60] =	vst.add.f32.msk $0xffff, v1;
	s4 =	sadd.s32 $0x2000, s4  }
.LBB2_55:
0x291: {  	s0 =	ssub.s32 $0x87FF, s21  }
0x292: {  	s3 =	sshra.s32 s0, $0x1F  }
0x293: {  	s4 =	sshrl.u32 s3, $0x15  }
0x294: {  	s0 =	sadd.s32 s4, s0  }
0x295: {  	s0 =	sshra.s32 s0, $0xB  }
0x296: {  	s0 =	sadd.s32 s3, s0  }
0x297: {  	p0 =	sgt.s32 s0, $0x0  }
.Ltmp62:
0x298: {  	_ = 	snop;
	(pc) =	sbr.rel @!p0 .LBB2_56-.Ltmp62, $2  }
0x299: {  	_ =	sdelay $0x2  }
0x29a: {  	s3 =	simm.s32 $0x8780  }
0x29b: {  	p0 =	seq.s32 s0, $0x1  }
.Ltmp63:
0x29c: {  	_ = 	snop;
	(pc) =	sbr.rel @p0 .LBB2_56-.Ltmp63, $4  }
0x29d: {  	s4 =	sshrl.u32 s15, $0x3  }
0x29e: {  	s4 =	sadd.s32 s4, s6  }
0x29f: {  	[tilespmem:s3], [sflag:$0x1] =	stream.strided.gather [hbm4b:s4+s17], $0x800, s18, s17, $0x38;
	[tilespmem:$0x18780] =	vst v63  }
0x2a0: {  	s13 =	sadd.s32 $0x4000, s15;
	s4 =	sadd.s32 $0xFFFFFFFF, s0  }
.LBB2_123:
0x2a1: {  	s14 =	sshrl.u32 s13, $0x3;
	p0 =	seq.s32 s4, $0x1;
	s4 =	sadd.s32 $0xFFFFFFFF, s4  }
.Ltmp64:
0x2a2: {  	s3 =	sadd.s32 $0x800, s3;
	s14 =	sadd.s32 s14, s6;
	(pc) =	sbr.rel @!p0 .LBB2_123-.Ltmp64, $3  }
0x2a3: {  	[tilespmem:s3], [sflag:$0x1] =	stream.strided.gather [hbm4b:s14+s17], $0x800, s18, s17, $0x38;
	[tilespmem:$0x18780] =	vst v63  }
0x2a4: {  	_ =	sdelay $0x1  }
0x2a5: {  	s13 =	sadd.s32 $0x4000, s13  }
.LBB2_56:
0x2a6: {  	p0 =	slt.s32 s1, $0x1  }
.Ltmp65:
0x2a7: {  	_ = 	snop;
	(pc) =	sbr.rel @p0 .LBB2_61-.Ltmp65, $1  }
0x2a8: {  	_ =	sdelay $0x3  }
0x2a9: {  	s3 =	rddreg [dreg:$0x9]  }
0x2aa: {  	s4 =	simm.s32 $0x0;
	s13 =	simm.s32 $0x0;
	s3 =	sadd.s32 $0x80, s3  }
.LBB2_58:
0x2ab: {  	_ =	swait.ge [sflag:s20], $0x800  }
0x2ac: {  	[sflag:s20] =	ssyncset.done $0x0  }
0x2ad: {  	s16 =	sshra.s32 s4, $0x2;
	[sflag:s20] =	ssyncadd.s32 $0xFFFFF800  }
0x2ae: {  	v1 =	vld [tilespmem:s16+$0x107F0]  }
0x2af: {  	v2 =	vld [tilespmem:s16+$0x10780]  }
0x2b0: {  	v3 =	vld [tilespmem:s16+$0x10790]  }
0x2b1: {  	v4 =	vld [tilespmem:s16+$0x107A0]  }
0x2b2: {  	v5 =	vld [tilespmem:s16+$0x107B0]  }
0x2b3: {  	v6 =	vld [tilespmem:s16+$0x107C0]  }
0x2b4: {  	s14 =	sadd.s32 s16, s3;
	v7 =	vld [tilespmem:s16+$0x107D0]  }
0x2b5: {  	[tilespmem:s14+$0x70] =	vst.add.f32.msk $0xffff, v1  }
0x2b6: {  	v1 =	vld [tilespmem:s16+$0x107E0]  }
0x2b7: {  	[tilespmem:s14+$0x0] =	vst.add.f32.msk $0xffff, v2  }
0x2b8: {  	[tilespmem:s14+$0x10] =	vst.add.f32.msk $0xffff, v3  }
0x2b9: {  	[tilespmem:s14+$0x20] =	vst.add.f32.msk $0xffff, v4  }
0x2ba: {  	[tilespmem:s14+$0x30] =	vst.add.f32.msk $0xffff, v5  }
0x2bb: {  	[tilespmem:s14+$0x40] =	vst.add.f32.msk $0xffff, v6  }
0x2bc: {  	s22 =	sadd.s32 $0x200, s4;
	s16 =	simm.s32 $0x0;
	[tilespmem:s14+$0x50] =	vst.add.f32.msk $0xffff, v7  }
.LBB2_59:
0x2bd: {  	s23 =	sshra.s32 s22, $0x2;
	s16 =	sadd.s32 $0x80, s16;
	[tilespmem:s14+$0x60] =	vst.add.f32.msk $0xffff, v1  }
0x2be: {  	v1 =	vld [tilespmem:s23+$0x107F0];
	p0 =	slt.u32 s16, $0x780  }
0x2bf: {  	v2 =	vld [tilespmem:s23+$0x10780]  }
0x2c0: {  	v3 =	vld [tilespmem:s23+$0x10790]  }
0x2c1: {  	v4 =	vld [tilespmem:s23+$0x107A0]  }
0x2c2: {  	s14 =	sadd.s32 s23, s3;
	v5 =	vld [tilespmem:s23+$0x107B0]  }
0x2c3: {  	[tilespmem:s14+$0x70] =	vst.add.f32.msk $0xffff, v1  }
0x2c4: {  	v6 =	vld [tilespmem:s23+$0x107C0]  }
0x2c5: {  	v7 =	vld [tilespmem:s23+$0x107D0]  }
0x2c6: {  	v1 =	vld [tilespmem:s23+$0x107E0]  }
0x2c7: {  	[tilespmem:s14+$0x0] =	vst.add.f32.msk $0xffff, v2  }
.Ltmp66:
0x2c8: {  	[tilespmem:s14+$0x10] =	vst.add.f32.msk $0xffff, v3;
	(pc) =	sbr.rel @p0 .LBB2_59-.Ltmp66, $4  }
0x2c9: {  	[tilespmem:s14+$0x20] =	vst.add.f32.msk $0xffff, v4  }
0x2ca: {  	[tilespmem:s14+$0x30] =	vst.add.f32.msk $0xffff, v5  }
0x2cb: {  	[tilespmem:s14+$0x40] =	vst.add.f32.msk $0xffff, v6  }
0x2cc: {  	s22 =	sadd.s32 $0x200, s22;
	[tilespmem:s14+$0x50] =	vst.add.f32.msk $0xffff, v7  }
0x2cd: {  	s13 =	sadd.s32 $0x1, s13  }
0x2ce: {  	p0 =	seq.s32 s13, s1  }
.Ltmp67:
0x2cf: {  	_ = 	snop;
	(pc) =	sbr.rel @!p0 .LBB2_58-.Ltmp67, $2  }
0x2d0: {  	_ =	sdelay $0x2  }
0x2d1: {  	[tilespmem:s14+$0x60] =	vst.add.f32.msk $0xffff, v1;
	s4 =	sadd.s32 $0x2000, s4  }
.LBB2_61:
0x2d2: {  	s1 =	ssub.s32 $0x87FF, s31  }
0x2d3: {  	s3 =	sshra.s32 s1, $0x1F  }
0x2d4: {  	s4 =	sshrl.u32 s3, $0x15  }
0x2d5: {  	s1 =	sadd.s32 s4, s1  }
0x2d6: {  	s1 =	sshra.s32 s1, $0xB  }
0x2d7: {  	s1 =	sadd.s32 s3, s1  }
0x2d8: {  	p0 =	sgt.s32 s1, $0x0  }
.Ltmp68:
0x2d9: {  	_ = 	snop;
	(pc) =	sbr.rel @!p0 .LBB2_62-.Ltmp68, $2  }
0x2da: {  	_ =	sdelay $0x2  }
0x2db: {  	s3 =	simm.s32 $0x10780  }
0x2dc: {  	p0 =	seq.s32 s1, $0x1  }
.Ltmp69:
0x2dd: {  	_ = 	snop;
	(pc) =	sbr.rel @p0 .LBB2_62-.Ltmp69, $4  }
0x2de: {  	s4 =	sshrl.u32 s15, $0x3  }
0x2df: {  	s4 =	sadd.s32 s4, s7  }
0x2e0: {  	[tilespmem:s3], [sflag:$0x2] =	stream.strided.gather [hbm4b:s4+s17], $0x800, s18, s17, $0x38;
	[tilespmem:$0x18780] =	vst v63  }
0x2e1: {  	s13 =	sadd.s32 $0x4000, s15;
	s4 =	sadd.s32 $0xFFFFFFFF, s1  }
.LBB2_125:
0x2e2: {  	s14 =	sshrl.u32 s13, $0x3;
	p0 =	seq.s32 s4, $0x1;
	s4 =	sadd.s32 $0xFFFFFFFF, s4  }
.Ltmp70:
0x2e3: {  	s3 =	sadd.s32 $0x800, s3;
	s14 =	sadd.s32 s14, s7;
	(pc) =	sbr.rel @!p0 .LBB2_125-.Ltmp70, $3  }
0x2e4: {  	[tilespmem:s3], [sflag:$0x2] =	stream.strided.gather [hbm4b:s14+s17], $0x800, s18, s17, $0x38;
	[tilespmem:$0x18780] =	vst v63  }
0x2e5: {  	_ =	sdelay $0x1  }
0x2e6: {  	s13 =	sadd.s32 $0x4000, s13  }
.LBB2_62:
0x2e7: {  	p0 =	slt.s32 s0, $0x1  }
.Ltmp71:
0x2e8: {  	_ = 	snop;
	(pc) =	sbr.rel @p0 .LBB2_67-.Ltmp71, $1  }
0x2e9: {  	_ =	sdelay $0x3  }
0x2ea: {  	s3 =	sadd.s32 $0x80, s21;
	s4 =	simm.s32 $0x0;
	s13 =	simm.s32 $0x0  }
.LBB2_64:
0x2eb: {  	_ =	swait.ge [sflag:s19], $0x800  }
0x2ec: {  	[sflag:s19] =	ssyncset.done $0x0  }
0x2ed: {  	s16 =	sshra.s32 s4, $0x2;
	[sflag:s19] =	ssyncadd.s32 $0xFFFFF800  }
0x2ee: {  	v1 =	vld [tilespmem:s16+$0x87F0]  }
0x2ef: {  	v2 =	vld [tilespmem:s16+$0x8780]  }
0x2f0: {  	v3 =	vld [tilespmem:s16+$0x8790]  }
0x2f1: {  	v4 =	vld [tilespmem:s16+$0x87A0]  }
0x2f2: {  	v5 =	vld [tilespmem:s16+$0x87B0]  }
0x2f3: {  	v6 =	vld [tilespmem:s16+$0x87C0]  }
0x2f4: {  	s14 =	sadd.s32 s16, s3;
	v7 =	vld [tilespmem:s16+$0x87D0]  }
0x2f5: {  	[tilespmem:s14+$0x70] =	vst.add.f32.msk $0xffff, v1  }
0x2f6: {  	v1 =	vld [tilespmem:s16+$0x87E0]  }
0x2f7: {  	[tilespmem:s14+$0x0] =	vst.add.f32.msk $0xffff, v2  }
0x2f8: {  	[tilespmem:s14+$0x10] =	vst.add.f32.msk $0xffff, v3  }
0x2f9: {  	[tilespmem:s14+$0x20] =	vst.add.f32.msk $0xffff, v4  }
0x2fa: {  	[tilespmem:s14+$0x30] =	vst.add.f32.msk $0xffff, v5  }
0x2fb: {  	[tilespmem:s14+$0x40] =	vst.add.f32.msk $0xffff, v6  }
0x2fc: {  	s22 =	sadd.s32 $0x200, s4;
	s16 =	simm.s32 $0x0;
	[tilespmem:s14+$0x50] =	vst.add.f32.msk $0xffff, v7  }
.LBB2_65:
0x2fd: {  	s23 =	sshra.s32 s22, $0x2;
	s16 =	sadd.s32 $0x80, s16;
	[tilespmem:s14+$0x60] =	vst.add.f32.msk $0xffff, v1  }
0x2fe: {  	v1 =	vld [tilespmem:s23+$0x87F0];
	p0 =	slt.u32 s16, $0x780  }
0x2ff: {  	v2 =	vld [tilespmem:s23+$0x8780]  }
0x300: {  	v3 =	vld [tilespmem:s23+$0x8790]  }
0x301: {  	v4 =	vld [tilespmem:s23+$0x87A0]  }
0x302: {  	s14 =	sadd.s32 s23, s3;
	v5 =	vld [tilespmem:s23+$0x87B0]  }
0x303: {  	[tilespmem:s14+$0x70] =	vst.add.f32.msk $0xffff, v1  }
0x304: {  	v6 =	vld [tilespmem:s23+$0x87C0]  }
0x305: {  	v7 =	vld [tilespmem:s23+$0x87D0]  }
0x306: {  	v1 =	vld [tilespmem:s23+$0x87E0]  }
0x307: {  	[tilespmem:s14+$0x0] =	vst.add.f32.msk $0xffff, v2  }
.Ltmp72:
0x308: {  	[tilespmem:s14+$0x10] =	vst.add.f32.msk $0xffff, v3;
	(pc) =	sbr.rel @p0 .LBB2_65-.Ltmp72, $4  }
0x309: {  	[tilespmem:s14+$0x20] =	vst.add.f32.msk $0xffff, v4  }
0x30a: {  	[tilespmem:s14+$0x30] =	vst.add.f32.msk $0xffff, v5  }
0x30b: {  	[tilespmem:s14+$0x40] =	vst.add.f32.msk $0xffff, v6  }
0x30c: {  	s22 =	sadd.s32 $0x200, s22;
	[tilespmem:s14+$0x50] =	vst.add.f32.msk $0xffff, v7  }
0x30d: {  	s13 =	sadd.s32 $0x1, s13  }
0x30e: {  	p0 =	seq.s32 s13, s0  }
.Ltmp73:
0x30f: {  	_ = 	snop;
	(pc) =	sbr.rel @!p0 .LBB2_64-.Ltmp73, $2  }
0x310: {  	_ =	sdelay $0x2  }
0x311: {  	[tilespmem:s14+$0x60] =	vst.add.f32.msk $0xffff, v1;
	s4 =	sadd.s32 $0x2000, s4  }
.LBB2_67:
0x312: {  	s0 =	ssub.s32 $0x87FF, s30  }
0x313: {  	s3 =	sshra.s32 s0, $0x1F  }
0x314: {  	s4 =	sshrl.u32 s3, $0x15  }
0x315: {  	s0 =	sadd.s32 s4, s0  }
0x316: {  	s0 =	sshra.s32 s0, $0xB  }
0x317: {  	s0 =	sadd.s32 s3, s0  }
0x318: {  	p0 =	sgt.s32 s0, $0x0  }
.Ltmp74:
0x319: {  	_ = 	snop;
	(pc) =	sbr.rel @!p0 .LBB2_68-.Ltmp74, $2  }
0x31a: {  	_ =	sdelay $0x2  }
0x31b: {  	s3 =	simm.s32 $0x8780  }
0x31c: {  	p0 =	seq.s32 s0, $0x1  }
.Ltmp75:
0x31d: {  	_ = 	snop;
	(pc) =	sbr.rel @p0 .LBB2_68-.Ltmp75, $4  }
0x31e: {  	s4 =	sshrl.u32 s15, $0x3  }
0x31f: {  	s4 =	sadd.s32 s4, s8  }
0x320: {  	[tilespmem:s3], [sflag:$0x1] =	stream.strided.gather [hbm4b:s4+s17], $0x800, s18, s17, $0x38;
	[tilespmem:$0x18780] =	vst v63  }
0x321: {  	s13 =	sadd.s32 $0x4000, s15;
	s4 =	sadd.s32 $0xFFFFFFFF, s0  }
.LBB2_127:
0x322: {  	s14 =	sshrl.u32 s13, $0x3;
	p0 =	seq.s32 s4, $0x1;
	s4 =	sadd.s32 $0xFFFFFFFF, s4  }
.Ltmp76:
0x323: {  	s3 =	sadd.s32 $0x800, s3;
	s14 =	sadd.s32 s14, s8;
	(pc) =	sbr.rel @!p0 .LBB2_127-.Ltmp76, $3  }
0x324: {  	[tilespmem:s3], [sflag:$0x1] =	stream.strided.gather [hbm4b:s14+s17], $0x800, s18, s17, $0x38;
	[tilespmem:$0x18780] =	vst v63  }
0x325: {  	_ =	sdelay $0x1  }
0x326: {  	s13 =	sadd.s32 $0x4000, s13  }
.LBB2_68:
0x327: {  	p0 =	slt.s32 s1, $0x1  }
.Ltmp77:
0x328: {  	_ = 	snop;
	(pc) =	sbr.rel @p0 .LBB2_73-.Ltmp77, $1  }
0x329: {  	_ =	sdelay $0x3  }
0x32a: {  	s3 =	sadd.s32 $0x80, s31;
	s4 =	simm.s32 $0x0;
	s13 =	simm.s32 $0x0  }
.LBB2_70:
0x32b: {  	_ =	swait.ge [sflag:s20], $0x800  }
0x32c: {  	[sflag:s20] =	ssyncset.done $0x0  }
0x32d: {  	s16 =	sshra.s32 s4, $0x2;
	[sflag:s20] =	ssyncadd.s32 $0xFFFFF800  }
0x32e: {  	v1 =	vld [tilespmem:s16+$0x107F0]  }
0x32f: {  	v2 =	vld [tilespmem:s16+$0x10780]  }
0x330: {  	v3 =	vld [tilespmem:s16+$0x10790]  }
0x331: {  	v4 =	vld [tilespmem:s16+$0x107A0]  }
0x332: {  	v5 =	vld [tilespmem:s16+$0x107B0]  }
0x333: {  	v6 =	vld [tilespmem:s16+$0x107C0]  }
0x334: {  	s14 =	sadd.s32 s16, s3;
	v7 =	vld [tilespmem:s16+$0x107D0]  }
0x335: {  	[tilespmem:s14+$0x70] =	vst.add.f32.msk $0xffff, v1  }
0x336: {  	v1 =	vld [tilespmem:s16+$0x107E0]  }
0x337: {  	[tilespmem:s14+$0x0] =	vst.add.f32.msk $0xffff, v2  }
0x338: {  	[tilespmem:s14+$0x10] =	vst.add.f32.msk $0xffff, v3  }
0x339: {  	[tilespmem:s14+$0x20] =	vst.add.f32.msk $0xffff, v4  }
0x33a: {  	[tilespmem:s14+$0x30] =	vst.add.f32.msk $0xffff, v5  }
0x33b: {  	[tilespmem:s14+$0x40] =	vst.add.f32.msk $0xffff, v6  }
0x33c: {  	s22 =	sadd.s32 $0x200, s4;
	s16 =	simm.s32 $0x0;
	[tilespmem:s14+$0x50] =	vst.add.f32.msk $0xffff, v7  }
.LBB2_71:
0x33d: {  	s23 =	sshra.s32 s22, $0x2;
	s16 =	sadd.s32 $0x80, s16;
	[tilespmem:s14+$0x60] =	vst.add.f32.msk $0xffff, v1  }
0x33e: {  	v1 =	vld [tilespmem:s23+$0x107F0];
	p0 =	slt.u32 s16, $0x780  }
0x33f: {  	v2 =	vld [tilespmem:s23+$0x10780]  }
0x340: {  	v3 =	vld [tilespmem:s23+$0x10790]  }
0x341: {  	v4 =	vld [tilespmem:s23+$0x107A0]  }
0x342: {  	s14 =	sadd.s32 s23, s3;
	v5 =	vld [tilespmem:s23+$0x107B0]  }
0x343: {  	[tilespmem:s14+$0x70] =	vst.add.f32.msk $0xffff, v1  }
0x344: {  	v6 =	vld [tilespmem:s23+$0x107C0]  }
0x345: {  	v7 =	vld [tilespmem:s23+$0x107D0]  }
0x346: {  	v1 =	vld [tilespmem:s23+$0x107E0]  }
0x347: {  	[tilespmem:s14+$0x0] =	vst.add.f32.msk $0xffff, v2  }
.Ltmp78:
0x348: {  	[tilespmem:s14+$0x10] =	vst.add.f32.msk $0xffff, v3;
	(pc) =	sbr.rel @p0 .LBB2_71-.Ltmp78, $4  }
0x349: {  	[tilespmem:s14+$0x20] =	vst.add.f32.msk $0xffff, v4  }
0x34a: {  	[tilespmem:s14+$0x30] =	vst.add.f32.msk $0xffff, v5  }
0x34b: {  	[tilespmem:s14+$0x40] =	vst.add.f32.msk $0xffff, v6  }
0x34c: {  	s22 =	sadd.s32 $0x200, s22;
	[tilespmem:s14+$0x50] =	vst.add.f32.msk $0xffff, v7  }
0x34d: {  	s13 =	sadd.s32 $0x1, s13  }
0x34e: {  	p0 =	seq.s32 s13, s1  }
.Ltmp79:
0x34f: {  	_ = 	snop;
	(pc) =	sbr.rel @!p0 .LBB2_70-.Ltmp79, $2  }
0x350: {  	_ =	sdelay $0x2  }
0x351: {  	[tilespmem:s14+$0x60] =	vst.add.f32.msk $0xffff, v1;
	s4 =	sadd.s32 $0x2000, s4  }
.LBB2_73:
0x352: {  	s1 =	ssub.s32 $0x87FF, s29  }
0x353: {  	s3 =	sshra.s32 s1, $0x1F  }
0x354: {  	s4 =	sshrl.u32 s3, $0x15  }
0x355: {  	s1 =	sadd.s32 s4, s1  }
0x356: {  	s1 =	sshra.s32 s1, $0xB  }
0x357: {  	s1 =	sadd.s32 s3, s1  }
0x358: {  	p0 =	sgt.s32 s1, $0x0  }
.Ltmp80:
0x359: {  	_ = 	snop;
	(pc) =	sbr.rel @!p0 .LBB2_74-.Ltmp80, $2  }
0x35a: {  	_ =	sdelay $0x2  }
0x35b: {  	s3 =	simm.s32 $0x10780  }
0x35c: {  	p0 =	seq.s32 s1, $0x1  }
.Ltmp81:
0x35d: {  	_ = 	snop;
	(pc) =	sbr.rel @p0 .LBB2_74-.Ltmp81, $4  }
0x35e: {  	s4 =	sshrl.u32 s15, $0x3  }
0x35f: {  	s4 =	sadd.s32 s4, s9  }
0x360: {  	[tilespmem:s3], [sflag:$0x2] =	stream.strided.gather [hbm4b:s4+s17], $0x800, s18, s17, $0x38;
	[tilespmem:$0x18780] =	vst v63  }
0x361: {  	s13 =	sadd.s32 $0x4000, s15;
	s4 =	sadd.s32 $0xFFFFFFFF, s1  }
.LBB2_129:
0x362: {  	s14 =	sshrl.u32 s13, $0x3;
	p0 =	seq.s32 s4, $0x1;
	s4 =	sadd.s32 $0xFFFFFFFF, s4  }
.Ltmp82:
0x363: {  	s3 =	sadd.s32 $0x800, s3;
	s14 =	sadd.s32 s14, s9;
	(pc) =	sbr.rel @!p0 .LBB2_129-.Ltmp82, $3  }
0x364: {  	[tilespmem:s3], [sflag:$0x2] =	stream.strided.gather [hbm4b:s14+s17], $0x800, s18, s17, $0x38;
	[tilespmem:$0x18780] =	vst v63  }
0x365: {  	_ =	sdelay $0x1  }
0x366: {  	s13 =	sadd.s32 $0x4000, s13  }
.LBB2_74:
0x367: {  	p0 =	slt.s32 s0, $0x1  }
.Ltmp83:
0x368: {  	_ = 	snop;
	(pc) =	sbr.rel @p0 .LBB2_79-.Ltmp83, $1  }
0x369: {  	_ =	sdelay $0x3  }
0x36a: {  	s3 =	sadd.s32 $0x80, s30;
	s4 =	simm.s32 $0x0;
	s13 =	simm.s32 $0x0  }
.LBB2_76:
0x36b: {  	_ =	swait.ge [sflag:s19], $0x800  }
0x36c: {  	[sflag:s19] =	ssyncset.done $0x0  }
0x36d: {  	s16 =	sshra.s32 s4, $0x2;
	[sflag:s19] =	ssyncadd.s32 $0xFFFFF800  }
0x36e: {  	v1 =	vld [tilespmem:s16+$0x87F0]  }
0x36f: {  	v2 =	vld [tilespmem:s16+$0x8780]  }
0x370: {  	v3 =	vld [tilespmem:s16+$0x8790]  }
0x371: {  	v4 =	vld [tilespmem:s16+$0x87A0]  }
0x372: {  	v5 =	vld [tilespmem:s16+$0x87B0]  }
0x373: {  	v6 =	vld [tilespmem:s16+$0x87C0]  }
0x374: {  	s14 =	sadd.s32 s16, s3;
	v7 =	vld [tilespmem:s16+$0x87D0]  }
0x375: {  	[tilespmem:s14+$0x70] =	vst.add.f32.msk $0xffff, v1  }
0x376: {  	v1 =	vld [tilespmem:s16+$0x87E0]  }
0x377: {  	[tilespmem:s14+$0x0] =	vst.add.f32.msk $0xffff, v2  }
0x378: {  	[tilespmem:s14+$0x10] =	vst.add.f32.msk $0xffff, v3  }
0x379: {  	[tilespmem:s14+$0x20] =	vst.add.f32.msk $0xffff, v4  }
0x37a: {  	[tilespmem:s14+$0x30] =	vst.add.f32.msk $0xffff, v5  }
0x37b: {  	[tilespmem:s14+$0x40] =	vst.add.f32.msk $0xffff, v6  }
0x37c: {  	s22 =	sadd.s32 $0x200, s4;
	s16 =	simm.s32 $0x0;
	[tilespmem:s14+$0x50] =	vst.add.f32.msk $0xffff, v7  }
.LBB2_77:
0x37d: {  	s23 =	sshra.s32 s22, $0x2;
	s16 =	sadd.s32 $0x80, s16;
	[tilespmem:s14+$0x60] =	vst.add.f32.msk $0xffff, v1  }
0x37e: {  	v1 =	vld [tilespmem:s23+$0x87F0];
	p0 =	slt.u32 s16, $0x780  }
0x37f: {  	v2 =	vld [tilespmem:s23+$0x8780]  }
0x380: {  	v3 =	vld [tilespmem:s23+$0x8790]  }
0x381: {  	v4 =	vld [tilespmem:s23+$0x87A0]  }
0x382: {  	s14 =	sadd.s32 s23, s3;
	v5 =	vld [tilespmem:s23+$0x87B0]  }
0x383: {  	[tilespmem:s14+$0x70] =	vst.add.f32.msk $0xffff, v1  }
0x384: {  	v6 =	vld [tilespmem:s23+$0x87C0]  }
0x385: {  	v7 =	vld [tilespmem:s23+$0x87D0]  }
0x386: {  	v1 =	vld [tilespmem:s23+$0x87E0]  }
0x387: {  	[tilespmem:s14+$0x0] =	vst.add.f32.msk $0xffff, v2  }
.Ltmp84:
0x388: {  	[tilespmem:s14+$0x10] =	vst.add.f32.msk $0xffff, v3;
	(pc) =	sbr.rel @p0 .LBB2_77-.Ltmp84, $4  }
0x389: {  	[tilespmem:s14+$0x20] =	vst.add.f32.msk $0xffff, v4  }
0x38a: {  	[tilespmem:s14+$0x30] =	vst.add.f32.msk $0xffff, v5  }
0x38b: {  	[tilespmem:s14+$0x40] =	vst.add.f32.msk $0xffff, v6  }
0x38c: {  	s22 =	sadd.s32 $0x200, s22;
	[tilespmem:s14+$0x50] =	vst.add.f32.msk $0xffff, v7  }
0x38d: {  	s13 =	sadd.s32 $0x1, s13  }
0x38e: {  	p0 =	seq.s32 s13, s0  }
.Ltmp85:
0x38f: {  	_ = 	snop;
	(pc) =	sbr.rel @!p0 .LBB2_76-.Ltmp85, $2  }
0x390: {  	_ =	sdelay $0x2  }
0x391: {  	[tilespmem:s14+$0x60] =	vst.add.f32.msk $0xffff, v1;
	s4 =	sadd.s32 $0x2000, s4  }
.LBB2_79:
0x392: {  	s0 =	ssub.s32 $0x87FF, s28  }
0x393: {  	s3 =	sshra.s32 s0, $0x1F  }
0x394: {  	s4 =	sshrl.u32 s3, $0x15  }
0x395: {  	s0 =	sadd.s32 s4, s0  }
0x396: {  	s0 =	sshra.s32 s0, $0xB  }
0x397: {  	s0 =	sadd.s32 s3, s0  }
0x398: {  	p0 =	sgt.s32 s0, $0x0  }
.Ltmp86:
0x399: {  	_ = 	snop;
	(pc) =	sbr.rel @!p0 .LBB2_80-.Ltmp86, $2  }
0x39a: {  	_ =	sdelay $0x2  }
0x39b: {  	s3 =	simm.s32 $0x8780  }
0x39c: {  	p0 =	seq.s32 s0, $0x1  }
.Ltmp87:
0x39d: {  	_ = 	snop;
	(pc) =	sbr.rel @p0 .LBB2_80-.Ltmp87, $4  }
0x39e: {  	s4 =	sshrl.u32 s15, $0x3  }
0x39f: {  	s4 =	sadd.s32 s4, s10  }
0x3a0: {  	[tilespmem:s3], [sflag:$0x1] =	stream.strided.gather [hbm4b:s4+s17], $0x800, s18, s17, $0x38;
	[tilespmem:$0x18780] =	vst v63  }
0x3a1: {  	s13 =	sadd.s32 $0x4000, s15;
	s4 =	sadd.s32 $0xFFFFFFFF, s0  }
.LBB2_131:
0x3a2: {  	s14 =	sshrl.u32 s13, $0x3;
	p0 =	seq.s32 s4, $0x1;
	s4 =	sadd.s32 $0xFFFFFFFF, s4  }
.Ltmp88:
0x3a3: {  	s3 =	sadd.s32 $0x800, s3;
	s14 =	sadd.s32 s14, s10;
	(pc) =	sbr.rel @!p0 .LBB2_131-.Ltmp88, $3  }
0x3a4: {  	[tilespmem:s3], [sflag:$0x1] =	stream.strided.gather [hbm4b:s14+s17], $0x800, s18, s17, $0x38;
	[tilespmem:$0x18780] =	vst v63  }
0x3a5: {  	_ =	sdelay $0x1  }
0x3a6: {  	s13 =	sadd.s32 $0x4000, s13  }
.LBB2_80:
0x3a7: {  	p0 =	slt.s32 s1, $0x1  }
.Ltmp89:
0x3a8: {  	_ = 	snop;
	(pc) =	sbr.rel @p0 .LBB2_85-.Ltmp89, $1  }
0x3a9: {  	_ =	sdelay $0x3  }
0x3aa: {  	s3 =	sadd.s32 $0x80, s29;
	s4 =	simm.s32 $0x0;
	s13 =	simm.s32 $0x0  }
.LBB2_82:
0x3ab: {  	_ =	swait.ge [sflag:s20], $0x800  }
0x3ac: {  	[sflag:s20] =	ssyncset.done $0x0  }
0x3ad: {  	s16 =	sshra.s32 s4, $0x2;
	[sflag:s20] =	ssyncadd.s32 $0xFFFFF800  }
0x3ae: {  	v1 =	vld [tilespmem:s16+$0x107F0]  }
0x3af: {  	v2 =	vld [tilespmem:s16+$0x10780]  }
0x3b0: {  	v3 =	vld [tilespmem:s16+$0x10790]  }
0x3b1: {  	v4 =	vld [tilespmem:s16+$0x107A0]  }
0x3b2: {  	v5 =	vld [tilespmem:s16+$0x107B0]  }
0x3b3: {  	v6 =	vld [tilespmem:s16+$0x107C0]  }
0x3b4: {  	s14 =	sadd.s32 s16, s3;
	v7 =	vld [tilespmem:s16+$0x107D0]  }
0x3b5: {  	[tilespmem:s14+$0x70] =	vst.add.f32.msk $0xffff, v1  }
0x3b6: {  	v1 =	vld [tilespmem:s16+$0x107E0]  }
0x3b7: {  	[tilespmem:s14+$0x0] =	vst.add.f32.msk $0xffff, v2  }
0x3b8: {  	[tilespmem:s14+$0x10] =	vst.add.f32.msk $0xffff, v3  }
0x3b9: {  	[tilespmem:s14+$0x20] =	vst.add.f32.msk $0xffff, v4  }
0x3ba: {  	[tilespmem:s14+$0x30] =	vst.add.f32.msk $0xffff, v5  }
0x3bb: {  	[tilespmem:s14+$0x40] =	vst.add.f32.msk $0xffff, v6  }
0x3bc: {  	s22 =	sadd.s32 $0x200, s4;
	s16 =	simm.s32 $0x0;
	[tilespmem:s14+$0x50] =	vst.add.f32.msk $0xffff, v7  }
.LBB2_83:
0x3bd: {  	s23 =	sshra.s32 s22, $0x2;
	s16 =	sadd.s32 $0x80, s16;
	[tilespmem:s14+$0x60] =	vst.add.f32.msk $0xffff, v1  }
0x3be: {  	v1 =	vld [tilespmem:s23+$0x107F0];
	p0 =	slt.u32 s16, $0x780  }
0x3bf: {  	v2 =	vld [tilespmem:s23+$0x10780]  }
0x3c0: {  	v3 =	vld [tilespmem:s23+$0x10790]  }
0x3c1: {  	v4 =	vld [tilespmem:s23+$0x107A0]  }
0x3c2: {  	s14 =	sadd.s32 s23, s3;
	v5 =	vld [tilespmem:s23+$0x107B0]  }
0x3c3: {  	[tilespmem:s14+$0x70] =	vst.add.f32.msk $0xffff, v1  }
0x3c4: {  	v6 =	vld [tilespmem:s23+$0x107C0]  }
0x3c5: {  	v7 =	vld [tilespmem:s23+$0x107D0]  }
0x3c6: {  	v1 =	vld [tilespmem:s23+$0x107E0]  }
0x3c7: {  	[tilespmem:s14+$0x0] =	vst.add.f32.msk $0xffff, v2  }
.Ltmp90:
0x3c8: {  	[tilespmem:s14+$0x10] =	vst.add.f32.msk $0xffff, v3;
	(pc) =	sbr.rel @p0 .LBB2_83-.Ltmp90, $4  }
0x3c9: {  	[tilespmem:s14+$0x20] =	vst.add.f32.msk $0xffff, v4  }
0x3ca: {  	[tilespmem:s14+$0x30] =	vst.add.f32.msk $0xffff, v5  }
0x3cb: {  	[tilespmem:s14+$0x40] =	vst.add.f32.msk $0xffff, v6  }
0x3cc: {  	s22 =	sadd.s32 $0x200, s22;
	[tilespmem:s14+$0x50] =	vst.add.f32.msk $0xffff, v7  }
0x3cd: {  	s13 =	sadd.s32 $0x1, s13  }
0x3ce: {  	p0 =	seq.s32 s13, s1  }
.Ltmp91:
0x3cf: {  	_ = 	snop;
	(pc) =	sbr.rel @!p0 .LBB2_82-.Ltmp91, $2  }
0x3d0: {  	_ =	sdelay $0x2  }
0x3d1: {  	[tilespmem:s14+$0x60] =	vst.add.f32.msk $0xffff, v1;
	s4 =	sadd.s32 $0x2000, s4  }
.LBB2_85:
0x3d2: {  	s1 =	ssub.s32 $0x87FF, s24  }
0x3d3: {  	s3 =	sshra.s32 s1, $0x1F  }
0x3d4: {  	s4 =	sshrl.u32 s3, $0x15  }
0x3d5: {  	s1 =	sadd.s32 s4, s1  }
0x3d6: {  	s1 =	sshra.s32 s1, $0xB  }
0x3d7: {  	s1 =	sadd.s32 s3, s1  }
0x3d8: {  	p0 =	sgt.s32 s1, $0x0  }
.Ltmp92:
0x3d9: {  	_ = 	snop;
	(pc) =	sbr.rel @!p0 .LBB2_86-.Ltmp92, $2  }
0x3da: {  	_ =	sdelay $0x2  }
0x3db: {  	s3 =	simm.s32 $0x10780  }
0x3dc: {  	p0 =	seq.s32 s1, $0x1  }
.Ltmp93:
0x3dd: {  	_ = 	snop;
	(pc) =	sbr.rel @p0 .LBB2_86-.Ltmp93, $4  }
0x3de: {  	s4 =	sshrl.u32 s15, $0x3  }
0x3df: {  	s4 =	sadd.s32 s4, s11  }
0x3e0: {  	[tilespmem:s3], [sflag:$0x2] =	stream.strided.gather [hbm4b:s4+s17], $0x800, s18, s17, $0x38;
	[tilespmem:$0x18780] =	vst v63  }
0x3e1: {  	s13 =	sadd.s32 $0x4000, s15;
	s4 =	sadd.s32 $0xFFFFFFFF, s1  }
.LBB2_133:
0x3e2: {  	s14 =	sshrl.u32 s13, $0x3;
	p0 =	seq.s32 s4, $0x1;
	s4 =	sadd.s32 $0xFFFFFFFF, s4  }
.Ltmp94:
0x3e3: {  	s3 =	sadd.s32 $0x800, s3;
	s14 =	sadd.s32 s14, s11;
	(pc) =	sbr.rel @!p0 .LBB2_133-.Ltmp94, $3  }
0x3e4: {  	[tilespmem:s3], [sflag:$0x2] =	stream.strided.gather [hbm4b:s14+s17], $0x800, s18, s17, $0x38;
	[tilespmem:$0x18780] =	vst v63  }
0x3e5: {  	_ =	sdelay $0x1  }
0x3e6: {  	s13 =	sadd.s32 $0x4000, s13  }
.LBB2_86:
0x3e7: {  	p0 =	slt.s32 s0, $0x1  }
.Ltmp95:
0x3e8: {  	_ = 	snop;
	(pc) =	sbr.rel @p0 .LBB2_91-.Ltmp95, $1  }
0x3e9: {  	_ =	sdelay $0x3  }
0x3ea: {  	s3 =	sadd.s32 $0x80, s28;
	s4 =	simm.s32 $0x0;
	s13 =	simm.s32 $0x0  }
.LBB2_88:
0x3eb: {  	_ =	swait.ge [sflag:s19], $0x800  }
0x3ec: {  	[sflag:s19] =	ssyncset.done $0x0  }
0x3ed: {  	s16 =	sshra.s32 s4, $0x2;
	[sflag:s19] =	ssyncadd.s32 $0xFFFFF800  }
0x3ee: {  	v1 =	vld [tilespmem:s16+$0x87F0]  }
0x3ef: {  	v2 =	vld [tilespmem:s16+$0x8780]  }
0x3f0: {  	v3 =	vld [tilespmem:s16+$0x8790]  }
0x3f1: {  	v4 =	vld [tilespmem:s16+$0x87A0]  }
0x3f2: {  	v5 =	vld [tilespmem:s16+$0x87B0]  }
0x3f3: {  	v6 =	vld [tilespmem:s16+$0x87C0]  }
0x3f4: {  	s14 =	sadd.s32 s16, s3;
	v7 =	vld [tilespmem:s16+$0x87D0]  }
0x3f5: {  	[tilespmem:s14+$0x70] =	vst.add.f32.msk $0xffff, v1  }
0x3f6: {  	v1 =	vld [tilespmem:s16+$0x87E0]  }
0x3f7: {  	[tilespmem:s14+$0x0] =	vst.add.f32.msk $0xffff, v2  }
0x3f8: {  	[tilespmem:s14+$0x10] =	vst.add.f32.msk $0xffff, v3  }
0x3f9: {  	[tilespmem:s14+$0x20] =	vst.add.f32.msk $0xffff, v4  }
0x3fa: {  	[tilespmem:s14+$0x30] =	vst.add.f32.msk $0xffff, v5  }
0x3fb: {  	[tilespmem:s14+$0x40] =	vst.add.f32.msk $0xffff, v6  }
0x3fc: {  	s22 =	sadd.s32 $0x200, s4;
	s16 =	simm.s32 $0x0;
	[tilespmem:s14+$0x50] =	vst.add.f32.msk $0xffff, v7  }
.LBB2_89:
0x3fd: {  	s23 =	sshra.s32 s22, $0x2;
	s16 =	sadd.s32 $0x80, s16;
	[tilespmem:s14+$0x60] =	vst.add.f32.msk $0xffff, v1  }
0x3fe: {  	v1 =	vld [tilespmem:s23+$0x87F0];
	p0 =	slt.u32 s16, $0x780  }
0x3ff: {  	v2 =	vld [tilespmem:s23+$0x8780]  }
0x400: {  	v3 =	vld [tilespmem:s23+$0x8790]  }
0x401: {  	v4 =	vld [tilespmem:s23+$0x87A0]  }
0x402: {  	s14 =	sadd.s32 s23, s3;
	v5 =	vld [tilespmem:s23+$0x87B0]  }
0x403: {  	[tilespmem:s14+$0x70] =	vst.add.f32.msk $0xffff, v1  }
0x404: {  	v6 =	vld [tilespmem:s23+$0x87C0]  }
0x405: {  	v7 =	vld [tilespmem:s23+$0x87D0]  }
0x406: {  	v1 =	vld [tilespmem:s23+$0x87E0]  }
0x407: {  	[tilespmem:s14+$0x0] =	vst.add.f32.msk $0xffff, v2  }
.Ltmp96:
0x408: {  	[tilespmem:s14+$0x10] =	vst.add.f32.msk $0xffff, v3;
	(pc) =	sbr.rel @p0 .LBB2_89-.Ltmp96, $4  }
0x409: {  	[tilespmem:s14+$0x20] =	vst.add.f32.msk $0xffff, v4  }
0x40a: {  	[tilespmem:s14+$0x30] =	vst.add.f32.msk $0xffff, v5  }
0x40b: {  	[tilespmem:s14+$0x40] =	vst.add.f32.msk $0xffff, v6  }
0x40c: {  	s22 =	sadd.s32 $0x200, s22;
	[tilespmem:s14+$0x50] =	vst.add.f32.msk $0xffff, v7  }
0x40d: {  	s13 =	sadd.s32 $0x1, s13  }
0x40e: {  	p0 =	seq.s32 s13, s0  }
.Ltmp97:
0x40f: {  	_ = 	snop;
	(pc) =	sbr.rel @!p0 .LBB2_88-.Ltmp97, $2  }
0x410: {  	_ =	sdelay $0x2  }
0x411: {  	[tilespmem:s14+$0x60] =	vst.add.f32.msk $0xffff, v1;
	s4 =	sadd.s32 $0x2000, s4  }
.LBB2_91:
0x412: {  	p0 =	slt.s32 s1, $0x1  }
.Ltmp98:
0x413: {  	_ = 	snop;
	(pc) =	sbr.rel @p0 .LBB2_96-.Ltmp98, $1  }
0x414: {  	_ =	sdelay $0x3  }
0x415: {  	s0 =	sadd.s32 $0x80, s24;
	s3 =	simm.s32 $0x0;
	s4 =	simm.s32 $0x0  }
.LBB2_93:
0x416: {  	_ =	swait.ge [sflag:s20], $0x800  }
0x417: {  	[sflag:s20] =	ssyncset.done $0x0  }
0x418: {  	s14 =	sshra.s32 s3, $0x2;
	[sflag:s20] =	ssyncadd.s32 $0xFFFFF800  }
0x419: {  	v1 =	vld [tilespmem:s14+$0x107F0]  }
0x41a: {  	v2 =	vld [tilespmem:s14+$0x10780]  }
0x41b: {  	v3 =	vld [tilespmem:s14+$0x10790]  }
0x41c: {  	v4 =	vld [tilespmem:s14+$0x107A0]  }
0x41d: {  	v5 =	vld [tilespmem:s14+$0x107B0]  }
0x41e: {  	v6 =	vld [tilespmem:s14+$0x107C0]  }
0x41f: {  	s13 =	sadd.s32 s14, s0;
	v7 =	vld [tilespmem:s14+$0x107D0]  }
0x420: {  	[tilespmem:s13+$0x70] =	vst.add.f32.msk $0xffff, v1  }
0x421: {  	v1 =	vld [tilespmem:s14+$0x107E0]  }
0x422: {  	[tilespmem:s13+$0x0] =	vst.add.f32.msk $0xffff, v2  }
0x423: {  	[tilespmem:s13+$0x10] =	vst.add.f32.msk $0xffff, v3  }
0x424: {  	[tilespmem:s13+$0x20] =	vst.add.f32.msk $0xffff, v4  }
0x425: {  	[tilespmem:s13+$0x30] =	vst.add.f32.msk $0xffff, v5  }
0x426: {  	[tilespmem:s13+$0x40] =	vst.add.f32.msk $0xffff, v6  }
0x427: {  	s16 =	sadd.s32 $0x200, s3;
	s14 =	simm.s32 $0x0;
	[tilespmem:s13+$0x50] =	vst.add.f32.msk $0xffff, v7  }
.LBB2_94:
0x428: {  	s22 =	sshra.s32 s16, $0x2;
	s14 =	sadd.s32 $0x80, s14;
	[tilespmem:s13+$0x60] =	vst.add.f32.msk $0xffff, v1  }
0x429: {  	v1 =	vld [tilespmem:s22+$0x107F0];
	p0 =	slt.u32 s14, $0x780  }
0x42a: {  	v2 =	vld [tilespmem:s22+$0x10780]  }
0x42b: {  	v3 =	vld [tilespmem:s22+$0x10790]  }
0x42c: {  	v4 =	vld [tilespmem:s22+$0x107A0]  }
0x42d: {  	s13 =	sadd.s32 s22, s0;
	v5 =	vld [tilespmem:s22+$0x107B0]  }
0x42e: {  	[tilespmem:s13+$0x70] =	vst.add.f32.msk $0xffff, v1  }
0x42f: {  	v6 =	vld [tilespmem:s22+$0x107C0]  }
0x430: {  	v7 =	vld [tilespmem:s22+$0x107D0]  }
0x431: {  	v1 =	vld [tilespmem:s22+$0x107E0]  }
0x432: {  	[tilespmem:s13+$0x0] =	vst.add.f32.msk $0xffff, v2  }
.Ltmp99:
0x433: {  	[tilespmem:s13+$0x10] =	vst.add.f32.msk $0xffff, v3;
	(pc) =	sbr.rel @p0 .LBB2_94-.Ltmp99, $4  }
0x434: {  	[tilespmem:s13+$0x20] =	vst.add.f32.msk $0xffff, v4  }
0x435: {  	[tilespmem:s13+$0x30] =	vst.add.f32.msk $0xffff, v5  }
0x436: {  	[tilespmem:s13+$0x40] =	vst.add.f32.msk $0xffff, v6  }
0x437: {  	s16 =	sadd.s32 $0x200, s16;
	[tilespmem:s13+$0x50] =	vst.add.f32.msk $0xffff, v7  }
0x438: {  	s4 =	sadd.s32 $0x1, s4  }
0x439: {  	p0 =	sne.s32 s4, s1  }
.Ltmp100:
0x43a: {  	_ = 	snop;
	(pc) =	sbr.rel @p0 .LBB2_93-.Ltmp100, $4  }
.Ltmp101:
0x43b: {  	_ = 	snop;
	(pc) =	sbr.rel @!p0 .LBB2_96-.Ltmp101, $4  }
0x43c: {  	_ = 	snop  }
0x43d: {  	_ = 	snop  }
0x43e: {  	[tilespmem:s13+$0x60] =	vst.add.f32.msk $0xffff, v1;
	s3 =	sadd.s32 $0x2000, s3  }
0x43f: {  	_ = 	snop  }
.LBB2_97:
0x440: {  	_ =	sfence.sel $0x180000  }
0x441: {  	[bflag:$0x0] =	sbarrier.arrive $0xFFFF  }
0x442: {  	_ =	strace $0x90000047  }
0x443: {  	s0 =	stileid.u32;
	[bflag:$0x2] =	sbarrier.arrive $0xFFFF  }
0x444: {  	p0 =	sne.s32 s0, $0x0;
	s0 =	rddreg [dreg:$0x3]  }
0x445: {  	s0 =	sadd.s32 @!p0 $0x100000, s0  }
0x446: {  	[sflag:s0] =	ssyncadd.tile.s32 @!p0 $0x1;
	_ =	shalt  }
.Lfunc_end2:
_tile_overlayer_lowered:
.L_overlay_start_2:
0x447: {  	(tag) =	ssettag $0x2  }
0x448: {  	s0 =	rddreg [dreg:$0x0];
	s2 =	stileid.u32  }
0x449: {  	s1 =	rddreg [dreg:$0x1];
	p0 =	sne.s32 s2, $0x0  }
0x44a: {  	s3 =	rddreg [dreg:$0x2];
	[bflag:$0x3] =	sbarrier.arrive $0xFFFF;
	s2 =	simm.s32 @!p0 $0x1C03  }
0x44b: {  	[timem:s3], [sflag:s2] =	dma.local @!p0 [hbm:s0], s1  }
0x44c: {  	s0 =	simm.s32 @!p0 $0x3  }
0x44d: {  	_ =	swait.ge @!p0 [sflag:s0], s1  }
0x44e: {  	s1 =	ssub.s32 @!p0 $0x0, s1;
	[sflag:s0] =	ssyncset.done @!p0 $0x0  }
0x44f: {  	[sflag:s0] =	ssyncadd.s32 @!p0 s1  }
0x450: {  	[bflag:$0x3] =	sbarrier.arrive $0xFFFF  }
0x451: {  	_ =	shalt  }

</sc_bundles>
